<compile_context>
chip_gen: v7x
topology: tpu7x:2x2x1
jax: 0.10.2.dev20260603
libtpu: 0.0.44.dev20260713+nightly
codegen_flags: <defaults>
</compile_context>

<pallas_src>
import functools

import jax
import jax.numpy as jnp
from jax import lax
from jax.experimental import pallas as pl
from jax.experimental.pallas import tpu as pltpu
from jax.experimental.pallas import tpu_sc as plsc

_N = 10000
_E = 320000
_DIN = 128
_DHID = 128
_DOUT = 64

_NC = 2
_NS = 16
_NW = _NC * _NS
_K = 128
_NCH = _E // _K
_CPW = _NCH // _NW
_TW0 = _NW - (_NCH - _NW * _CPW)
_P0 = 40
_P1 = _CPW - _P0
_RPT = 640
_NPAD = _NS * _RPT
_DRPT = 640
_DPAD = _NS * _DRPT

_BLK = 1000


def _sc_mesh():
    return plsc.VectorSubcoreMesh(core_axis_name="c", subcore_axis_name="s")


@functools.partial(
    pl.kernel,
    out_type=jax.ShapeDtypeStruct((_NC, _DPAD), jnp.float32),
    mesh=_sc_mesh(),
    scratch_types=[
        pltpu.VMEM_SHARED((_DPAD,), jnp.float32),
        pltpu.VMEM((_CPW, _K), jnp.int32),
        pltpu.VMEM((128,), jnp.float32),
    ],
)
def _deg_sc(dst_hbm, dstt_hbm, deg_hbm, deg_sp, idx_v, buf_v):
    c = lax.axis_index("c")
    s = lax.axis_index("s")
    w = c * _NS + s
    pltpu.sync_copy(dst_hbm.at[w], idx_v)

    def _fill(val):
        def body(j, carry):
            buf_v[pl.ds(j * 16, 16)] = jnp.full((16,), val, jnp.float32)
            return carry
        lax.fori_loop(0, 8, body, 0)

    _fill(0.0)
    base = s * _DRPT
    for t in range(_DRPT // 128):
        pltpu.sync_copy(buf_v, deg_sp.at[pl.ds(base + t * 128, 128)])
    _fill(1.0)
    plsc.subcore_barrier()

    def chunk(j, carry):
        pltpu.sync_copy(buf_v.at[pl.ds(0, _K)], deg_sp.at[idx_v.at[j]], add=True)
        return carry

    lax.fori_loop(0, _CPW, chunk, 0)

    @pl.when(w >= _TW0)
    def _tail():
        pltpu.sync_copy(dstt_hbm.at[w - _TW0], idx_v.at[pl.ds(0, 1)])
        pltpu.sync_copy(buf_v, deg_sp.at[idx_v.at[0]], add=True)

    plsc.subcore_barrier()
    pltpu.sync_copy(deg_sp.at[pl.ds(base, _DRPT)], deg_hbm.at[c, pl.ds(base, _DRPT)])


def _make_agg(d_feat):
    @functools.partial(
        pl.kernel,
        out_type=jax.ShapeDtypeStruct((_NC, _NPAD, d_feat), jnp.float32),
        mesh=_sc_mesh(),
        scratch_types=[
            pltpu.VMEM_SHARED((_NPAD, d_feat), jnp.float32),
            pltpu.VMEM((_P0, _K), jnp.int32),
            pltpu.VMEM((_P0, _K), jnp.int32),
            pltpu.VMEM((_K, d_feat), jnp.float32),
            pltpu.VMEM((_K, d_feat), jnp.float32),
            pltpu.SemaphoreType.DMA,
            pltpu.SemaphoreType.DMA,
        ],
    )
    def agg(y_hbm, src_hbm, dst_hbm, srct_hbm, dstt_hbm, acc_hbm,
            acc_sp, src_v, dst_v, buf0, buf1, sem0, sem1):
        c = lax.axis_index("c")
        s = lax.axis_index("s")
        w = c * _NS + s

        def drain0():
            pltpu.make_async_copy(y_hbm.at[pl.ds(0, _K)], buf0, sem0).wait()

        pltpu.sync_copy(src_hbm.at[w, pl.ds(0, _P0)], src_v)
        pltpu.sync_copy(dst_hbm.at[w, pl.ds(0, _P0)], dst_v)
        pltpu.async_copy(y_hbm.at[src_v.at[0]], buf0, sem0)

        def zrow(i, carry):
            def zcol(j, inner):
                buf1[i, pl.ds(j * 16, 16)] = jnp.zeros((16,), jnp.float32)
                return inner
            return lax.fori_loop(0, d_feat // 16, zcol, carry)

        lax.fori_loop(0, _K, zrow, 0)
        base = s * _RPT
        for t in range(_RPT // _K):
            pltpu.sync_copy(buf1, acc_sp.at[pl.ds(base + t * _K, _K)])
        plsc.subcore_barrier()

        def pair(i, carry):
            g = 2 * i
            drain0()
            d1 = pltpu.async_copy(y_hbm.at[src_v.at[g + 1]], buf1, sem1)
            pltpu.sync_copy(buf0, acc_sp.at[dst_v.at[g]], add=True)
            d1.wait()
            pltpu.async_copy(y_hbm.at[src_v.at[g + 2]], buf0, sem0)
            pltpu.sync_copy(buf1, acc_sp.at[dst_v.at[g + 1]], add=True)
            return carry

        lax.fori_loop(0, (_P0 - 2) // 2, pair, 0)
        drain0()
        dl = pltpu.async_copy(y_hbm.at[src_v.at[_P0 - 1]], buf1, sem1)
        pltpu.sync_copy(buf0, acc_sp.at[dst_v.at[_P0 - 2]], add=True)
        dl.wait()
        pltpu.sync_copy(src_hbm.at[w, pl.ds(_P0, _P1)],
                        src_v.at[pl.ds(0, _P1)])
        pltpu.sync_copy(buf1, acc_sp.at[dst_v.at[_P0 - 1]], add=True)
        pltpu.sync_copy(dst_hbm.at[w, pl.ds(_P0, _P1)],
                        dst_v.at[pl.ds(0, _P1)])
        pltpu.async_copy(y_hbm.at[src_v.at[0]], buf0, sem0)

        lax.fori_loop(0, (_P1 - 2) // 2, pair, 0)
        drain0()
        dl = pltpu.async_copy(y_hbm.at[src_v.at[_P1 - 1]], buf1, sem1)
        pltpu.sync_copy(buf0, acc_sp.at[dst_v.at[_P1 - 2]], add=True)
        dl.wait()
        pltpu.sync_copy(buf1, acc_sp.at[dst_v.at[_P1 - 1]], add=True)

        @pl.when(w >= _TW0)
        def _tail():
            t = w - _TW0
            pltpu.sync_copy(srct_hbm.at[t], src_v.at[pl.ds(0, 1)])
            pltpu.sync_copy(dstt_hbm.at[t], dst_v.at[pl.ds(0, 1)])
            pltpu.sync_copy(y_hbm.at[src_v.at[0]], buf0)
            pltpu.sync_copy(buf0, acc_sp.at[dst_v.at[0]], add=True)

        plsc.subcore_barrier()

        pltpu.sync_copy(acc_sp.at[pl.ds(base, _RPT)],
                        acc_hbm.at[c, pl.ds(base, _RPT)])

    return agg


_agg_hid = _make_agg(_DHID)


def _dinv_from(dt_blk):
    return lax.rsqrt(dt_blk[:, 0:1] + dt_blk[:, 1:2] + 1.0)


def _tc1_body(x_ref, w_ref, dt_ref, y_ref):
    dinv = _dinv_from(dt_ref[...])
    y_ref[...] = jnp.dot(x_ref[...], w_ref[...],
                         preferred_element_type=jnp.float32) * dinv


def _tc1(x, w1, deg_t):
    return pl.pallas_call(
        _tc1_body,
        grid=(_N // _BLK,),
        in_specs=[
            pl.BlockSpec((_BLK, _DIN), lambda r: (r, 0)),
            pl.BlockSpec((_DIN, _DHID), lambda r: (0, 0)),
            pl.BlockSpec((_BLK, 2), lambda r: (r, 0)),
        ],
        out_specs=pl.BlockSpec((_BLK, _DHID), lambda r: (r, 0)),
        out_shape=jax.ShapeDtypeStruct((_N, _DHID), jnp.float32),
    )(x, w1, deg_t)


def _tc2_body(ap_ref, aq_ref, y1_ref, dt_ref, b1_ref, yh_ref):
    dinv = _dinv_from(dt_ref[...])
    h = (ap_ref[0] + aq_ref[0] + y1_ref[...]) * dinv + b1_ref[...]
    h = jnp.maximum(h, 0.0)
    yh_ref[...] = h * dinv


def _tc2(acc1, y1, deg_t, b1):
    return pl.pallas_call(
        _tc2_body,
        grid=(_N // _BLK,),
        in_specs=[
            pl.BlockSpec((1, _BLK, _DHID), lambda r: (0, r, 0)),
            pl.BlockSpec((1, _BLK, _DHID), lambda r: (1, r, 0)),
            pl.BlockSpec((_BLK, _DHID), lambda r: (r, 0)),
            pl.BlockSpec((_BLK, 2), lambda r: (r, 0)),
            pl.BlockSpec((1, _DHID), lambda r: (0, 0)),
        ],
        out_specs=pl.BlockSpec((_BLK, _DHID), lambda r: (r, 0)),
        out_shape=jax.ShapeDtypeStruct((_N, _DHID), jnp.float32),
    )(acc1, acc1, y1, deg_t, b1)


def _tc3_body(ap_ref, aq_ref, yh_ref, dt_ref, b2_ref, w2_ref, o_ref):
    dinv = _dinv_from(dt_ref[...])
    z = (ap_ref[0] + aq_ref[0] + yh_ref[...]) * dinv
    o = jnp.dot(z, w2_ref[...], preferred_element_type=jnp.float32) + b2_ref[...]
    m = jnp.max(o, axis=1, keepdims=True)
    lse = jnp.log(jnp.sum(jnp.exp(o - m), axis=1, keepdims=True)) + m
    o_ref[...] = o - lse


def _tc3(acc2, yh, deg_t, b2, w2):
    return pl.pallas_call(
        _tc3_body,
        grid=(_N // _BLK,),
        in_specs=[
            pl.BlockSpec((1, _BLK, _DHID), lambda r: (0, r, 0)),
            pl.BlockSpec((1, _BLK, _DHID), lambda r: (1, r, 0)),
            pl.BlockSpec((_BLK, _DHID), lambda r: (r, 0)),
            pl.BlockSpec((_BLK, 2), lambda r: (r, 0)),
            pl.BlockSpec((1, _DOUT), lambda r: (0, 0)),
            pl.BlockSpec((_DHID, _DOUT), lambda r: (0, 0)),
        ],
        out_specs=pl.BlockSpec((_BLK, _DOUT), lambda r: (r, 0)),
        out_shape=jax.ShapeDtypeStruct((_N, _DOUT), jnp.float32),
    )(acc2, acc2, yh, deg_t, b2, w2)


def kernel(x, edge_index, W1, b1, W2, b2):
    e0 = edge_index[0].astype(jnp.int32)
    e1 = edge_index[1].astype(jnp.int32)
    nmain = _NW * _CPW * _K
    src = e0[:nmain].reshape(_NW, _CPW, _K)
    dst = e1[:nmain].reshape(_NW, _CPW, _K)
    srct = e0[nmain:].reshape(_NCH - _NW * _CPW, 1, _K)
    dstt = e1[nmain:].reshape(_NCH - _NW * _CPW, 1, _K)
    deg2 = _deg_sc(dst, dstt)
    deg_t = deg2[:, :_N].T
    y1 = _tc1(x, W1, deg_t)
    acc1 = _agg_hid(y1, src, dst, srct, dstt)
    yh = _tc2(acc1, y1, deg_t, b1.reshape(1, _DHID))
    acc2 = _agg_hid(yh, src, dst, srct, dstt)
    return _tc3(acc2, yh, deg_t, b2.reshape(1, _DOUT), W2)

# --- scband reference (transcript-rebuilt; emitter-appended) ---
"""Pipeline reference for scband-gcn-22832046146280 (READ-ONLY COPY).

The authoritative reference and input builder live on the scoring server;
editing this copy changes nothing except your own understanding.
"""

import jax, jax.numpy as jnp
import numpy as np

NUM_NODES = 10000
NUM_EDGES = 320000
D_IN = 128
D_HID = 128
D_OUT = 64


def setup_inputs(seed: int = 0) -> dict:
    key = jax.random.key(seed)
    k1, k2, k3, k4, k5, k6 = jax.random.split(key, 6)
    x = jax.random.normal(k1, (NUM_NODES, D_IN), dtype=jnp.float32)
    edge_index = jax.random.randint(k2, (2, NUM_EDGES), 0, NUM_NODES, dtype=jnp.int64)
    # GCNConv parameters (glorot-style init for weights, zeros for bias)
    W1 = jax.random.normal(k3, (D_IN, D_HID), dtype=jnp.float32) * (1.0 / np.sqrt(D_IN))
    b1 = jnp.zeros((D_HID,), dtype=jnp.float32)
    W2 = jax.random.normal(k4, (D_HID, D_OUT), dtype=jnp.float32) * (1.0 / np.sqrt(D_HID))
    b2 = jnp.zeros((D_OUT,), dtype=jnp.float32)
    return {"x": x, "edge_index": edge_index, "W1": W1, "b1": b1, "W2": W2, "b2": b2}


def _gcn_conv(x, edge_index, W, b, num_nodes):
    # GCNConv: out = D^{-1/2} (A + I) D^{-1/2} (x W) + b
    src = edge_index[0]
    dst = edge_index[1]
    loop = jnp.arange(num_nodes, dtype=src.dtype)
    src = jnp.concatenate([src, loop], axis=0)
    dst = jnp.concatenate([dst, loop], axis=0)
    ones = jnp.ones(dst.shape[0], dtype=x.dtype)
    deg = jax.ops.segment_sum(ones, dst, num_segments=num_nodes)
    deg_inv_sqrt = jnp.where(deg > 0, jax.lax.rsqrt(jnp.maximum(deg, 1e-12)), 0.0)
    norm = deg_inv_sqrt[src] * deg_inv_sqrt[dst]
    xw = x @ W
    msg = xw[src] * norm[:, None]
    out = jax.ops.segment_sum(msg, dst, num_segments=num_nodes)
    return out + b


def reference(x, edge_index, W1, b1, W2, b2):
    h = _gcn_conv(x, edge_index, W1, b1, NUM_NODES)
    h = jax.nn.relu(h)
    # dropout(p=0.6) is identity in eval/inference mode
    h = _gcn_conv(h, edge_index, W2, b2, NUM_NODES)
    return jax.nn.log_softmax(h, axis=1)

if __name__ == "__main__":
    import jax
    _d = setup_inputs()
    print(jax.jit(kernel)(*tuple(_d.values())))

</pallas_src>

<mosaic_0001>
#map = affine_map<(d0, d1) -> (0, 0)>
#map1 = affine_map<(d0, d1) -> (0, 0, 0)>
module attributes {stable_mosaic.version = 14 : i64} {
  func.func @agg(%arg0: i32, %arg1: i32, %arg2: memref<10000x128xf32, #tpu.memory_space<hbm>>, %arg3: memref<32x78x128xi32, #tpu.memory_space<hbm>>, %arg4: memref<32x78x128xi32, #tpu.memory_space<hbm>>, %arg5: memref<4x1x128xi32, #tpu.memory_space<hbm>>, %arg6: memref<4x1x128xi32, #tpu.memory_space<hbm>>, %arg7: memref<2x10240x128xf32, #tpu.memory_space<hbm>>, %arg8: memref<10240x128xf32, #tpu.memory_space<vmem_shared>>, %arg9: memref<40x128xi32, #tpu.memory_space<vmem>>, %arg10: memref<40x128xi32, #tpu.memory_space<vmem>>, %arg11: memref<128x128xf32, #tpu.memory_space<vmem>>, %arg12: memref<128x128xf32, #tpu.memory_space<vmem>>, %arg13: memref<!tpu.dma_semaphore, #tpu.memory_space<semaphore_mem>>, %arg14: memref<!tpu.dma_semaphore, #tpu.memory_space<semaphore_mem>>) attributes {dimension_semantics = [#tpu.dimension_semantics<core_parallel>, #tpu.dimension_semantics<subcore_parallel>], iteration_bounds = array<i64: 2, 16>, scalar_prefetch = 0 : i64, scratch_operands = 7 : i64, tpu.core_type = #tpu.core_type<sc_vector_subcore>, window_params = [{transform_indices = #map}, {transform_indices = #map1}, {transform_indices = #map1}, {transform_indices = #map1}, {transform_indices = #map1}, {transform_indices = #map1}]} {
    %mul3A = arith.constant 16 : i32
    %mul3A_0 = arith.muli %arg0, %mul3A : i32
    %add3A = arith.addi %mul3A_0, %arg1 : i32
    "tpu.region"() ({
      %run_scoped3A_88 = tpu.sem_alloc : memref<!tpu.dma_semaphore, #tpu.memory_space<semaphore_mem>>
      %dma_start3A_89 = arith.constant 0 : i32
      %dma_start3A_90 = arith.constant 0 : i32
      %dma_start3A_91 = tpu.memref_slice %arg3[%add3A, %dma_start3A_89, %dma_start3A_90] : memref<32x78x128xi32, #tpu.memory_space<hbm>> -> memref<1x40x128xi32, #tpu.memory_space<hbm>>
      %dma_start3A_92 = tpu.memref_squeeze %dma_start3A_91 : memref<1x40x128xi32, #tpu.memory_space<hbm>> -> memref<40x128xi32, #tpu.memory_space<hbm>>
      %dma_start3A_93 = arith.constant 0 : i32
      %dma_start3A_94 = arith.constant 0 : i32
      %dma_start3A_95 = tpu.memref_slice %arg3[%add3A, %dma_start3A_93, %dma_start3A_94] : memref<32x78x128xi32, #tpu.memory_space<hbm>> -> memref<1x40x128xi32, #tpu.memory_space<hbm>>
      %dma_start3A_96 = tpu.memref_squeeze %dma_start3A_95 : memref<1x40x128xi32, #tpu.memory_space<hbm>> -> memref<40x128xi32, #tpu.memory_space<hbm>>
      tpu.enqueue_dma source(%dma_start3A_96 : memref<40x128xi32, #tpu.memory_space<hbm>>) target(%arg9 : memref<40x128xi32, #tpu.memory_space<vmem>>) target_semaphore(%run_scoped3A_88 : memref<!tpu.dma_semaphore, #tpu.memory_space<semaphore_mem>>)
      %dma_wait3A_97 = arith.constant 0 : i32
      %dma_wait3A_98 = arith.constant 0 : i32
      %dma_wait3A_99 = tpu.memref_slice %arg3[%add3A, %dma_wait3A_97, %dma_wait3A_98] : memref<32x78x128xi32, #tpu.memory_space<hbm>> -> memref<1x40x128xi32, #tpu.memory_space<hbm>>
      %dma_wait3A_100 = tpu.memref_squeeze %dma_wait3A_99 : memref<1x40x128xi32, #tpu.memory_space<hbm>> -> memref<40x128xi32, #tpu.memory_space<hbm>>
      %dma_wait3A_101 = arith.constant 0 : i32
      %dma_wait3A_102 = arith.constant 0 : i32
      %dma_wait3A_103 = tpu.memref_slice %arg3[%add3A, %dma_wait3A_101, %dma_wait3A_102] : memref<32x78x128xi32, #tpu.memory_space<hbm>> -> memref<1x40x128xi32, #tpu.memory_space<hbm>>
      %dma_wait3A_104 = tpu.memref_squeeze %dma_wait3A_103 : memref<1x40x128xi32, #tpu.memory_space<hbm>> -> memref<40x128xi32, #tpu.memory_space<hbm>>
      tpu.wait_dma2 semaphore(%run_scoped3A_88 : memref<!tpu.dma_semaphore, #tpu.memory_space<semaphore_mem>>) src(%dma_wait3A_104 : memref<40x128xi32, #tpu.memory_space<hbm>>) dst(%arg9 : memref<40x128xi32, #tpu.memory_space<vmem>>)
      tpu.yield
    }) : () -> ()
    "tpu.region"() ({
      %run_scoped3A_88 = tpu.sem_alloc : memref<!tpu.dma_semaphore, #tpu.memory_space<semaphore_mem>>
      %dma_start3A_89 = arith.constant 0 : i32
      %dma_start3A_90 = arith.constant 0 : i32
      %dma_start3A_91 = tpu.memref_slice %arg4[%add3A, %dma_start3A_89, %dma_start3A_90] : memref<32x78x128xi32, #tpu.memory_space<hbm>> -> memref<1x40x128xi32, #tpu.memory_space<hbm>>
      %dma_start3A_92 = tpu.memref_squeeze %dma_start3A_91 : memref<1x40x128xi32, #tpu.memory_space<hbm>> -> memref<40x128xi32, #tpu.memory_space<hbm>>
      %dma_start3A_93 = arith.constant 0 : i32
      %dma_start3A_94 = arith.constant 0 : i32
      %dma_start3A_95 = tpu.memref_slice %arg4[%add3A, %dma_start3A_93, %dma_start3A_94] : memref<32x78x128xi32, #tpu.memory_space<hbm>> -> memref<1x40x128xi32, #tpu.memory_space<hbm>>
      %dma_start3A_96 = tpu.memref_squeeze %dma_start3A_95 : memref<1x40x128xi32, #tpu.memory_space<hbm>> -> memref<40x128xi32, #tpu.memory_space<hbm>>
      tpu.enqueue_dma source(%dma_start3A_96 : memref<40x128xi32, #tpu.memory_space<hbm>>) target(%arg10 : memref<40x128xi32, #tpu.memory_space<vmem>>) target_semaphore(%run_scoped3A_88 : memref<!tpu.dma_semaphore, #tpu.memory_space<semaphore_mem>>)
      %dma_wait3A_97 = arith.constant 0 : i32
      %dma_wait3A_98 = arith.constant 0 : i32
      %dma_wait3A_99 = tpu.memref_slice %arg4[%add3A, %dma_wait3A_97, %dma_wait3A_98] : memref<32x78x128xi32, #tpu.memory_space<hbm>> -> memref<1x40x128xi32, #tpu.memory_space<hbm>>
      %dma_wait3A_100 = tpu.memref_squeeze %dma_wait3A_99 : memref<1x40x128xi32, #tpu.memory_space<hbm>> -> memref<40x128xi32, #tpu.memory_space<hbm>>
      %dma_wait3A_101 = arith.constant 0 : i32
      %dma_wait3A_102 = arith.constant 0 : i32
      %dma_wait3A_103 = tpu.memref_slice %arg4[%add3A, %dma_wait3A_101, %dma_wait3A_102] : memref<32x78x128xi32, #tpu.memory_space<hbm>> -> memref<1x40x128xi32, #tpu.memory_space<hbm>>
      %dma_wait3A_104 = tpu.memref_squeeze %dma_wait3A_103 : memref<1x40x128xi32, #tpu.memory_space<hbm>> -> memref<40x128xi32, #tpu.memory_space<hbm>>
      tpu.wait_dma2 semaphore(%run_scoped3A_88 : memref<!tpu.dma_semaphore, #tpu.memory_space<semaphore_mem>>) src(%dma_wait3A_104 : memref<40x128xi32, #tpu.memory_space<hbm>>) dst(%arg10 : memref<40x128xi32, #tpu.memory_space<vmem>>)
      tpu.yield
    }) : () -> ()
    %dma_start3A = arith.constant 0 : i32
    %dma_start3A_1 = arith.constant 0 : i32
    %dma_start3A_2 = tpu.memref_slice %arg9[%dma_start3A, %dma_start3A_1] : memref<40x128xi32, #tpu.memory_space<vmem>> -> memref<1x128xi32, #tpu.memory_space<vmem>>
    %dma_start3A_3 = tpu.memref_squeeze %dma_start3A_2 : memref<1x128xi32, #tpu.memory_space<vmem>> -> memref<128xi32, #tpu.memory_space<vmem>>
    %dma_start3A_4 = arith.constant 0 : i32
    %dma_start3A_5 = arith.constant 0 : i32
    %dma_start3A_6 = tpu.memref_slice %arg2[%dma_start3A_4, %dma_start3A_5] : memref<10000x128xf32, #tpu.memory_space<hbm>> -> memref<10000x128xf32, #tpu.memory_space<hbm>>
    tpu.enqueue_indirect_dma source(%dma_start3A_6 : memref<10000x128xf32, #tpu.memory_space<hbm>>) target(%arg11 : memref<128x128xf32, #tpu.memory_space<vmem>>) offsets(%dma_start3A_3 : memref<128xi32, #tpu.memory_space<vmem>>) semaphore(%arg13 : memref<!tpu.dma_semaphore, #tpu.memory_space<semaphore_mem>>)
    %scan3A = arith.constant 0 : i32
    %scan3A_7 = arith.constant 0 : i32
    %scan3A_8 = arith.constant 128 : i32
    %scan3A_9 = arith.addi %scan3A_7, %scan3A_8 : i32
    %scan3A_10 = arith.constant 1 : i32
    scf.for %scan3A_88 = %scan3A_7 to %scan3A_9 step %scan3A_10  : i32 {
      %scan3A_89 = arith.constant 0 : i32
      %scan3A_90 = arith.constant 8 : i32
      %scan3A_91 = arith.addi %scan3A_89, %scan3A_90 : i32
      %scan3A_92 = arith.constant 1 : i32
      scf.for %scan3A_94 = %scan3A_89 to %scan3A_91 step %scan3A_92  : i32 {
        %broadcast_in_dim3A = arith.constant 0.000000e+00 : f32
        %broadcast_in_dim3A_95 = vector.broadcast %broadcast_in_dim3A : f32 to vector<16xf32>
        %mul3A_96 = arith.constant 16 : i32
        %mul3A_97 = arith.muli %scan3A_94, %mul3A_96 : i32
        %swap3A = arith.index_cast %scan3A_88 : i32 to index
        %swap3A_98 = arith.index_cast %mul3A_97 : i32 to index
        %swap3A_99 = tpu.vector_load %arg12[%swap3A, %swap3A_98] {strides = array<i32>} : memref<128x128xf32, #tpu.memory_space<vmem>>, vector<1x16xf32>,
        %swap3A_100 = vector.shape_cast %swap3A_99 : vector<1x16xf32> to vector<16xf32>
        %swap3A_101 = vector.shape_cast %broadcast_in_dim3A_95 : vector<16xf32> to vector<1x16xf32>
        tpu.vector_store %arg12[%swap3A, %swap3A_98], %swap3A_101 {strides = array<i32>} : memref<128x128xf32, #tpu.memory_space<vmem>>, vector<1x16xf32>,
      }
      %scan3A_93 = arith.constant 8 : i32
    }
    %scan3A_11 = arith.constant 128 : i32
    %mul3A_12 = arith.constant 640 : i32
    %mul3A_13 = arith.muli %arg1, %mul3A_12 : i32
    %add3A_14 = arith.constant 0 : i32
    %add3A_15 = arith.addi %mul3A_13, %add3A_14 : i32
    "tpu.region"() ({
      %run_scoped3A_88 = tpu.sem_alloc : memref<!tpu.dma_semaphore, #tpu.memory_space<semaphore_mem>>
      %dma_start3A_89 = arith.constant 0 : i32
      %dma_start3A_90 = tpu.memref_slice %arg8[%add3A_15, %dma_start3A_89] : memref<10240x128xf32, #tpu.memory_space<vmem_shared>> -> memref<128x128xf32, #tpu.memory_space<vmem_shared>>
      %dma_start3A_91 = arith.constant 0 : i32
      %dma_start3A_92 = tpu.memref_slice %arg8[%add3A_15, %dma_start3A_91] : memref<10240x128xf32, #tpu.memory_space<vmem_shared>> -> memref<128x128xf32, #tpu.memory_space<vmem_shared>>
      tpu.enqueue_dma source(%arg12 : memref<128x128xf32, #tpu.memory_space<vmem>>) target(%dma_start3A_92 : memref<128x128xf32, #tpu.memory_space<vmem_shared>>) target_semaphore(%run_scoped3A_88 : memref<!tpu.dma_semaphore, #tpu.memory_space<semaphore_mem>>)
      %dma_wait3A_93 = arith.constant 0 : i32
      %dma_wait3A_94 = tpu.memref_slice %arg8[%add3A_15, %dma_wait3A_93] : memref<10240x128xf32, #tpu.memory_space<vmem_shared>> -> memref<128x128xf32, #tpu.memory_space<vmem_shared>>
      %dma_wait3A_95 = arith.constant 0 : i32
      %dma_wait3A_96 = tpu.memref_slice %arg8[%add3A_15, %dma_wait3A_95] : memref<10240x128xf32, #tpu.memory_space<vmem_shared>> -> memref<128x128xf32, #tpu.memory_space<vmem_shared>>
      tpu.wait_dma2 semaphore(%run_scoped3A_88 : memref<!tpu.dma_semaphore, #tpu.memory_space<semaphore_mem>>) src(%arg12 : memref<128x128xf32, #tpu.memory_space<vmem>>) dst(%dma_wait3A_96 : memref<128x128xf32, #tpu.memory_space<vmem_shared>>)
      tpu.yield
    }) : () -> ()
    %add3A_16 = arith.constant 128 : i32
    %add3A_17 = arith.addi %mul3A_13, %add3A_16 : i32
    "tpu.region"() ({
      %run_scoped3A_88 = tpu.sem_alloc : memref<!tpu.dma_semaphore, #tpu.memory_space<semaphore_mem>>
      %dma_start3A_89 = arith.constant 0 : i32
      %dma_start3A_90 = tpu.memref_slice %arg8[%add3A_17, %dma_start3A_89] : memref<10240x128xf32, #tpu.memory_space<vmem_shared>> -> memref<128x128xf32, #tpu.memory_space<vmem_shared>>
      %dma_start3A_91 = arith.constant 0 : i32
      %dma_start3A_92 = tpu.memref_slice %arg8[%add3A_17, %dma_start3A_91] : memref<10240x128xf32, #tpu.memory_space<vmem_shared>> -> memref<128x128xf32, #tpu.memory_space<vmem_shared>>
      tpu.enqueue_dma source(%arg12 : memref<128x128xf32, #tpu.memory_space<vmem>>) target(%dma_start3A_92 : memref<128x128xf32, #tpu.memory_space<vmem_shared>>) target_semaphore(%run_scoped3A_88 : memref<!tpu.dma_semaphore, #tpu.memory_space<semaphore_mem>>)
      %dma_wait3A_93 = arith.constant 0 : i32
      %dma_wait3A_94 = tpu.memref_slice %arg8[%add3A_17, %dma_wait3A_93] : memref<10240x128xf32, #tpu.memory_space<vmem_shared>> -> memref<128x128xf32, #tpu.memory_space<vmem_shared>>
      %dma_wait3A_95 = arith.constant 0 : i32
      %dma_wait3A_96 = tpu.memref_slice %arg8[%add3A_17, %dma_wait3A_95] : memref<10240x128xf32, #tpu.memory_space<vmem_shared>> -> memref<128x128xf32, #tpu.memory_space<vmem_shared>>
      tpu.wait_dma2 semaphore(%run_scoped3A_88 : memref<!tpu.dma_semaphore, #tpu.memory_space<semaphore_mem>>) src(%arg12 : memref<128x128xf32, #tpu.memory_space<vmem>>) dst(%dma_wait3A_96 : memref<128x128xf32, #tpu.memory_space<vmem_shared>>)
      tpu.yield
    }) : () -> ()
    %add3A_18 = arith.constant 256 : i32
    %add3A_19 = arith.addi %mul3A_13, %add3A_18 : i32
    "tpu.region"() ({
      %run_scoped3A_88 = tpu.sem_alloc : memref<!tpu.dma_semaphore, #tpu.memory_space<semaphore_mem>>
      %dma_start3A_89 = arith.constant 0 : i32
      %dma_start3A_90 = tpu.memref_slice %arg8[%add3A_19, %dma_start3A_89] : memref<10240x128xf32, #tpu.memory_space<vmem_shared>> -> memref<128x128xf32, #tpu.memory_space<vmem_shared>>
      %dma_start3A_91 = arith.constant 0 : i32
      %dma_start3A_92 = tpu.memref_slice %arg8[%add3A_19, %dma_start3A_91] : memref<10240x128xf32, #tpu.memory_space<vmem_shared>> -> memref<128x128xf32, #tpu.memory_space<vmem_shared>>
      tpu.enqueue_dma source(%arg12 : memref<128x128xf32, #tpu.memory_space<vmem>>) target(%dma_start3A_92 : memref<128x128xf32, #tpu.memory_space<vmem_shared>>) target_semaphore(%run_scoped3A_88 : memref<!tpu.dma_semaphore, #tpu.memory_space<semaphore_mem>>)
      %dma_wait3A_93 = arith.constant 0 : i32
      %dma_wait3A_94 = tpu.memref_slice %arg8[%add3A_19, %dma_wait3A_93] : memref<10240x128xf32, #tpu.memory_space<vmem_shared>> -> memref<128x128xf32, #tpu.memory_space<vmem_shared>>
      %dma_wait3A_95 = arith.constant 0 : i32
      %dma_wait3A_96 = tpu.memref_slice %arg8[%add3A_19, %dma_wait3A_95] : memref<10240x128xf32, #tpu.memory_space<vmem_shared>> -> memref<128x128xf32, #tpu.memory_space<vmem_shared>>
      tpu.wait_dma2 semaphore(%run_scoped3A_88 : memref<!tpu.dma_semaphore, #tpu.memory_space<semaphore_mem>>) src(%arg12 : memref<128x128xf32, #tpu.memory_space<vmem>>) dst(%dma_wait3A_96 : memref<128x128xf32, #tpu.memory_space<vmem_shared>>)
      tpu.yield
    }) : () -> ()
    %add3A_20 = arith.constant 384 : i32
    %add3A_21 = arith.addi %mul3A_13, %add3A_20 : i32
    "tpu.region"() ({
      %run_scoped3A_88 = tpu.sem_alloc : memref<!tpu.dma_semaphore, #tpu.memory_space<semaphore_mem>>
      %dma_start3A_89 = arith.constant 0 : i32
      %dma_start3A_90 = tpu.memref_slice %arg8[%add3A_21, %dma_start3A_89] : memref<10240x128xf32, #tpu.memory_space<vmem_shared>> -> memref<128x128xf32, #tpu.memory_space<vmem_shared>>
      %dma_start3A_91 = arith.constant 0 : i32
      %dma_start3A_92 = tpu.memref_slice %arg8[%add3A_21, %dma_start3A_91] : memref<10240x128xf32, #tpu.memory_space<vmem_shared>> -> memref<128x128xf32, #tpu.memory_space<vmem_shared>>
      tpu.enqueue_dma source(%arg12 : memref<128x128xf32, #tpu.memory_space<vmem>>) target(%dma_start3A_92 : memref<128x128xf32, #tpu.memory_space<vmem_shared>>) target_semaphore(%run_scoped3A_88 : memref<!tpu.dma_semaphore, #tpu.memory_space<semaphore_mem>>)
      %dma_wait3A_93 = arith.constant 0 : i32
      %dma_wait3A_94 = tpu.memref_slice %arg8[%add3A_21, %dma_wait3A_93] : memref<10240x128xf32, #tpu.memory_space<vmem_shared>> -> memref<128x128xf32, #tpu.memory_space<vmem_shared>>
      %dma_wait3A_95 = arith.constant 0 : i32
      %dma_wait3A_96 = tpu.memref_slice %arg8[%add3A_21, %dma_wait3A_95] : memref<10240x128xf32, #tpu.memory_space<vmem_shared>> -> memref<128x128xf32, #tpu.memory_space<vmem_shared>>
      tpu.wait_dma2 semaphore(%run_scoped3A_88 : memref<!tpu.dma_semaphore, #tpu.memory_space<semaphore_mem>>) src(%arg12 : memref<128x128xf32, #tpu.memory_space<vmem>>) dst(%dma_wait3A_96 : memref<128x128xf32, #tpu.memory_space<vmem_shared>>)
      tpu.yield
    }) : () -> ()
    %add3A_22 = arith.constant 512 : i32
    %add3A_23 = arith.addi %mul3A_13, %add3A_22 : i32
    "tpu.region"() ({
      %run_scoped3A_88 = tpu.sem_alloc : memref<!tpu.dma_semaphore, #tpu.memory_space<semaphore_mem>>
      %dma_start3A_89 = arith.constant 0 : i32
      %dma_start3A_90 = tpu.memref_slice %arg8[%add3A_23, %dma_start3A_89] : memref<10240x128xf32, #tpu.memory_space<vmem_shared>> -> memref<128x128xf32, #tpu.memory_space<vmem_shared>>
      %dma_start3A_91 = arith.constant 0 : i32
      %dma_start3A_92 = tpu.memref_slice %arg8[%add3A_23, %dma_start3A_91] : memref<10240x128xf32, #tpu.memory_space<vmem_shared>> -> memref<128x128xf32, #tpu.memory_space<vmem_shared>>
      tpu.enqueue_dma source(%arg12 : memref<128x128xf32, #tpu.memory_space<vmem>>) target(%dma_start3A_92 : memref<128x128xf32, #tpu.memory_space<vmem_shared>>) target_semaphore(%run_scoped3A_88 : memref<!tpu.dma_semaphore, #tpu.memory_space<semaphore_mem>>)
      %dma_wait3A_93 = arith.constant 0 : i32
      %dma_wait3A_94 = tpu.memref_slice %arg8[%add3A_23, %dma_wait3A_93] : memref<10240x128xf32, #tpu.memory_space<vmem_shared>> -> memref<128x128xf32, #tpu.memory_space<vmem_shared>>
      %dma_wait3A_95 = arith.constant 0 : i32
      %dma_wait3A_96 = tpu.memref_slice %arg8[%add3A_23, %dma_wait3A_95] : memref<10240x128xf32, #tpu.memory_space<vmem_shared>> -> memref<128x128xf32, #tpu.memory_space<vmem_shared>>
      tpu.wait_dma2 semaphore(%run_scoped3A_88 : memref<!tpu.dma_semaphore, #tpu.memory_space<semaphore_mem>>) src(%arg12 : memref<128x128xf32, #tpu.memory_space<vmem>>) dst(%dma_wait3A_96 : memref<128x128xf32, #tpu.memory_space<vmem_shared>>)
      tpu.yield
    }) : () -> ()
    %barrier3A = arith.constant 0 : index
    tpu.barrier barrier_id(%barrier3A)
    %scan3A_24 = arith.constant 0 : i32
    %scan3A_25 = arith.constant 0 : i32
    %scan3A_26 = arith.constant 19 : i32
    %scan3A_27 = arith.addi %scan3A_25, %scan3A_26 : i32
    %scan3A_28 = arith.constant 1 : i32
    scf.for %scan3A_88 = %scan3A_25 to %scan3A_27 step %scan3A_28  : i32 {
      %mul3A_89 = arith.constant 2 : i32
      %mul3A_90 = arith.muli %mul3A_89, %scan3A_88 : i32
      %dma_wait3A_91 = arith.constant 0 : i32
      %dma_wait3A_92 = arith.constant 0 : i32
      %dma_wait3A_93 = tpu.memref_slice %arg2[%dma_wait3A_91, %dma_wait3A_92] : memref<10000x128xf32, #tpu.memory_space<hbm>> -> memref<128x128xf32, #tpu.memory_space<hbm>>
      %dma_wait3A_94 = arith.constant 0 : i32
      %dma_wait3A_95 = arith.constant 0 : i32
      %dma_wait3A_96 = tpu.memref_slice %arg2[%dma_wait3A_94, %dma_wait3A_95] : memref<10000x128xf32, #tpu.memory_space<hbm>> -> memref<128x128xf32, #tpu.memory_space<hbm>>
      tpu.wait_dma2 semaphore(%arg13 : memref<!tpu.dma_semaphore, #tpu.memory_space<semaphore_mem>>) src(%dma_wait3A_96 : memref<128x128xf32, #tpu.memory_space<hbm>>) dst(%arg11 : memref<128x128xf32, #tpu.memory_space<vmem>>)
      %add3A_97 = arith.constant 1 : i32
      %add3A_98 = arith.addi %mul3A_90, %add3A_97 : i32
      %dma_start3A_99 = arith.constant 0 : i32
      %dma_start3A_100 = tpu.memref_slice %arg9[%add3A_98, %dma_start3A_99] : memref<40x128xi32, #tpu.memory_space<vmem>> -> memref<1x128xi32, #tpu.memory_space<vmem>>
      %dma_start3A_101 = tpu.memref_squeeze %dma_start3A_100 : memref<1x128xi32, #tpu.memory_space<vmem>> -> memref<128xi32, #tpu.memory_space<vmem>>
      %dma_start3A_102 = arith.constant 0 : i32
      %dma_start3A_103 = arith.constant 0 : i32
      %dma_start3A_104 = tpu.memref_slice %arg2[%dma_start3A_102, %dma_start3A_103] : memref<10000x128xf32, #tpu.memory_space<hbm>> -> memref<10000x128xf32, #tpu.memory_space<hbm>>
      tpu.enqueue_indirect_dma source(%dma_start3A_104 : memref<10000x128xf32, #tpu.memory_space<hbm>>) target(%arg12 : memref<128x128xf32, #tpu.memory_space<vmem>>) offsets(%dma_start3A_101 : memref<128xi32, #tpu.memory_space<vmem>>) semaphore(%arg14 : memref<!tpu.dma_semaphore, #tpu.memory_space<semaphore_mem>>)
      "tpu.region"() ({
        %run_scoped3A_121 = tpu.sem_alloc : memref<!tpu.dma_semaphore, #tpu.memory_space<semaphore_mem>>
        %dma_start3A_122 = arith.constant 0 : i32
        %dma_start3A_123 = tpu.memref_slice %arg10[%mul3A_90, %dma_start3A_122] : memref<40x128xi32, #tpu.memory_space<vmem>> -> memref<1x128xi32, #tpu.memory_space<vmem>>
        %dma_start3A_124 = tpu.memref_squeeze %dma_start3A_123 : memref<1x128xi32, #tpu.memory_space<vmem>> -> memref<128xi32, #tpu.memory_space<vmem>>
        %dma_start3A_125 = arith.constant 0 : i32
        %dma_start3A_126 = arith.constant 0 : i32
        %dma_start3A_127 = tpu.memref_slice %arg8[%dma_start3A_125, %dma_start3A_126] : memref<10240x128xf32, #tpu.memory_space<vmem_shared>> -> memref<10240x128xf32, #tpu.memory_space<vmem_shared>>
        tpu.enqueue_indirect_dma source(%arg11 : memref<128x128xf32, #tpu.memory_space<vmem>>) target(%dma_start3A_127 : memref<10240x128xf32, #tpu.memory_space<vmem_shared>>) offsets(%dma_start3A_124 : memref<128xi32, #tpu.memory_space<vmem>>) semaphore(%run_scoped3A_121 : memref<!tpu.dma_semaphore, #tpu.memory_space<semaphore_mem>>) {add = true}
        %dma_wait3A_128 = arith.constant 0 : i32
        %dma_wait3A_129 = tpu.memref_slice %arg10[%mul3A_90, %dma_wait3A_128] : memref<40x128xi32, #tpu.memory_space<vmem>> -> memref<1x128xi32, #tpu.memory_space<vmem>>
        %dma_wait3A_130 = tpu.memref_squeeze %dma_wait3A_129 : memref<1x128xi32, #tpu.memory_space<vmem>> -> memref<128xi32, #tpu.memory_space<vmem>>
        %dma_wait3A_131 = arith.constant 0 : i32
        %dma_wait3A_132 = arith.constant 0 : i32
        %dma_wait3A_133 = tpu.memref_slice %arg8[%dma_wait3A_131, %dma_wait3A_132] : memref<10240x128xf32, #tpu.memory_space<vmem_shared>> -> memref<10240x128xf32, #tpu.memory_space<vmem_shared>>
        tpu.wait_indirect_dma semaphore(%run_scoped3A_121 : memref<!tpu.dma_semaphore, #tpu.memory_space<semaphore_mem>>) src(%arg11 : memref<128x128xf32, #tpu.memory_space<vmem>>) dst(%dma_wait3A_133 : memref<10240x128xf32, #tpu.memory_space<vmem_shared>>)
        tpu.yield
      }) : () -> ()
      %dma_wait3A_105 = arith.constant 0 : i32
      %dma_wait3A_106 = tpu.memref_slice %arg9[%add3A_98, %dma_wait3A_105] : memref<40x128xi32, #tpu.memory_space<vmem>> -> memref<1x128xi32, #tpu.memory_space<vmem>>
      %dma_wait3A_107 = tpu.memref_squeeze %dma_wait3A_106 : memref<1x128xi32, #tpu.memory_space<vmem>> -> memref<128xi32, #tpu.memory_space<vmem>>
      %dma_wait3A_108 = arith.constant 0 : i32
      %dma_wait3A_109 = arith.constant 0 : i32
      %dma_wait3A_110 = tpu.memref_slice %arg2[%dma_wait3A_108, %dma_wait3A_109] : memref<10000x128xf32, #tpu.memory_space<hbm>> -> memref<10000x128xf32, #tpu.memory_space<hbm>>
      tpu.wait_indirect_dma semaphore(%arg14 : memref<!tpu.dma_semaphore, #tpu.memory_space<semaphore_mem>>) src(%dma_wait3A_110 : memref<10000x128xf32, #tpu.memory_space<hbm>>) dst(%arg12 : memref<128x128xf32, #tpu.memory_space<vmem>>)
      %add3A_111 = arith.constant 2 : i32
      %add3A_112 = arith.addi %mul3A_90, %add3A_111 : i32
      %dma_start3A_113 = arith.constant 0 : i32
      %dma_start3A_114 = tpu.memref_slice %arg9[%add3A_112, %dma_start3A_113] : memref<40x128xi32, #tpu.memory_space<vmem>> -> memref<1x128xi32, #tpu.memory_space<vmem>>
      %dma_start3A_115 = tpu.memref_squeeze %dma_start3A_114 : memref<1x128xi32, #tpu.memory_space<vmem>> -> memref<128xi32, #tpu.memory_space<vmem>>
      %dma_start3A_116 = arith.constant 0 : i32
      %dma_start3A_117 = arith.constant 0 : i32
      %dma_start3A_118 = tpu.memref_slice %arg2[%dma_start3A_116, %dma_start3A_117] : memref<10000x128xf32, #tpu.memory_space<hbm>> -> memref<10000x128xf32, #tpu.memory_space<hbm>>
      tpu.enqueue_indirect_dma source(%dma_start3A_118 : memref<10000x128xf32, #tpu.memory_space<hbm>>) target(%arg11 : memref<128x128xf32, #tpu.memory_space<vmem>>) offsets(%dma_start3A_115 : memref<128xi32, #tpu.memory_space<vmem>>) semaphore(%arg13 : memref<!tpu.dma_semaphore, #tpu.memory_space<semaphore_mem>>)
      %add3A_119 = arith.constant 1 : i32
      %add3A_120 = arith.addi %mul3A_90, %add3A_119 : i32
      "tpu.region"() ({
        %run_scoped3A_121 = tpu.sem_alloc : memref<!tpu.dma_semaphore, #tpu.memory_space<semaphore_mem>>
        %dma_start3A_122 = arith.constant 0 : i32
        %dma_start3A_123 = tpu.memref_slice %arg10[%add3A_120, %dma_start3A_122] : memref<40x128xi32, #tpu.memory_space<vmem>> -> memref<1x128xi32, #tpu.memory_space<vmem>>
        %dma_start3A_124 = tpu.memref_squeeze %dma_start3A_123 : memref<1x128xi32, #tpu.memory_space<vmem>> -> memref<128xi32, #tpu.memory_space<vmem>>
        %dma_start3A_125 = arith.constant 0 : i32
        %dma_start3A_126 = arith.constant 0 : i32
        %dma_start3A_127 = tpu.memref_slice %arg8[%dma_start3A_125, %dma_start3A_126] : memref<10240x128xf32, #tpu.memory_space<vmem_shared>> -> memref<10240x128xf32, #tpu.memory_space<vmem_shared>>
        tpu.enqueue_indirect_dma source(%arg12 : memref<128x128xf32, #tpu.memory_space<vmem>>) target(%dma_start3A_127 : memref<10240x128xf32, #tpu.memory_space<vmem_shared>>) offsets(%dma_start3A_124 : memref<128xi32, #tpu.memory_space<vmem>>) semaphore(%run_scoped3A_121 : memref<!tpu.dma_semaphore, #tpu.memory_space<semaphore_mem>>) {add = true}
        %dma_wait3A_128 = arith.constant 0 : i32
        %dma_wait3A_129 = tpu.memref_slice %arg10[%add3A_120, %dma_wait3A_128] : memref<40x128xi32, #tpu.memory_space<vmem>> -> memref<1x128xi32, #tpu.memory_space<vmem>>
        %dma_wait3A_130 = tpu.memref_squeeze %dma_wait3A_129 : memref<1x128xi32, #tpu.memory_space<vmem>> -> memref<128xi32, #tpu.memory_space<vmem>>
        %dma_wait3A_131 = arith.constant 0 : i32
        %dma_wait3A_132 = arith.constant 0 : i32
        %dma_wait3A_133 = tpu.memref_slice %arg8[%dma_wait3A_131, %dma_wait3A_132] : memref<10240x128xf32, #tpu.memory_space<vmem_shared>> -> memref<10240x128xf32, #tpu.memory_space<vmem_shared>>
        tpu.wait_indirect_dma semaphore(%run_scoped3A_121 : memref<!tpu.dma_semaphore, #tpu.memory_space<semaphore_mem>>) src(%arg12 : memref<128x128xf32, #tpu.memory_space<vmem>>) dst(%dma_wait3A_133 : memref<10240x128xf32, #tpu.memory_space<vmem_shared>>)
        tpu.yield
      }) : () -> ()
    }
    %scan3A_29 = arith.constant 19 : i32
    %dma_wait3A = arith.constant 0 : i32
    %dma_wait3A_30 = arith.constant 0 : i32
    %dma_wait3A_31 = tpu.memref_slice %arg2[%dma_wait3A, %dma_wait3A_30] : memref<10000x128xf32, #tpu.memory_space<hbm>> -> memref<128x128xf32, #tpu.memory_space<hbm>>
    %dma_wait3A_32 = arith.constant 0 : i32
    %dma_wait3A_33 = arith.constant 0 : i32
    %dma_wait3A_34 = tpu.memref_slice %arg2[%dma_wait3A_32, %dma_wait3A_33] : memref<10000x128xf32, #tpu.memory_space<hbm>> -> memref<128x128xf32, #tpu.memory_space<hbm>>
    tpu.wait_dma2 semaphore(%arg13 : memref<!tpu.dma_semaphore, #tpu.memory_space<semaphore_mem>>) src(%dma_wait3A_34 : memref<128x128xf32, #tpu.memory_space<hbm>>) dst(%arg11 : memref<128x128xf32, #tpu.memory_space<vmem>>)
    %dma_start3A_35 = arith.constant 39 : i32
    %dma_start3A_36 = arith.constant 0 : i32
    %dma_start3A_37 = tpu.memref_slice %arg9[%dma_start3A_35, %dma_start3A_36] : memref<40x128xi32, #tpu.memory_space<vmem>> -> memref<1x128xi32, #tpu.memory_space<vmem>>
    %dma_start3A_38 = tpu.memref_squeeze %dma_start3A_37 : memref<1x128xi32, #tpu.memory_space<vmem>> -> memref<128xi32, #tpu.memory_space<vmem>>
    %dma_start3A_39 = arith.constant 0 : i32
    %dma_start3A_40 = arith.constant 0 : i32
    %dma_start3A_41 = tpu.memref_slice %arg2[%dma_start3A_39, %dma_start3A_40] : memref<10000x128xf32, #tpu.memory_space<hbm>> -> memref<10000x128xf32, #tpu.memory_space<hbm>>
    tpu.enqueue_indirect_dma source(%dma_start3A_41 : memref<10000x128xf32, #tpu.memory_space<hbm>>) target(%arg12 : memref<128x128xf32, #tpu.memory_space<vmem>>) offsets(%dma_start3A_38 : memref<128xi32, #tpu.memory_space<vmem>>) semaphore(%arg14 : memref<!tpu.dma_semaphore, #tpu.memory_space<semaphore_mem>>)
    %run_scoped3A = arith.constant 38 : i32
    "tpu.region"() ({
      %run_scoped3A_88 = tpu.sem_alloc : memref<!tpu.dma_semaphore, #tpu.memory_space<semaphore_mem>>
      %dma_start3A_89 = arith.constant 0 : i32
      %dma_start3A_90 = tpu.memref_slice %arg10[%run_scoped3A, %dma_start3A_89] : memref<40x128xi32, #tpu.memory_space<vmem>> -> memref<1x128xi32, #tpu.memory_space<vmem>>
      %dma_start3A_91 = tpu.memref_squeeze %dma_start3A_90 : memref<1x128xi32, #tpu.memory_space<vmem>> -> memref<128xi32, #tpu.memory_space<vmem>>
      %dma_start3A_92 = arith.constant 0 : i32
      %dma_start3A_93 = arith.constant 0 : i32
      %dma_start3A_94 = tpu.memref_slice %arg8[%dma_start3A_92, %dma_start3A_93] : memref<10240x128xf32, #tpu.memory_space<vmem_shared>> -> memref<10240x128xf32, #tpu.memory_space<vmem_shared>>
      tpu.enqueue_indirect_dma source(%arg11 : memref<128x128xf32, #tpu.memory_space<vmem>>) target(%dma_start3A_94 : memref<10240x128xf32, #tpu.memory_space<vmem_shared>>) offsets(%dma_start3A_91 : memref<128xi32, #tpu.memory_space<vmem>>) semaphore(%run_scoped3A_88 : memref<!tpu.dma_semaphore, #tpu.memory_space<semaphore_mem>>) {add = true}
      %dma_wait3A_95 = arith.constant 0 : i32
      %dma_wait3A_96 = tpu.memref_slice %arg10[%run_scoped3A, %dma_wait3A_95] : memref<40x128xi32, #tpu.memory_space<vmem>> -> memref<1x128xi32, #tpu.memory_space<vmem>>
      %dma_wait3A_97 = tpu.memref_squeeze %dma_wait3A_96 : memref<1x128xi32, #tpu.memory_space<vmem>> -> memref<128xi32, #tpu.memory_space<vmem>>
      %dma_wait3A_98 = arith.constant 0 : i32
      %dma_wait3A_99 = arith.constant 0 : i32
      %dma_wait3A_100 = tpu.memref_slice %arg8[%dma_wait3A_98, %dma_wait3A_99] : memref<10240x128xf32, #tpu.memory_space<vmem_shared>> -> memref<10240x128xf32, #tpu.memory_space<vmem_shared>>
      tpu.wait_indirect_dma semaphore(%run_scoped3A_88 : memref<!tpu.dma_semaphore, #tpu.memory_space<semaphore_mem>>) src(%arg11 : memref<128x128xf32, #tpu.memory_space<vmem>>) dst(%dma_wait3A_100 : memref<10240x128xf32, #tpu.memory_space<vmem_shared>>)
      tpu.yield
    }) : () -> ()
    %dma_wait3A_42 = arith.constant 39 : i32
    %dma_wait3A_43 = arith.constant 0 : i32
    %dma_wait3A_44 = tpu.memref_slice %arg9[%dma_wait3A_42, %dma_wait3A_43] : memref<40x128xi32, #tpu.memory_space<vmem>> -> memref<1x128xi32, #tpu.memory_space<vmem>>
    %dma_wait3A_45 = tpu.memref_squeeze %dma_wait3A_44 : memref<1x128xi32, #tpu.memory_space<vmem>> -> memref<128xi32, #tpu.memory_space<vmem>>
    %dma_wait3A_46 = arith.constant 0 : i32
    %dma_wait3A_47 = arith.constant 0 : i32
    %dma_wait3A_48 = tpu.memref_slice %arg2[%dma_wait3A_46, %dma_wait3A_47] : memref<10000x128xf32, #tpu.memory_space<hbm>> -> memref<10000x128xf32, #tpu.memory_space<hbm>>
    tpu.wait_indirect_dma semaphore(%arg14 : memref<!tpu.dma_semaphore, #tpu.memory_space<semaphore_mem>>) src(%dma_wait3A_48 : memref<10000x128xf32, #tpu.memory_space<hbm>>) dst(%arg12 : memref<128x128xf32, #tpu.memory_space<vmem>>)
    "tpu.region"() ({
      %run_scoped3A_88 = tpu.sem_alloc : memref<!tpu.dma_semaphore, #tpu.memory_space<semaphore_mem>>
      %dma_start3A_89 = arith.constant 0 : i32
      %dma_start3A_90 = arith.constant 0 : i32
      %dma_start3A_91 = tpu.memref_slice %arg9[%dma_start3A_89, %dma_start3A_90] : memref<40x128xi32, #tpu.memory_space<vmem>> -> memref<38x128xi32, #tpu.memory_space<vmem>>
      %dma_start3A_92 = arith.constant 40 : i32
      %dma_start3A_93 = arith.constant 0 : i32
      %dma_start3A_94 = tpu.memref_slice %arg3[%add3A, %dma_start3A_92, %dma_start3A_93] : memref<32x78x128xi32, #tpu.memory_space<hbm>> -> memref<1x38x128xi32, #tpu.memory_space<hbm>>
      %dma_start3A_95 = tpu.memref_squeeze %dma_start3A_94 : memref<1x38x128xi32, #tpu.memory_space<hbm>> -> memref<38x128xi32, #tpu.memory_space<hbm>>
      %dma_start3A_96 = arith.constant 0 : i32
      %dma_start3A_97 = arith.constant 0 : i32
      %dma_start3A_98 = tpu.memref_slice %arg9[%dma_start3A_96, %dma_start3A_97] : memref<40x128xi32, #tpu.memory_space<vmem>> -> memref<38x128xi32, #tpu.memory_space<vmem>>
      %dma_start3A_99 = arith.constant 40 : i32
      %dma_start3A_100 = arith.constant 0 : i32
      %dma_start3A_101 = tpu.memref_slice %arg3[%add3A, %dma_start3A_99, %dma_start3A_100] : memref<32x78x128xi32, #tpu.memory_space<hbm>> -> memref<1x38x128xi32, #tpu.memory_space<hbm>>
      %dma_start3A_102 = tpu.memref_squeeze %dma_start3A_101 : memref<1x38x128xi32, #tpu.memory_space<hbm>> -> memref<38x128xi32, #tpu.memory_space<hbm>>
      tpu.enqueue_dma source(%dma_start3A_102 : memref<38x128xi32, #tpu.memory_space<hbm>>) target(%dma_start3A_98 : memref<38x128xi32, #tpu.memory_space<vmem>>) target_semaphore(%run_scoped3A_88 : memref<!tpu.dma_semaphore, #tpu.memory_space<semaphore_mem>>)
      %dma_wait3A_103 = arith.constant 0 : i32
      %dma_wait3A_104 = arith.constant 0 : i32
      %dma_wait3A_105 = tpu.memref_slice %arg9[%dma_wait3A_103, %dma_wait3A_104] : memref<40x128xi32, #tpu.memory_space<vmem>> -> memref<38x128xi32, #tpu.memory_space<vmem>>
      %dma_wait3A_106 = arith.constant 40 : i32
      %dma_wait3A_107 = arith.constant 0 : i32
      %dma_wait3A_108 = tpu.memref_slice %arg3[%add3A, %dma_wait3A_106, %dma_wait3A_107] : memref<32x78x128xi32, #tpu.memory_space<hbm>> -> memref<1x38x128xi32, #tpu.memory_space<hbm>>
      %dma_wait3A_109 = tpu.memref_squeeze %dma_wait3A_108 : memref<1x38x128xi32, #tpu.memory_space<hbm>> -> memref<38x128xi32, #tpu.memory_space<hbm>>
      %dma_wait3A_110 = arith.constant 0 : i32
      %dma_wait3A_111 = arith.constant 0 : i32
      %dma_wait3A_112 = tpu.memref_slice %arg9[%dma_wait3A_110, %dma_wait3A_111] : memref<40x128xi32, #tpu.memory_space<vmem>> -> memref<38x128xi32, #tpu.memory_space<vmem>>
      %dma_wait3A_113 = arith.constant 40 : i32
      %dma_wait3A_114 = arith.constant 0 : i32
      %dma_wait3A_115 = tpu.memref_slice %arg3[%add3A, %dma_wait3A_113, %dma_wait3A_114] : memref<32x78x128xi32, #tpu.memory_space<hbm>> -> memref<1x38x128xi32, #tpu.memory_space<hbm>>
      %dma_wait3A_116 = tpu.memref_squeeze %dma_wait3A_115 : memref<1x38x128xi32, #tpu.memory_space<hbm>> -> memref<38x128xi32, #tpu.memory_space<hbm>>
      tpu.wait_dma2 semaphore(%run_scoped3A_88 : memref<!tpu.dma_semaphore, #tpu.memory_space<semaphore_mem>>) src(%dma_wait3A_116 : memref<38x128xi32, #tpu.memory_space<hbm>>) dst(%dma_wait3A_112 : memref<38x128xi32, #tpu.memory_space<vmem>>)
      tpu.yield
    }) : () -> ()
    %run_scoped3A_49 = arith.constant 39 : i32
    "tpu.region"() ({
      %run_scoped3A_88 = tpu.sem_alloc : memref<!tpu.dma_semaphore, #tpu.memory_space<semaphore_mem>>
      %dma_start3A_89 = arith.constant 0 : i32
      %dma_start3A_90 = tpu.memref_slice %arg10[%run_scoped3A_49, %dma_start3A_89] : memref<40x128xi32, #tpu.memory_space<vmem>> -> memref<1x128xi32, #tpu.memory_space<vmem>>
      %dma_start3A_91 = tpu.memref_squeeze %dma_start3A_90 : memref<1x128xi32, #tpu.memory_space<vmem>> -> memref<128xi32, #tpu.memory_space<vmem>>
      %dma_start3A_92 = arith.constant 0 : i32
      %dma_start3A_93 = arith.constant 0 : i32
      %dma_start3A_94 = tpu.memref_slice %arg8[%dma_start3A_92, %dma_start3A_93] : memref<10240x128xf32, #tpu.memory_space<vmem_shared>> -> memref<10240x128xf32, #tpu.memory_space<vmem_shared>>
      tpu.enqueue_indirect_dma source(%arg12 : memref<128x128xf32, #tpu.memory_space<vmem>>) target(%dma_start3A_94 : memref<10240x128xf32, #tpu.memory_space<vmem_shared>>) offsets(%dma_start3A_91 : memref<128xi32, #tpu.memory_space<vmem>>) semaphore(%run_scoped3A_88 : memref<!tpu.dma_semaphore, #tpu.memory_space<semaphore_mem>>) {add = true}
      %dma_wait3A_95 = arith.constant 0 : i32
      %dma_wait3A_96 = tpu.memref_slice %arg10[%run_scoped3A_49, %dma_wait3A_95] : memref<40x128xi32, #tpu.memory_space<vmem>> -> memref<1x128xi32, #tpu.memory_space<vmem>>
      %dma_wait3A_97 = tpu.memref_squeeze %dma_wait3A_96 : memref<1x128xi32, #tpu.memory_space<vmem>> -> memref<128xi32, #tpu.memory_space<vmem>>
      %dma_wait3A_98 = arith.constant 0 : i32
      %dma_wait3A_99 = arith.constant 0 : i32
      %dma_wait3A_100 = tpu.memref_slice %arg8[%dma_wait3A_98, %dma_wait3A_99] : memref<10240x128xf32, #tpu.memory_space<vmem_shared>> -> memref<10240x128xf32, #tpu.memory_space<vmem_shared>>
      tpu.wait_indirect_dma semaphore(%run_scoped3A_88 : memref<!tpu.dma_semaphore, #tpu.memory_space<semaphore_mem>>) src(%arg12 : memref<128x128xf32, #tpu.memory_space<vmem>>) dst(%dma_wait3A_100 : memref<10240x128xf32, #tpu.memory_space<vmem_shared>>)
      tpu.yield
    }) : () -> ()
    "tpu.region"() ({
      %run_scoped3A_88 = tpu.sem_alloc : memref<!tpu.dma_semaphore, #tpu.memory_space<semaphore_mem>>
      %dma_start3A_89 = arith.constant 0 : i32
      %dma_start3A_90 = arith.constant 0 : i32
      %dma_start3A_91 = tpu.memref_slice %arg10[%dma_start3A_89, %dma_start3A_90] : memref<40x128xi32, #tpu.memory_space<vmem>> -> memref<38x128xi32, #tpu.memory_space<vmem>>
      %dma_start3A_92 = arith.constant 40 : i32
      %dma_start3A_93 = arith.constant 0 : i32
      %dma_start3A_94 = tpu.memref_slice %arg4[%add3A, %dma_start3A_92, %dma_start3A_93] : memref<32x78x128xi32, #tpu.memory_space<hbm>> -> memref<1x38x128xi32, #tpu.memory_space<hbm>>
      %dma_start3A_95 = tpu.memref_squeeze %dma_start3A_94 : memref<1x38x128xi32, #tpu.memory_space<hbm>> -> memref<38x128xi32, #tpu.memory_space<hbm>>
      %dma_start3A_96 = arith.constant 0 : i32
      %dma_start3A_97 = arith.constant 0 : i32
      %dma_start3A_98 = tpu.memref_slice %arg10[%dma_start3A_96, %dma_start3A_97] : memref<40x128xi32, #tpu.memory_space<vmem>> -> memref<38x128xi32, #tpu.memory_space<vmem>>
      %dma_start3A_99 = arith.constant 40 : i32
      %dma_start3A_100 = arith.constant 0 : i32
      %dma_start3A_101 = tpu.memref_slice %arg4[%add3A, %dma_start3A_99, %dma_start3A_100] : memref<32x78x128xi32, #tpu.memory_space<hbm>> -> memref<1x38x128xi32, #tpu.memory_space<hbm>>
      %dma_start3A_102 = tpu.memref_squeeze %dma_start3A_101 : memref<1x38x128xi32, #tpu.memory_space<hbm>> -> memref<38x128xi32, #tpu.memory_space<hbm>>
      tpu.enqueue_dma source(%dma_start3A_102 : memref<38x128xi32, #tpu.memory_space<hbm>>) target(%dma_start3A_98 : memref<38x128xi32, #tpu.memory_space<vmem>>) target_semaphore(%run_scoped3A_88 : memref<!tpu.dma_semaphore, #tpu.memory_space<semaphore_mem>>)
      %dma_wait3A_103 = arith.constant 0 : i32
      %dma_wait3A_104 = arith.constant 0 : i32
      %dma_wait3A_105 = tpu.memref_slice %arg10[%dma_wait3A_103, %dma_wait3A_104] : memref<40x128xi32, #tpu.memory_space<vmem>> -> memref<38x128xi32, #tpu.memory_space<vmem>>
      %dma_wait3A_106 = arith.constant 40 : i32
      %dma_wait3A_107 = arith.constant 0 : i32
      %dma_wait3A_108 = tpu.memref_slice %arg4[%add3A, %dma_wait3A_106, %dma_wait3A_107] : memref<32x78x128xi32, #tpu.memory_space<hbm>> -> memref<1x38x128xi32, #tpu.memory_space<hbm>>
      %dma_wait3A_109 = tpu.memref_squeeze %dma_wait3A_108 : memref<1x38x128xi32, #tpu.memory_space<hbm>> -> memref<38x128xi32, #tpu.memory_space<hbm>>
      %dma_wait3A_110 = arith.constant 0 : i32
      %dma_wait3A_111 = arith.constant 0 : i32
      %dma_wait3A_112 = tpu.memref_slice %arg10[%dma_wait3A_110, %dma_wait3A_111] : memref<40x128xi32, #tpu.memory_space<vmem>> -> memref<38x128xi32, #tpu.memory_space<vmem>>
      %dma_wait3A_113 = arith.constant 40 : i32
      %dma_wait3A_114 = arith.constant 0 : i32
      %dma_wait3A_115 = tpu.memref_slice %arg4[%add3A, %dma_wait3A_113, %dma_wait3A_114] : memref<32x78x128xi32, #tpu.memory_space<hbm>> -> memref<1x38x128xi32, #tpu.memory_space<hbm>>
      %dma_wait3A_116 = tpu.memref_squeeze %dma_wait3A_115 : memref<1x38x128xi32, #tpu.memory_space<hbm>> -> memref<38x128xi32, #tpu.memory_space<hbm>>
      tpu.wait_dma2 semaphore(%run_scoped3A_88 : memref<!tpu.dma_semaphore, #tpu.memory_space<semaphore_mem>>) src(%dma_wait3A_116 : memref<38x128xi32, #tpu.memory_space<hbm>>) dst(%dma_wait3A_112 : memref<38x128xi32, #tpu.memory_space<vmem>>)
      tpu.yield
    }) : () -> ()
    %dma_start3A_50 = arith.constant 0 : i32
    %dma_start3A_51 = arith.constant 0 : i32
    %dma_start3A_52 = tpu.memref_slice %arg9[%dma_start3A_50, %dma_start3A_51] : memref<40x128xi32, #tpu.memory_space<vmem>> -> memref<1x128xi32, #tpu.memory_space<vmem>>
    %dma_start3A_53 = tpu.memref_squeeze %dma_start3A_52 : memref<1x128xi32, #tpu.memory_space<vmem>> -> memref<128xi32, #tpu.memory_space<vmem>>
    %dma_start3A_54 = arith.constant 0 : i32
    %dma_start3A_55 = arith.constant 0 : i32
    %dma_start3A_56 = tpu.memref_slice %arg2[%dma_start3A_54, %dma_start3A_55] : memref<10000x128xf32, #tpu.memory_space<hbm>> -> memref<10000x128xf32, #tpu.memory_space<hbm>>
    tpu.enqueue_indirect_dma source(%dma_start3A_56 : memref<10000x128xf32, #tpu.memory_space<hbm>>) target(%arg11 : memref<128x128xf32, #tpu.memory_space<vmem>>) offsets(%dma_start3A_53 : memref<128xi32, #tpu.memory_space<vmem>>) semaphore(%arg13 : memref<!tpu.dma_semaphore, #tpu.memory_space<semaphore_mem>>)
    %scan3A_57 = arith.constant 0 : i32
    %scan3A_58 = arith.constant 0 : i32
    %scan3A_59 = arith.constant 18 : i32
    %scan3A_60 = arith.addi %scan3A_58, %scan3A_59 : i32
    %scan3A_61 = arith.constant 1 : i32
    scf.for %scan3A_88 = %scan3A_58 to %scan3A_60 step %scan3A_61  : i32 {
      %mul3A_89 = arith.constant 2 : i32
      %mul3A_90 = arith.muli %mul3A_89, %scan3A_88 : i32
      %dma_wait3A_91 = arith.constant 0 : i32
      %dma_wait3A_92 = arith.constant 0 : i32
      %dma_wait3A_93 = tpu.memref_slice %arg2[%dma_wait3A_91, %dma_wait3A_92] : memref<10000x128xf32, #tpu.memory_space<hbm>> -> memref<128x128xf32, #tpu.memory_space<hbm>>
      %dma_wait3A_94 = arith.constant 0 : i32
      %dma_wait3A_95 = arith.constant 0 : i32
      %dma_wait3A_96 = tpu.memref_slice %arg2[%dma_wait3A_94, %dma_wait3A_95] : memref<10000x128xf32, #tpu.memory_space<hbm>> -> memref<128x128xf32, #tpu.memory_space<hbm>>
      tpu.wait_dma2 semaphore(%arg13 : memref<!tpu.dma_semaphore, #tpu.memory_space<semaphore_mem>>) src(%dma_wait3A_96 : memref<128x128xf32, #tpu.memory_space<hbm>>) dst(%arg11 : memref<128x128xf32, #tpu.memory_space<vmem>>)
      %add3A_97 = arith.constant 1 : i32
      %add3A_98 = arith.addi %mul3A_90, %add3A_97 : i32
      %dma_start3A_99 = arith.constant 0 : i32
      %dma_start3A_100 = tpu.memref_slice %arg9[%add3A_98, %dma_start3A_99] : memref<40x128xi32, #tpu.memory_space<vmem>> -> memref<1x128xi32, #tpu.memory_space<vmem>>
      %dma_start3A_101 = tpu.memref_squeeze %dma_start3A_100 : memref<1x128xi32, #tpu.memory_space<vmem>> -> memref<128xi32, #tpu.memory_space<vmem>>
      %dma_start3A_102 = arith.constant 0 : i32
      %dma_start3A_103 = arith.constant 0 : i32
      %dma_start3A_104 = tpu.memref_slice %arg2[%dma_start3A_102, %dma_start3A_103] : memref<10000x128xf32, #tpu.memory_space<hbm>> -> memref<10000x128xf32, #tpu.memory_space<hbm>>
      tpu.enqueue_indirect_dma source(%dma_start3A_104 : memref<10000x128xf32, #tpu.memory_space<hbm>>) target(%arg12 : memref<128x128xf32, #tpu.memory_space<vmem>>) offsets(%dma_start3A_101 : memref<128xi32, #tpu.memory_space<vmem>>) semaphore(%arg14 : memref<!tpu.dma_semaphore, #tpu.memory_space<semaphore_mem>>)
      "tpu.region"() ({
        %run_scoped3A_121 = tpu.sem_alloc : memref<!tpu.dma_semaphore, #tpu.memory_space<semaphore_mem>>
        %dma_start3A_122 = arith.constant 0 : i32
        %dma_start3A_123 = tpu.memref_slice %arg10[%mul3A_90, %dma_start3A_122] : memref<40x128xi32, #tpu.memory_space<vmem>> -> memref<1x128xi32, #tpu.memory_space<vmem>>
        %dma_start3A_124 = tpu.memref_squeeze %dma_start3A_123 : memref<1x128xi32, #tpu.memory_space<vmem>> -> memref<128xi32, #tpu.memory_space<vmem>>
        %dma_start3A_125 = arith.constant 0 : i32
        %dma_start3A_126 = arith.constant 0 : i32
        %dma_start3A_127 = tpu.memref_slice %arg8[%dma_start3A_125, %dma_start3A_126] : memref<10240x128xf32, #tpu.memory_space<vmem_shared>> -> memref<10240x128xf32, #tpu.memory_space<vmem_shared>>
        tpu.enqueue_indirect_dma source(%arg11 : memref<128x128xf32, #tpu.memory_space<vmem>>) target(%dma_start3A_127 : memref<10240x128xf32, #tpu.memory_space<vmem_shared>>) offsets(%dma_start3A_124 : memref<128xi32, #tpu.memory_space<vmem>>) semaphore(%run_scoped3A_121 : memref<!tpu.dma_semaphore, #tpu.memory_space<semaphore_mem>>) {add = true}
        %dma_wait3A_128 = arith.constant 0 : i32
        %dma_wait3A_129 = tpu.memref_slice %arg10[%mul3A_90, %dma_wait3A_128] : memref<40x128xi32, #tpu.memory_space<vmem>> -> memref<1x128xi32, #tpu.memory_space<vmem>>
        %dma_wait3A_130 = tpu.memref_squeeze %dma_wait3A_129 : memref<1x128xi32, #tpu.memory_space<vmem>> -> memref<128xi32, #tpu.memory_space<vmem>>
        %dma_wait3A_131 = arith.constant 0 : i32
        %dma_wait3A_132 = arith.constant 0 : i32
        %dma_wait3A_133 = tpu.memref_slice %arg8[%dma_wait3A_131, %dma_wait3A_132] : memref<10240x128xf32, #tpu.memory_space<vmem_shared>> -> memref<10240x128xf32, #tpu.memory_space<vmem_shared>>
        tpu.wait_indirect_dma semaphore(%run_scoped3A_121 : memref<!tpu.dma_semaphore, #tpu.memory_space<semaphore_mem>>) src(%arg11 : memref<128x128xf32, #tpu.memory_space<vmem>>) dst(%dma_wait3A_133 : memref<10240x128xf32, #tpu.memory_space<vmem_shared>>)
        tpu.yield
      }) : () -> ()
      %dma_wait3A_105 = arith.constant 0 : i32
      %dma_wait3A_106 = tpu.memref_slice %arg9[%add3A_98, %dma_wait3A_105] : memref<40x128xi32, #tpu.memory_space<vmem>> -> memref<1x128xi32, #tpu.memory_space<vmem>>
      %dma_wait3A_107 = tpu.memref_squeeze %dma_wait3A_106 : memref<1x128xi32, #tpu.memory_space<vmem>> -> memref<128xi32, #tpu.memory_space<vmem>>
      %dma_wait3A_108 = arith.constant 0 : i32
      %dma_wait3A_109 = arith.constant 0 : i32
      %dma_wait3A_110 = tpu.memref_slice %arg2[%dma_wait3A_108, %dma_wait3A_109] : memref<10000x128xf32, #tpu.memory_space<hbm>> -> memref<10000x128xf32, #tpu.memory_space<hbm>>
      tpu.wait_indirect_dma semaphore(%arg14 : memref<!tpu.dma_semaphore, #tpu.memory_space<semaphore_mem>>) src(%dma_wait3A_110 : memref<10000x128xf32, #tpu.memory_space<hbm>>) dst(%arg12 : memref<128x128xf32, #tpu.memory_space<vmem>>)
      %add3A_111 = arith.constant 2 : i32
      %add3A_112 = arith.addi %mul3A_90, %add3A_111 : i32
      %dma_start3A_113 = arith.constant 0 : i32
      %dma_start3A_114 = tpu.memref_slice %arg9[%add3A_112, %dma_start3A_113] : memref<40x128xi32, #tpu.memory_space<vmem>> -> memref<1x128xi32, #tpu.memory_space<vmem>>
      %dma_start3A_115 = tpu.memref_squeeze %dma_start3A_114 : memref<1x128xi32, #tpu.memory_space<vmem>> -> memref<128xi32, #tpu.memory_space<vmem>>
      %dma_start3A_116 = arith.constant 0 : i32
      %dma_start3A_117 = arith.constant 0 : i32
      %dma_start3A_118 = tpu.memref_slice %arg2[%dma_start3A_116, %dma_start3A_117] : memref<10000x128xf32, #tpu.memory_space<hbm>> -> memref<10000x128xf32, #tpu.memory_space<hbm>>
      tpu.enqueue_indirect_dma source(%dma_start3A_118 : memref<10000x128xf32, #tpu.memory_space<hbm>>) target(%arg11 : memref<128x128xf32, #tpu.memory_space<vmem>>) offsets(%dma_start3A_115 : memref<128xi32, #tpu.memory_space<vmem>>) semaphore(%arg13 : memref<!tpu.dma_semaphore, #tpu.memory_space<semaphore_mem>>)
      %add3A_119 = arith.constant 1 : i32
      %add3A_120 = arith.addi %mul3A_90, %add3A_119 : i32
      "tpu.region"() ({
        %run_scoped3A_121 = tpu.sem_alloc : memref<!tpu.dma_semaphore, #tpu.memory_space<semaphore_mem>>
        %dma_start3A_122 = arith.constant 0 : i32
        %dma_start3A_123 = tpu.memref_slice %arg10[%add3A_120, %dma_start3A_122] : memref<40x128xi32, #tpu.memory_space<vmem>> -> memref<1x128xi32, #tpu.memory_space<vmem>>
        %dma_start3A_124 = tpu.memref_squeeze %dma_start3A_123 : memref<1x128xi32, #tpu.memory_space<vmem>> -> memref<128xi32, #tpu.memory_space<vmem>>
        %dma_start3A_125 = arith.constant 0 : i32
        %dma_start3A_126 = arith.constant 0 : i32
        %dma_start3A_127 = tpu.memref_slice %arg8[%dma_start3A_125, %dma_start3A_126] : memref<10240x128xf32, #tpu.memory_space<vmem_shared>> -> memref<10240x128xf32, #tpu.memory_space<vmem_shared>>
        tpu.enqueue_indirect_dma source(%arg12 : memref<128x128xf32, #tpu.memory_space<vmem>>) target(%dma_start3A_127 : memref<10240x128xf32, #tpu.memory_space<vmem_shared>>) offsets(%dma_start3A_124 : memref<128xi32, #tpu.memory_space<vmem>>) semaphore(%run_scoped3A_121 : memref<!tpu.dma_semaphore, #tpu.memory_space<semaphore_mem>>) {add = true}
        %dma_wait3A_128 = arith.constant 0 : i32
        %dma_wait3A_129 = tpu.memref_slice %arg10[%add3A_120, %dma_wait3A_128] : memref<40x128xi32, #tpu.memory_space<vmem>> -> memref<1x128xi32, #tpu.memory_space<vmem>>
        %dma_wait3A_130 = tpu.memref_squeeze %dma_wait3A_129 : memref<1x128xi32, #tpu.memory_space<vmem>> -> memref<128xi32, #tpu.memory_space<vmem>>
        %dma_wait3A_131 = arith.constant 0 : i32
        %dma_wait3A_132 = arith.constant 0 : i32
        %dma_wait3A_133 = tpu.memref_slice %arg8[%dma_wait3A_131, %dma_wait3A_132] : memref<10240x128xf32, #tpu.memory_space<vmem_shared>> -> memref<10240x128xf32, #tpu.memory_space<vmem_shared>>
        tpu.wait_indirect_dma semaphore(%run_scoped3A_121 : memref<!tpu.dma_semaphore, #tpu.memory_space<semaphore_mem>>) src(%arg12 : memref<128x128xf32, #tpu.memory_space<vmem>>) dst(%dma_wait3A_133 : memref<10240x128xf32, #tpu.memory_space<vmem_shared>>)
        tpu.yield
      }) : () -> ()
    }
    %scan3A_62 = arith.constant 18 : i32
    %dma_wait3A_63 = arith.constant 0 : i32
    %dma_wait3A_64 = arith.constant 0 : i32
    %dma_wait3A_65 = tpu.memref_slice %arg2[%dma_wait3A_63, %dma_wait3A_64] : memref<10000x128xf32, #tpu.memory_space<hbm>> -> memref<128x128xf32, #tpu.memory_space<hbm>>
    %dma_wait3A_66 = arith.constant 0 : i32
    %dma_wait3A_67 = arith.constant 0 : i32
    %dma_wait3A_68 = tpu.memref_slice %arg2[%dma_wait3A_66, %dma_wait3A_67] : memref<10000x128xf32, #tpu.memory_space<hbm>> -> memref<128x128xf32, #tpu.memory_space<hbm>>
    tpu.wait_dma2 semaphore(%arg13 : memref<!tpu.dma_semaphore, #tpu.memory_space<semaphore_mem>>) src(%dma_wait3A_68 : memref<128x128xf32, #tpu.memory_space<hbm>>) dst(%arg11 : memref<128x128xf32, #tpu.memory_space<vmem>>)
    %dma_start3A_69 = arith.constant 37 : i32
    %dma_start3A_70 = arith.constant 0 : i32
    %dma_start3A_71 = tpu.memref_slice %arg9[%dma_start3A_69, %dma_start3A_70] : memref<40x128xi32, #tpu.memory_space<vmem>> -> memref<1x128xi32, #tpu.memory_space<vmem>>
    %dma_start3A_72 = tpu.memref_squeeze %dma_start3A_71 : memref<1x128xi32, #tpu.memory_space<vmem>> -> memref<128xi32, #tpu.memory_space<vmem>>
    %dma_start3A_73 = arith.constant 0 : i32
    %dma_start3A_74 = arith.constant 0 : i32
    %dma_start3A_75 = tpu.memref_slice %arg2[%dma_start3A_73, %dma_start3A_74] : memref<10000x128xf32, #tpu.memory_space<hbm>> -> memref<10000x128xf32, #tpu.memory_space<hbm>>
    tpu.enqueue_indirect_dma source(%dma_start3A_75 : memref<10000x128xf32, #tpu.memory_space<hbm>>) target(%arg12 : memref<128x128xf32, #tpu.memory_space<vmem>>) offsets(%dma_start3A_72 : memref<128xi32, #tpu.memory_space<vmem>>) semaphore(%arg14 : memref<!tpu.dma_semaphore, #tpu.memory_space<semaphore_mem>>)
    %run_scoped3A_76 = arith.constant 36 : i32
    "tpu.region"() ({
      %run_scoped3A_88 = tpu.sem_alloc : memref<!tpu.dma_semaphore, #tpu.memory_space<semaphore_mem>>
      %dma_start3A_89 = arith.constant 0 : i32
      %dma_start3A_90 = tpu.memref_slice %arg10[%run_scoped3A_76, %dma_start3A_89] : memref<40x128xi32, #tpu.memory_space<vmem>> -> memref<1x128xi32, #tpu.memory_space<vmem>>
      %dma_start3A_91 = tpu.memref_squeeze %dma_start3A_90 : memref<1x128xi32, #tpu.memory_space<vmem>> -> memref<128xi32, #tpu.memory_space<vmem>>
      %dma_start3A_92 = arith.constant 0 : i32
      %dma_start3A_93 = arith.constant 0 : i32
      %dma_start3A_94 = tpu.memref_slice %arg8[%dma_start3A_92, %dma_start3A_93] : memref<10240x128xf32, #tpu.memory_space<vmem_shared>> -> memref<10240x128xf32, #tpu.memory_space<vmem_shared>>
      tpu.enqueue_indirect_dma source(%arg11 : memref<128x128xf32, #tpu.memory_space<vmem>>) target(%dma_start3A_94 : memref<10240x128xf32, #tpu.memory_space<vmem_shared>>) offsets(%dma_start3A_91 : memref<128xi32, #tpu.memory_space<vmem>>) semaphore(%run_scoped3A_88 : memref<!tpu.dma_semaphore, #tpu.memory_space<semaphore_mem>>) {add = true}
      %dma_wait3A_95 = arith.constant 0 : i32
      %dma_wait3A_96 = tpu.memref_slice %arg10[%run_scoped3A_76, %dma_wait3A_95] : memref<40x128xi32, #tpu.memory_space<vmem>> -> memref<1x128xi32, #tpu.memory_space<vmem>>
      %dma_wait3A_97 = tpu.memref_squeeze %dma_wait3A_96 : memref<1x128xi32, #tpu.memory_space<vmem>> -> memref<128xi32, #tpu.memory_space<vmem>>
      %dma_wait3A_98 = arith.constant 0 : i32
      %dma_wait3A_99 = arith.constant 0 : i32
      %dma_wait3A_100 = tpu.memref_slice %arg8[%dma_wait3A_98, %dma_wait3A_99] : memref<10240x128xf32, #tpu.memory_space<vmem_shared>> -> memref<10240x128xf32, #tpu.memory_space<vmem_shared>>
      tpu.wait_indirect_dma semaphore(%run_scoped3A_88 : memref<!tpu.dma_semaphore, #tpu.memory_space<semaphore_mem>>) src(%arg11 : memref<128x128xf32, #tpu.memory_space<vmem>>) dst(%dma_wait3A_100 : memref<10240x128xf32, #tpu.memory_space<vmem_shared>>)
      tpu.yield
    }) : () -> ()
    %dma_wait3A_77 = arith.constant 37 : i32
    %dma_wait3A_78 = arith.constant 0 : i32
    %dma_wait3A_79 = tpu.memref_slice %arg9[%dma_wait3A_77, %dma_wait3A_78] : memref<40x128xi32, #tpu.memory_space<vmem>> -> memref<1x128xi32, #tpu.memory_space<vmem>>
    %dma_wait3A_80 = tpu.memref_squeeze %dma_wait3A_79 : memref<1x128xi32, #tpu.memory_space<vmem>> -> memref<128xi32, #tpu.memory_space<vmem>>
    %dma_wait3A_81 = arith.constant 0 : i32
    %dma_wait3A_82 = arith.constant 0 : i32
    %dma_wait3A_83 = tpu.memref_slice %arg2[%dma_wait3A_81, %dma_wait3A_82] : memref<10000x128xf32, #tpu.memory_space<hbm>> -> memref<10000x128xf32, #tpu.memory_space<hbm>>
    tpu.wait_indirect_dma semaphore(%arg14 : memref<!tpu.dma_semaphore, #tpu.memory_space<semaphore_mem>>) src(%dma_wait3A_83 : memref<10000x128xf32, #tpu.memory_space<hbm>>) dst(%arg12 : memref<128x128xf32, #tpu.memory_space<vmem>>)
    %run_scoped3A_84 = arith.constant 37 : i32
    "tpu.region"() ({
      %run_scoped3A_88 = tpu.sem_alloc : memref<!tpu.dma_semaphore, #tpu.memory_space<semaphore_mem>>
      %dma_start3A_89 = arith.constant 0 : i32
      %dma_start3A_90 = tpu.memref_slice %arg10[%run_scoped3A_84, %dma_start3A_89] : memref<40x128xi32, #tpu.memory_space<vmem>> -> memref<1x128xi32, #tpu.memory_space<vmem>>
      %dma_start3A_91 = tpu.memref_squeeze %dma_start3A_90 : memref<1x128xi32, #tpu.memory_space<vmem>> -> memref<128xi32, #tpu.memory_space<vmem>>
      %dma_start3A_92 = arith.constant 0 : i32
      %dma_start3A_93 = arith.constant 0 : i32
      %dma_start3A_94 = tpu.memref_slice %arg8[%dma_start3A_92, %dma_start3A_93] : memref<10240x128xf32, #tpu.memory_space<vmem_shared>> -> memref<10240x128xf32, #tpu.memory_space<vmem_shared>>
      tpu.enqueue_indirect_dma source(%arg12 : memref<128x128xf32, #tpu.memory_space<vmem>>) target(%dma_start3A_94 : memref<10240x128xf32, #tpu.memory_space<vmem_shared>>) offsets(%dma_start3A_91 : memref<128xi32, #tpu.memory_space<vmem>>) semaphore(%run_scoped3A_88 : memref<!tpu.dma_semaphore, #tpu.memory_space<semaphore_mem>>) {add = true}
      %dma_wait3A_95 = arith.constant 0 : i32
      %dma_wait3A_96 = tpu.memref_slice %arg10[%run_scoped3A_84, %dma_wait3A_95] : memref<40x128xi32, #tpu.memory_space<vmem>> -> memref<1x128xi32, #tpu.memory_space<vmem>>
      %dma_wait3A_97 = tpu.memref_squeeze %dma_wait3A_96 : memref<1x128xi32, #tpu.memory_space<vmem>> -> memref<128xi32, #tpu.memory_space<vmem>>
      %dma_wait3A_98 = arith.constant 0 : i32
      %dma_wait3A_99 = arith.constant 0 : i32
      %dma_wait3A_100 = tpu.memref_slice %arg8[%dma_wait3A_98, %dma_wait3A_99] : memref<10240x128xf32, #tpu.memory_space<vmem_shared>> -> memref<10240x128xf32, #tpu.memory_space<vmem_shared>>
      tpu.wait_indirect_dma semaphore(%run_scoped3A_88 : memref<!tpu.dma_semaphore, #tpu.memory_space<semaphore_mem>>) src(%arg12 : memref<128x128xf32, #tpu.memory_space<vmem>>) dst(%dma_wait3A_100 : memref<10240x128xf32, #tpu.memory_space<vmem_shared>>)
      tpu.yield
    }) : () -> ()
    %ge3A = arith.constant 28 : i32
    %ge3A_85 = arith.cmpi sge, %add3A, %ge3A : i32
    %convert_element_type3A = arith.extui %ge3A_85 : i1 to i32
    %cond3A = arith.constant 0 : i32
    %cond3A_86 = arith.cmpi ne, %convert_element_type3A, %cond3A : i32
    scf.if %cond3A_86 {
      %sub3A = arith.constant 28 : i32
      %sub3A_88 = arith.subi %add3A, %sub3A : i32
      "tpu.region"() ({
        %run_scoped3A_91 = tpu.sem_alloc : memref<!tpu.dma_semaphore, #tpu.memory_space<semaphore_mem>>
        %dma_start3A_92 = arith.constant 0 : i32
        %dma_start3A_93 = arith.constant 0 : i32
        %dma_start3A_94 = tpu.memref_slice %arg9[%dma_start3A_92, %dma_start3A_93] : memref<40x128xi32, #tpu.memory_space<vmem>> -> memref<1x128xi32, #tpu.memory_space<vmem>>
        %dma_start3A_95 = arith.constant 0 : i32
        %dma_start3A_96 = arith.constant 0 : i32
        %dma_start3A_97 = tpu.memref_slice %arg5[%sub3A_88, %dma_start3A_95, %dma_start3A_96] : memref<4x1x128xi32, #tpu.memory_space<hbm>> -> memref<1x1x128xi32, #tpu.memory_space<hbm>>
        %dma_start3A_98 = tpu.memref_squeeze %dma_start3A_97 : memref<1x1x128xi32, #tpu.memory_space<hbm>> -> memref<1x128xi32, #tpu.memory_space<hbm>>
        %dma_start3A_99 = arith.constant 0 : i32
        %dma_start3A_100 = arith.constant 0 : i32
        %dma_start3A_101 = tpu.memref_slice %arg9[%dma_start3A_99, %dma_start3A_100] : memref<40x128xi32, #tpu.memory_space<vmem>> -> memref<1x128xi32, #tpu.memory_space<vmem>>
        %dma_start3A_102 = arith.constant 0 : i32
        %dma_start3A_103 = arith.constant 0 : i32
        %dma_start3A_104 = tpu.memref_slice %arg5[%sub3A_88, %dma_start3A_102, %dma_start3A_103] : memref<4x1x128xi32, #tpu.memory_space<hbm>> -> memref<1x1x128xi32, #tpu.memory_space<hbm>>
        %dma_start3A_105 = tpu.memref_squeeze %dma_start3A_104 : memref<1x1x128xi32, #tpu.memory_space<hbm>> -> memref<1x128xi32, #tpu.memory_space<hbm>>
        tpu.enqueue_dma source(%dma_start3A_105 : memref<1x128xi32, #tpu.memory_space<hbm>>) target(%dma_start3A_101 : memref<1x128xi32, #tpu.memory_space<vmem>>) target_semaphore(%run_scoped3A_91 : memref<!tpu.dma_semaphore, #tpu.memory_space<semaphore_mem>>)
        %dma_wait3A_106 = arith.constant 0 : i32
        %dma_wait3A_107 = arith.constant 0 : i32
        %dma_wait3A_108 = tpu.memref_slice %arg9[%dma_wait3A_106, %dma_wait3A_107] : memref<40x128xi32, #tpu.memory_space<vmem>> -> memref<1x128xi32, #tpu.memory_space<vmem>>
        %dma_wait3A_109 = arith.constant 0 : i32
        %dma_wait3A_110 = arith.constant 0 : i32
        %dma_wait3A_111 = tpu.memref_slice %arg5[%sub3A_88, %dma_wait3A_109, %dma_wait3A_110] : memref<4x1x128xi32, #tpu.memory_space<hbm>> -> memref<1x1x128xi32, #tpu.memory_space<hbm>>
        %dma_wait3A_112 = tpu.memref_squeeze %dma_wait3A_111 : memref<1x1x128xi32, #tpu.memory_space<hbm>> -> memref<1x128xi32, #tpu.memory_space<hbm>>
        %dma_wait3A_113 = arith.constant 0 : i32
        %dma_wait3A_114 = arith.constant 0 : i32
        %dma_wait3A_115 = tpu.memref_slice %arg9[%dma_wait3A_113, %dma_wait3A_114] : memref<40x128xi32, #tpu.memory_space<vmem>> -> memref<1x128xi32, #tpu.memory_space<vmem>>
        %dma_wait3A_116 = arith.constant 0 : i32
        %dma_wait3A_117 = arith.constant 0 : i32
        %dma_wait3A_118 = tpu.memref_slice %arg5[%sub3A_88, %dma_wait3A_116, %dma_wait3A_117] : memref<4x1x128xi32, #tpu.memory_space<hbm>> -> memref<1x1x128xi32, #tpu.memory_space<hbm>>
        %dma_wait3A_119 = tpu.memref_squeeze %dma_wait3A_118 : memref<1x1x128xi32, #tpu.memory_space<hbm>> -> memref<1x128xi32, #tpu.memory_space<hbm>>
        tpu.wait_dma2 semaphore(%run_scoped3A_91 : memref<!tpu.dma_semaphore, #tpu.memory_space<semaphore_mem>>) src(%dma_wait3A_119 : memref<1x128xi32, #tpu.memory_space<hbm>>) dst(%dma_wait3A_115 : memref<1x128xi32, #tpu.memory_space<vmem>>)
        tpu.yield
      }) : () -> ()
      "tpu.region"() ({
        %run_scoped3A_91 = tpu.sem_alloc : memref<!tpu.dma_semaphore, #tpu.memory_space<semaphore_mem>>
        %dma_start3A_92 = arith.constant 0 : i32
        %dma_start3A_93 = arith.constant 0 : i32
        %dma_start3A_94 = tpu.memref_slice %arg10[%dma_start3A_92, %dma_start3A_93] : memref<40x128xi32, #tpu.memory_space<vmem>> -> memref<1x128xi32, #tpu.memory_space<vmem>>
        %dma_start3A_95 = arith.constant 0 : i32
        %dma_start3A_96 = arith.constant 0 : i32
        %dma_start3A_97 = tpu.memref_slice %arg6[%sub3A_88, %dma_start3A_95, %dma_start3A_96] : memref<4x1x128xi32, #tpu.memory_space<hbm>> -> memref<1x1x128xi32, #tpu.memory_space<hbm>>
        %dma_start3A_98 = tpu.memref_squeeze %dma_start3A_97 : memref<1x1x128xi32, #tpu.memory_space<hbm>> -> memref<1x128xi32, #tpu.memory_space<hbm>>
        %dma_start3A_99 = arith.constant 0 : i32
        %dma_start3A_100 = arith.constant 0 : i32
        %dma_start3A_101 = tpu.memref_slice %arg10[%dma_start3A_99, %dma_start3A_100] : memref<40x128xi32, #tpu.memory_space<vmem>> -> memref<1x128xi32, #tpu.memory_space<vmem>>
        %dma_start3A_102 = arith.constant 0 : i32
        %dma_start3A_103 = arith.constant 0 : i32
        %dma_start3A_104 = tpu.memref_slice %arg6[%sub3A_88, %dma_start3A_102, %dma_start3A_103] : memref<4x1x128xi32, #tpu.memory_space<hbm>> -> memref<1x1x128xi32, #tpu.memory_space<hbm>>
        %dma_start3A_105 = tpu.memref_squeeze %dma_start3A_104 : memref<1x1x128xi32, #tpu.memory_space<hbm>> -> memref<1x128xi32, #tpu.memory_space<hbm>>
        tpu.enqueue_dma source(%dma_start3A_105 : memref<1x128xi32, #tpu.memory_space<hbm>>) target(%dma_start3A_101 : memref<1x128xi32, #tpu.memory_space<vmem>>) target_semaphore(%run_scoped3A_91 : memref<!tpu.dma_semaphore, #tpu.memory_space<semaphore_mem>>)
        %dma_wait3A_106 = arith.constant 0 : i32
        %dma_wait3A_107 = arith.constant 0 : i32
        %dma_wait3A_108 = tpu.memref_slice %arg10[%dma_wait3A_106, %dma_wait3A_107] : memref<40x128xi32, #tpu.memory_space<vmem>> -> memref<1x128xi32, #tpu.memory_space<vmem>>
        %dma_wait3A_109 = arith.constant 0 : i32
        %dma_wait3A_110 = arith.constant 0 : i32
        %dma_wait3A_111 = tpu.memref_slice %arg6[%sub3A_88, %dma_wait3A_109, %dma_wait3A_110] : memref<4x1x128xi32, #tpu.memory_space<hbm>> -> memref<1x1x128xi32, #tpu.memory_space<hbm>>
        %dma_wait3A_112 = tpu.memref_squeeze %dma_wait3A_111 : memref<1x1x128xi32, #tpu.memory_space<hbm>> -> memref<1x128xi32, #tpu.memory_space<hbm>>
        %dma_wait3A_113 = arith.constant 0 : i32
        %dma_wait3A_114 = arith.constant 0 : i32
        %dma_wait3A_115 = tpu.memref_slice %arg10[%dma_wait3A_113, %dma_wait3A_114] : memref<40x128xi32, #tpu.memory_space<vmem>> -> memref<1x128xi32, #tpu.memory_space<vmem>>
        %dma_wait3A_116 = arith.constant 0 : i32
        %dma_wait3A_117 = arith.constant 0 : i32
        %dma_wait3A_118 = tpu.memref_slice %arg6[%sub3A_88, %dma_wait3A_116, %dma_wait3A_117] : memref<4x1x128xi32, #tpu.memory_space<hbm>> -> memref<1x1x128xi32, #tpu.memory_space<hbm>>
        %dma_wait3A_119 = tpu.memref_squeeze %dma_wait3A_118 : memref<1x1x128xi32, #tpu.memory_space<hbm>> -> memref<1x128xi32, #tpu.memory_space<hbm>>
        tpu.wait_dma2 semaphore(%run_scoped3A_91 : memref<!tpu.dma_semaphore, #tpu.memory_space<semaphore_mem>>) src(%dma_wait3A_119 : memref<1x128xi32, #tpu.memory_space<hbm>>) dst(%dma_wait3A_115 : memref<1x128xi32, #tpu.memory_space<vmem>>)
        tpu.yield
      }) : () -> ()
      %run_scoped3A_89 = arith.constant 0 : i32
      "tpu.region"() ({
        %run_scoped3A_91 = tpu.sem_alloc : memref<!tpu.dma_semaphore, #tpu.memory_space<semaphore_mem>>
        %dma_start3A_92 = arith.constant 0 : i32
        %dma_start3A_93 = tpu.memref_slice %arg9[%run_scoped3A_89, %dma_start3A_92] : memref<40x128xi32, #tpu.memory_space<vmem>> -> memref<1x128xi32, #tpu.memory_space<vmem>>
        %dma_start3A_94 = tpu.memref_squeeze %dma_start3A_93 : memref<1x128xi32, #tpu.memory_space<vmem>> -> memref<128xi32, #tpu.memory_space<vmem>>
        %dma_start3A_95 = arith.constant 0 : i32
        %dma_start3A_96 = arith.constant 0 : i32
        %dma_start3A_97 = tpu.memref_slice %arg2[%dma_start3A_95, %dma_start3A_96] : memref<10000x128xf32, #tpu.memory_space<hbm>> -> memref<10000x128xf32, #tpu.memory_space<hbm>>
        tpu.enqueue_indirect_dma source(%dma_start3A_97 : memref<10000x128xf32, #tpu.memory_space<hbm>>) target(%arg11 : memref<128x128xf32, #tpu.memory_space<vmem>>) offsets(%dma_start3A_94 : memref<128xi32, #tpu.memory_space<vmem>>) semaphore(%run_scoped3A_91 : memref<!tpu.dma_semaphore, #tpu.memory_space<semaphore_mem>>)
        %dma_wait3A_98 = arith.constant 0 : i32
        %dma_wait3A_99 = tpu.memref_slice %arg9[%run_scoped3A_89, %dma_wait3A_98] : memref<40x128xi32, #tpu.memory_space<vmem>> -> memref<1x128xi32, #tpu.memory_space<vmem>>
        %dma_wait3A_100 = tpu.memref_squeeze %dma_wait3A_99 : memref<1x128xi32, #tpu.memory_space<vmem>> -> memref<128xi32, #tpu.memory_space<vmem>>
        %dma_wait3A_101 = arith.constant 0 : i32
        %dma_wait3A_102 = arith.constant 0 : i32
        %dma_wait3A_103 = tpu.memref_slice %arg2[%dma_wait3A_101, %dma_wait3A_102] : memref<10000x128xf32, #tpu.memory_space<hbm>> -> memref<10000x128xf32, #tpu.memory_space<hbm>>
        tpu.wait_indirect_dma semaphore(%run_scoped3A_91 : memref<!tpu.dma_semaphore, #tpu.memory_space<semaphore_mem>>) src(%dma_wait3A_103 : memref<10000x128xf32, #tpu.memory_space<hbm>>) dst(%arg11 : memref<128x128xf32, #tpu.memory_space<vmem>>)
        tpu.yield
      }) : () -> ()
      %run_scoped3A_90 = arith.constant 0 : i32
      "tpu.region"() ({
        %run_scoped3A_91 = tpu.sem_alloc : memref<!tpu.dma_semaphore, #tpu.memory_space<semaphore_mem>>
        %dma_start3A_92 = arith.constant 0 : i32
        %dma_start3A_93 = tpu.memref_slice %arg10[%run_scoped3A_90, %dma_start3A_92] : memref<40x128xi32, #tpu.memory_space<vmem>> -> memref<1x128xi32, #tpu.memory_space<vmem>>
        %dma_start3A_94 = tpu.memref_squeeze %dma_start3A_93 : memref<1x128xi32, #tpu.memory_space<vmem>> -> memref<128xi32, #tpu.memory_space<vmem>>
        %dma_start3A_95 = arith.constant 0 : i32
        %dma_start3A_96 = arith.constant 0 : i32
        %dma_start3A_97 = tpu.memref_slice %arg8[%dma_start3A_95, %dma_start3A_96] : memref<10240x128xf32, #tpu.memory_space<vmem_shared>> -> memref<10240x128xf32, #tpu.memory_space<vmem_shared>>
        tpu.enqueue_indirect_dma source(%arg11 : memref<128x128xf32, #tpu.memory_space<vmem>>) target(%dma_start3A_97 : memref<10240x128xf32, #tpu.memory_space<vmem_shared>>) offsets(%dma_start3A_94 : memref<128xi32, #tpu.memory_space<vmem>>) semaphore(%run_scoped3A_91 : memref<!tpu.dma_semaphore, #tpu.memory_space<semaphore_mem>>) {add = true}
        %dma_wait3A_98 = arith.constant 0 : i32
        %dma_wait3A_99 = tpu.memref_slice %arg10[%run_scoped3A_90, %dma_wait3A_98] : memref<40x128xi32, #tpu.memory_space<vmem>> -> memref<1x128xi32, #tpu.memory_space<vmem>>
        %dma_wait3A_100 = tpu.memref_squeeze %dma_wait3A_99 : memref<1x128xi32, #tpu.memory_space<vmem>> -> memref<128xi32, #tpu.memory_space<vmem>>
        %dma_wait3A_101 = arith.constant 0 : i32
        %dma_wait3A_102 = arith.constant 0 : i32
        %dma_wait3A_103 = tpu.memref_slice %arg8[%dma_wait3A_101, %dma_wait3A_102] : memref<10240x128xf32, #tpu.memory_space<vmem_shared>> -> memref<10240x128xf32, #tpu.memory_space<vmem_shared>>
        tpu.wait_indirect_dma semaphore(%run_scoped3A_91 : memref<!tpu.dma_semaphore, #tpu.memory_space<semaphore_mem>>) src(%arg11 : memref<128x128xf32, #tpu.memory_space<vmem>>) dst(%dma_wait3A_103 : memref<10240x128xf32, #tpu.memory_space<vmem_shared>>)
        tpu.yield
      }) : () -> ()
    } else {
    }
    %barrier3A_87 = arith.constant 0 : index
    tpu.barrier barrier_id(%barrier3A_87)
    "tpu.region"() ({
      %run_scoped3A_88 = tpu.sem_alloc : memref<!tpu.dma_semaphore, #tpu.memory_space<semaphore_mem>>
      %dma_start3A_89 = arith.constant 0 : i32
      %dma_start3A_90 = tpu.memref_slice %arg7[%arg0, %mul3A_13, %dma_start3A_89] : memref<2x10240x128xf32, #tpu.memory_space<hbm>> -> memref<1x640x128xf32, #tpu.memory_space<hbm>>
      %dma_start3A_91 = tpu.memref_squeeze %dma_start3A_90 : memref<1x640x128xf32, #tpu.memory_space<hbm>> -> memref<640x128xf32, #tpu.memory_space<hbm>>
      %dma_start3A_92 = arith.constant 0 : i32
      %dma_start3A_93 = tpu.memref_slice %arg8[%mul3A_13, %dma_start3A_92] : memref<10240x128xf32, #tpu.memory_space<vmem_shared>> -> memref<640x128xf32, #tpu.memory_space<vmem_shared>>
      tpu.enqueue_dma source(%dma_start3A_93 : memref<640x128xf32, #tpu.memory_space<vmem_shared>>) target(%dma_start3A_91 : memref<640x128xf32, #tpu.memory_space<hbm>>) target_semaphore(%run_scoped3A_88 : memref<!tpu.dma_semaphore, #tpu.memory_space<semaphore_mem>>)
      %dma_wait3A_94 = arith.constant 0 : i32
      %dma_wait3A_95 = tpu.memref_slice %arg7[%arg0, %mul3A_13, %dma_wait3A_94] : memref<2x10240x128xf32, #tpu.memory_space<hbm>> -> memref<1x640x128xf32, #tpu.memory_space<hbm>>
      %dma_wait3A_96 = tpu.memref_squeeze %dma_wait3A_95 : memref<1x640x128xf32, #tpu.memory_space<hbm>> -> memref<640x128xf32, #tpu.memory_space<hbm>>
      %dma_wait3A_97 = arith.constant 0 : i32
      %dma_wait3A_98 = tpu.memref_slice %arg8[%mul3A_13, %dma_wait3A_97] : memref<10240x128xf32, #tpu.memory_space<vmem_shared>> -> memref<640x128xf32, #tpu.memory_space<vmem_shared>>
      tpu.wait_dma2 semaphore(%run_scoped3A_88 : memref<!tpu.dma_semaphore, #tpu.memory_space<semaphore_mem>>) src(%dma_wait3A_98 : memref<640x128xf32, #tpu.memory_space<vmem_shared>>) dst(%dma_wait3A_96 : memref<640x128xf32, #tpu.memory_space<hbm>>)
      tpu.yield
    }) : () -> ()
    return
  }
}

#map = affine_map<(d0, d1) -> (0, 0, 0)>
#map1 = affine_map<(d0, d1) -> (0, 0)>
module attributes {stable_mosaic.version = 14 : i64} {
  func.func @_deg_sc(%arg0: i32, %arg1: i32, %arg2: memref<32x78x128xi32, #tpu.memory_space<hbm>>, %arg3: memref<4x1x128xi32, #tpu.memory_space<hbm>>, %arg4: memref<2x10240xf32, #tpu.memory_space<hbm>>, %arg5: memref<10240xf32, #tpu.memory_space<vmem_shared>>, %arg6: memref<78x128xi32, #tpu.memory_space<vmem>>, %arg7: memref<128xf32, #tpu.memory_space<vmem>>) attributes {dimension_semantics = [#tpu.dimension_semantics<core_parallel>, #tpu.dimension_semantics<subcore_parallel>], iteration_bounds = array<i64: 2, 16>, scalar_prefetch = 0 : i64, scratch_operands = 3 : i64, tpu.core_type = #tpu.core_type<sc_vector_subcore>, window_params = [{transform_indices = #map}, {transform_indices = #map}, {transform_indices = #map1}]} {
    %mul3A = arith.constant 16 : i32
    %mul3A_0 = arith.muli %arg0, %mul3A : i32
    %add3A = arith.addi %mul3A_0, %arg1 : i32
    "tpu.region"() ({
      %run_scoped3A = tpu.sem_alloc : memref<!tpu.dma_semaphore, #tpu.memory_space<semaphore_mem>>
      %dma_start3A = arith.constant 0 : i32
      %dma_start3A_33 = arith.constant 0 : i32
      %dma_start3A_34 = tpu.memref_slice %arg2[%add3A, %dma_start3A, %dma_start3A_33] : memref<32x78x128xi32, #tpu.memory_space<hbm>> -> memref<1x78x128xi32, #tpu.memory_space<hbm>>
      %dma_start3A_35 = tpu.memref_squeeze %dma_start3A_34 : memref<1x78x128xi32, #tpu.memory_space<hbm>> -> memref<78x128xi32, #tpu.memory_space<hbm>>
      %dma_start3A_36 = arith.constant 0 : i32
      %dma_start3A_37 = arith.constant 0 : i32
      %dma_start3A_38 = tpu.memref_slice %arg2[%add3A, %dma_start3A_36, %dma_start3A_37] : memref<32x78x128xi32, #tpu.memory_space<hbm>> -> memref<1x78x128xi32, #tpu.memory_space<hbm>>
      %dma_start3A_39 = tpu.memref_squeeze %dma_start3A_38 : memref<1x78x128xi32, #tpu.memory_space<hbm>> -> memref<78x128xi32, #tpu.memory_space<hbm>>
      tpu.enqueue_dma source(%dma_start3A_39 : memref<78x128xi32, #tpu.memory_space<hbm>>) target(%arg6 : memref<78x128xi32, #tpu.memory_space<vmem>>) target_semaphore(%run_scoped3A : memref<!tpu.dma_semaphore, #tpu.memory_space<semaphore_mem>>)
      %dma_wait3A = arith.constant 0 : i32
      %dma_wait3A_40 = arith.constant 0 : i32
      %dma_wait3A_41 = tpu.memref_slice %arg2[%add3A, %dma_wait3A, %dma_wait3A_40] : memref<32x78x128xi32, #tpu.memory_space<hbm>> -> memref<1x78x128xi32, #tpu.memory_space<hbm>>
      %dma_wait3A_42 = tpu.memref_squeeze %dma_wait3A_41 : memref<1x78x128xi32, #tpu.memory_space<hbm>> -> memref<78x128xi32, #tpu.memory_space<hbm>>
      %dma_wait3A_43 = arith.constant 0 : i32
      %dma_wait3A_44 = arith.constant 0 : i32
      %dma_wait3A_45 = tpu.memref_slice %arg2[%add3A, %dma_wait3A_43, %dma_wait3A_44] : memref<32x78x128xi32, #tpu.memory_space<hbm>> -> memref<1x78x128xi32, #tpu.memory_space<hbm>>
      %dma_wait3A_46 = tpu.memref_squeeze %dma_wait3A_45 : memref<1x78x128xi32, #tpu.memory_space<hbm>> -> memref<78x128xi32, #tpu.memory_space<hbm>>
      tpu.wait_dma2 semaphore(%run_scoped3A : memref<!tpu.dma_semaphore, #tpu.memory_space<semaphore_mem>>) src(%dma_wait3A_46 : memref<78x128xi32, #tpu.memory_space<hbm>>) dst(%arg6 : memref<78x128xi32, #tpu.memory_space<vmem>>)
      tpu.yield
    }) : () -> ()
    %scan3A = arith.constant 0 : i32
    %scan3A_1 = arith.constant 0 : i32
    %scan3A_2 = arith.constant 8 : i32
    %scan3A_3 = arith.addi %scan3A_1, %scan3A_2 : i32
    %scan3A_4 = arith.constant 1 : i32
    scf.for %scan3A_33 = %scan3A_1 to %scan3A_3 step %scan3A_4  : i32 {
      %broadcast_in_dim3A = arith.constant 0.000000e+00 : f32
      %broadcast_in_dim3A_34 = vector.broadcast %broadcast_in_dim3A : f32 to vector<16xf32>
      %mul3A_35 = arith.constant 16 : i32
      %mul3A_36 = arith.muli %scan3A_33, %mul3A_35 : i32
      %swap3A = arith.index_cast %mul3A_36 : i32 to index
      %swap3A_37 = tpu.vector_load %arg7[%swap3A] {strides = array<i32>} : memref<128xf32, #tpu.memory_space<vmem>>, vector<16xf32>,
      %swap3A_38 = vector.shape_cast %swap3A_37 : vector<16xf32> to vector<16xf32>
      %swap3A_39 = vector.shape_cast %broadcast_in_dim3A_34 : vector<16xf32> to vector<16xf32>
      tpu.vector_store %arg7[%swap3A], %swap3A_39 {strides = array<i32>} : memref<128xf32, #tpu.memory_space<vmem>>, vector<16xf32>,
    }
    %scan3A_5 = arith.constant 8 : i32
    %mul3A_6 = arith.constant 640 : i32
    %mul3A_7 = arith.muli %arg1, %mul3A_6 : i32
    %add3A_8 = arith.constant 0 : i32
    %add3A_9 = arith.addi %mul3A_7, %add3A_8 : i32
    "tpu.region"() ({
      %run_scoped3A = tpu.sem_alloc : memref<!tpu.dma_semaphore, #tpu.memory_space<semaphore_mem>>
      %dma_start3A = tpu.memref_slice %arg5[%add3A_9] : memref<10240xf32, #tpu.memory_space<vmem_shared>> -> memref<128xf32, #tpu.memory_space<vmem_shared>>
      %dma_start3A_33 = tpu.memref_slice %arg5[%add3A_9] : memref<10240xf32, #tpu.memory_space<vmem_shared>> -> memref<128xf32, #tpu.memory_space<vmem_shared>>
      tpu.enqueue_dma source(%arg7 : memref<128xf32, #tpu.memory_space<vmem>>) target(%dma_start3A_33 : memref<128xf32, #tpu.memory_space<vmem_shared>>) target_semaphore(%run_scoped3A : memref<!tpu.dma_semaphore, #tpu.memory_space<semaphore_mem>>)
      %dma_wait3A = tpu.memref_slice %arg5[%add3A_9] : memref<10240xf32, #tpu.memory_space<vmem_shared>> -> memref<128xf32, #tpu.memory_space<vmem_shared>>
      %dma_wait3A_34 = tpu.memref_slice %arg5[%add3A_9] : memref<10240xf32, #tpu.memory_space<vmem_shared>> -> memref<128xf32, #tpu.memory_space<vmem_shared>>
      tpu.wait_dma2 semaphore(%run_scoped3A : memref<!tpu.dma_semaphore, #tpu.memory_space<semaphore_mem>>) src(%arg7 : memref<128xf32, #tpu.memory_space<vmem>>) dst(%dma_wait3A_34 : memref<128xf32, #tpu.memory_space<vmem_shared>>)
      tpu.yield
    }) : () -> ()
    %add3A_10 = arith.constant 128 : i32
    %add3A_11 = arith.addi %mul3A_7, %add3A_10 : i32
    "tpu.region"() ({
      %run_scoped3A = tpu.sem_alloc : memref<!tpu.dma_semaphore, #tpu.memory_space<semaphore_mem>>
      %dma_start3A = tpu.memref_slice %arg5[%add3A_11] : memref<10240xf32, #tpu.memory_space<vmem_shared>> -> memref<128xf32, #tpu.memory_space<vmem_shared>>
      %dma_start3A_33 = tpu.memref_slice %arg5[%add3A_11] : memref<10240xf32, #tpu.memory_space<vmem_shared>> -> memref<128xf32, #tpu.memory_space<vmem_shared>>
      tpu.enqueue_dma source(%arg7 : memref<128xf32, #tpu.memory_space<vmem>>) target(%dma_start3A_33 : memref<128xf32, #tpu.memory_space<vmem_shared>>) target_semaphore(%run_scoped3A : memref<!tpu.dma_semaphore, #tpu.memory_space<semaphore_mem>>)
      %dma_wait3A = tpu.memref_slice %arg5[%add3A_11] : memref<10240xf32, #tpu.memory_space<vmem_shared>> -> memref<128xf32, #tpu.memory_space<vmem_shared>>
      %dma_wait3A_34 = tpu.memref_slice %arg5[%add3A_11] : memref<10240xf32, #tpu.memory_space<vmem_shared>> -> memref<128xf32, #tpu.memory_space<vmem_shared>>
      tpu.wait_dma2 semaphore(%run_scoped3A : memref<!tpu.dma_semaphore, #tpu.memory_space<semaphore_mem>>) src(%arg7 : memref<128xf32, #tpu.memory_space<vmem>>) dst(%dma_wait3A_34 : memref<128xf32, #tpu.memory_space<vmem_shared>>)
      tpu.yield
    }) : () -> ()
    %add3A_12 = arith.constant 256 : i32
    %add3A_13 = arith.addi %mul3A_7, %add3A_12 : i32
    "tpu.region"() ({
      %run_scoped3A = tpu.sem_alloc : memref<!tpu.dma_semaphore, #tpu.memory_space<semaphore_mem>>
      %dma_start3A = tpu.memref_slice %arg5[%add3A_13] : memref<10240xf32, #tpu.memory_space<vmem_shared>> -> memref<128xf32, #tpu.memory_space<vmem_shared>>
      %dma_start3A_33 = tpu.memref_slice %arg5[%add3A_13] : memref<10240xf32, #tpu.memory_space<vmem_shared>> -> memref<128xf32, #tpu.memory_space<vmem_shared>>
      tpu.enqueue_dma source(%arg7 : memref<128xf32, #tpu.memory_space<vmem>>) target(%dma_start3A_33 : memref<128xf32, #tpu.memory_space<vmem_shared>>) target_semaphore(%run_scoped3A : memref<!tpu.dma_semaphore, #tpu.memory_space<semaphore_mem>>)
      %dma_wait3A = tpu.memref_slice %arg5[%add3A_13] : memref<10240xf32, #tpu.memory_space<vmem_shared>> -> memref<128xf32, #tpu.memory_space<vmem_shared>>
      %dma_wait3A_34 = tpu.memref_slice %arg5[%add3A_13] : memref<10240xf32, #tpu.memory_space<vmem_shared>> -> memref<128xf32, #tpu.memory_space<vmem_shared>>
      tpu.wait_dma2 semaphore(%run_scoped3A : memref<!tpu.dma_semaphore, #tpu.memory_space<semaphore_mem>>) src(%arg7 : memref<128xf32, #tpu.memory_space<vmem>>) dst(%dma_wait3A_34 : memref<128xf32, #tpu.memory_space<vmem_shared>>)
      tpu.yield
    }) : () -> ()
    %add3A_14 = arith.constant 384 : i32
    %add3A_15 = arith.addi %mul3A_7, %add3A_14 : i32
    "tpu.region"() ({
      %run_scoped3A = tpu.sem_alloc : memref<!tpu.dma_semaphore, #tpu.memory_space<semaphore_mem>>
      %dma_start3A = tpu.memref_slice %arg5[%add3A_15] : memref<10240xf32, #tpu.memory_space<vmem_shared>> -> memref<128xf32, #tpu.memory_space<vmem_shared>>
      %dma_start3A_33 = tpu.memref_slice %arg5[%add3A_15] : memref<10240xf32, #tpu.memory_space<vmem_shared>> -> memref<128xf32, #tpu.memory_space<vmem_shared>>
      tpu.enqueue_dma source(%arg7 : memref<128xf32, #tpu.memory_space<vmem>>) target(%dma_start3A_33 : memref<128xf32, #tpu.memory_space<vmem_shared>>) target_semaphore(%run_scoped3A : memref<!tpu.dma_semaphore, #tpu.memory_space<semaphore_mem>>)
      %dma_wait3A = tpu.memref_slice %arg5[%add3A_15] : memref<10240xf32, #tpu.memory_space<vmem_shared>> -> memref<128xf32, #tpu.memory_space<vmem_shared>>
      %dma_wait3A_34 = tpu.memref_slice %arg5[%add3A_15] : memref<10240xf32, #tpu.memory_space<vmem_shared>> -> memref<128xf32, #tpu.memory_space<vmem_shared>>
      tpu.wait_dma2 semaphore(%run_scoped3A : memref<!tpu.dma_semaphore, #tpu.memory_space<semaphore_mem>>) src(%arg7 : memref<128xf32, #tpu.memory_space<vmem>>) dst(%dma_wait3A_34 : memref<128xf32, #tpu.memory_space<vmem_shared>>)
      tpu.yield
    }) : () -> ()
    %add3A_16 = arith.constant 512 : i32
    %add3A_17 = arith.addi %mul3A_7, %add3A_16 : i32
    "tpu.region"() ({
      %run_scoped3A = tpu.sem_alloc : memref<!tpu.dma_semaphore, #tpu.memory_space<semaphore_mem>>
      %dma_start3A = tpu.memref_slice %arg5[%add3A_17] : memref<10240xf32, #tpu.memory_space<vmem_shared>> -> memref<128xf32, #tpu.memory_space<vmem_shared>>
      %dma_start3A_33 = tpu.memref_slice %arg5[%add3A_17] : memref<10240xf32, #tpu.memory_space<vmem_shared>> -> memref<128xf32, #tpu.memory_space<vmem_shared>>
      tpu.enqueue_dma source(%arg7 : memref<128xf32, #tpu.memory_space<vmem>>) target(%dma_start3A_33 : memref<128xf32, #tpu.memory_space<vmem_shared>>) target_semaphore(%run_scoped3A : memref<!tpu.dma_semaphore, #tpu.memory_space<semaphore_mem>>)
      %dma_wait3A = tpu.memref_slice %arg5[%add3A_17] : memref<10240xf32, #tpu.memory_space<vmem_shared>> -> memref<128xf32, #tpu.memory_space<vmem_shared>>
      %dma_wait3A_34 = tpu.memref_slice %arg5[%add3A_17] : memref<10240xf32, #tpu.memory_space<vmem_shared>> -> memref<128xf32, #tpu.memory_space<vmem_shared>>
      tpu.wait_dma2 semaphore(%run_scoped3A : memref<!tpu.dma_semaphore, #tpu.memory_space<semaphore_mem>>) src(%arg7 : memref<128xf32, #tpu.memory_space<vmem>>) dst(%dma_wait3A_34 : memref<128xf32, #tpu.memory_space<vmem_shared>>)
      tpu.yield
    }) : () -> ()
    %scan3A_18 = arith.constant 0 : i32
    %scan3A_19 = arith.constant 0 : i32
    %scan3A_20 = arith.constant 8 : i32
    %scan3A_21 = arith.addi %scan3A_19, %scan3A_20 : i32
    %scan3A_22 = arith.constant 1 : i32
    scf.for %scan3A_33 = %scan3A_19 to %scan3A_21 step %scan3A_22  : i32 {
      %broadcast_in_dim3A = arith.constant 1.000000e+00 : f32
      %broadcast_in_dim3A_34 = vector.broadcast %broadcast_in_dim3A : f32 to vector<16xf32>
      %mul3A_35 = arith.constant 16 : i32
      %mul3A_36 = arith.muli %scan3A_33, %mul3A_35 : i32
      %swap3A = arith.index_cast %mul3A_36 : i32 to index
      %swap3A_37 = tpu.vector_load %arg7[%swap3A] {strides = array<i32>} : memref<128xf32, #tpu.memory_space<vmem>>, vector<16xf32>,
      %swap3A_38 = vector.shape_cast %swap3A_37 : vector<16xf32> to vector<16xf32>
      %swap3A_39 = vector.shape_cast %broadcast_in_dim3A_34 : vector<16xf32> to vector<16xf32>
      tpu.vector_store %arg7[%swap3A], %swap3A_39 {strides = array<i32>} : memref<128xf32, #tpu.memory_space<vmem>>, vector<16xf32>,
    }
    %scan3A_23 = arith.constant 8 : i32
    %barrier3A = arith.constant 0 : index
    tpu.barrier barrier_id(%barrier3A)
    %scan3A_24 = arith.constant 0 : i32
    %scan3A_25 = arith.constant 0 : i32
    %scan3A_26 = arith.constant 78 : i32
    %scan3A_27 = arith.addi %scan3A_25, %scan3A_26 : i32
    %scan3A_28 = arith.constant 1 : i32
    scf.for %scan3A_33 = %scan3A_25 to %scan3A_27 step %scan3A_28  : i32 {
      "tpu.region"() ({
        %run_scoped3A = tpu.sem_alloc : memref<!tpu.dma_semaphore, #tpu.memory_space<semaphore_mem>>
        %dma_start3A = arith.constant 0 : i32
        %dma_start3A_34 = tpu.memref_slice %arg7[%dma_start3A] : memref<128xf32, #tpu.memory_space<vmem>> -> memref<128xf32, #tpu.memory_space<vmem>>
        %dma_start3A_35 = arith.constant 0 : i32
        %dma_start3A_36 = tpu.memref_slice %arg6[%scan3A_33, %dma_start3A_35] : memref<78x128xi32, #tpu.memory_space<vmem>> -> memref<1x128xi32, #tpu.memory_space<vmem>>
        %dma_start3A_37 = tpu.memref_squeeze %dma_start3A_36 : memref<1x128xi32, #tpu.memory_space<vmem>> -> memref<128xi32, #tpu.memory_space<vmem>>
        %dma_start3A_38 = arith.constant 0 : i32
        %dma_start3A_39 = tpu.memref_slice %arg5[%dma_start3A_38] : memref<10240xf32, #tpu.memory_space<vmem_shared>> -> memref<10240xf32, #tpu.memory_space<vmem_shared>>
        tpu.enqueue_indirect_dma source(%dma_start3A_34 : memref<128xf32, #tpu.memory_space<vmem>>) target(%dma_start3A_39 : memref<10240xf32, #tpu.memory_space<vmem_shared>>) offsets(%dma_start3A_37 : memref<128xi32, #tpu.memory_space<vmem>>) semaphore(%run_scoped3A : memref<!tpu.dma_semaphore, #tpu.memory_space<semaphore_mem>>) {add = true}
        %dma_wait3A = arith.constant 0 : i32
        %dma_wait3A_40 = tpu.memref_slice %arg7[%dma_wait3A] : memref<128xf32, #tpu.memory_space<vmem>> -> memref<128xf32, #tpu.memory_space<vmem>>
        %dma_wait3A_41 = arith.constant 0 : i32
        %dma_wait3A_42 = tpu.memref_slice %arg6[%scan3A_33, %dma_wait3A_41] : memref<78x128xi32, #tpu.memory_space<vmem>> -> memref<1x128xi32, #tpu.memory_space<vmem>>
        %dma_wait3A_43 = tpu.memref_squeeze %dma_wait3A_42 : memref<1x128xi32, #tpu.memory_space<vmem>> -> memref<128xi32, #tpu.memory_space<vmem>>
        %dma_wait3A_44 = arith.constant 0 : i32
        %dma_wait3A_45 = tpu.memref_slice %arg5[%dma_wait3A_44] : memref<10240xf32, #tpu.memory_space<vmem_shared>> -> memref<10240xf32, #tpu.memory_space<vmem_shared>>
        tpu.wait_indirect_dma semaphore(%run_scoped3A : memref<!tpu.dma_semaphore, #tpu.memory_space<semaphore_mem>>) src(%dma_wait3A_40 : memref<128xf32, #tpu.memory_space<vmem>>) dst(%dma_wait3A_45 : memref<10240xf32, #tpu.memory_space<vmem_shared>>)
        tpu.yield
      }) : () -> ()
    }
    %scan3A_29 = arith.constant 78 : i32
    %ge3A = arith.constant 28 : i32
    %ge3A_30 = arith.cmpi sge, %add3A, %ge3A : i32
    %convert_element_type3A = arith.extui %ge3A_30 : i1 to i32
    %cond3A = arith.constant 0 : i32
    %cond3A_31 = arith.cmpi ne, %convert_element_type3A, %cond3A : i32
    scf.if %cond3A_31 {
      %sub3A = arith.constant 28 : i32
      %sub3A_33 = arith.subi %add3A, %sub3A : i32
      "tpu.region"() ({
        %run_scoped3A_34 = tpu.sem_alloc : memref<!tpu.dma_semaphore, #tpu.memory_space<semaphore_mem>>
        %dma_start3A = arith.constant 0 : i32
        %dma_start3A_35 = arith.constant 0 : i32
        %dma_start3A_36 = tpu.memref_slice %arg6[%dma_start3A, %dma_start3A_35] : memref<78x128xi32, #tpu.memory_space<vmem>> -> memref<1x128xi32, #tpu.memory_space<vmem>>
        %dma_start3A_37 = arith.constant 0 : i32
        %dma_start3A_38 = arith.constant 0 : i32
        %dma_start3A_39 = tpu.memref_slice %arg3[%sub3A_33, %dma_start3A_37, %dma_start3A_38] : memref<4x1x128xi32, #tpu.memory_space<hbm>> -> memref<1x1x128xi32, #tpu.memory_space<hbm>>
        %dma_start3A_40 = tpu.memref_squeeze %dma_start3A_39 : memref<1x1x128xi32, #tpu.memory_space<hbm>> -> memref<1x128xi32, #tpu.memory_space<hbm>>
        %dma_start3A_41 = arith.constant 0 : i32
        %dma_start3A_42 = arith.constant 0 : i32
        %dma_start3A_43 = tpu.memref_slice %arg6[%dma_start3A_41, %dma_start3A_42] : memref<78x128xi32, #tpu.memory_space<vmem>> -> memref<1x128xi32, #tpu.memory_space<vmem>>
        %dma_start3A_44 = arith.constant 0 : i32
        %dma_start3A_45 = arith.constant 0 : i32
        %dma_start3A_46 = tpu.memref_slice %arg3[%sub3A_33, %dma_start3A_44, %dma_start3A_45] : memref<4x1x128xi32, #tpu.memory_space<hbm>> -> memref<1x1x128xi32, #tpu.memory_space<hbm>>
        %dma_start3A_47 = tpu.memref_squeeze %dma_start3A_46 : memref<1x1x128xi32, #tpu.memory_space<hbm>> -> memref<1x128xi32, #tpu.memory_space<hbm>>
        tpu.enqueue_dma source(%dma_start3A_47 : memref<1x128xi32, #tpu.memory_space<hbm>>) target(%dma_start3A_43 : memref<1x128xi32, #tpu.memory_space<vmem>>) target_semaphore(%run_scoped3A_34 : memref<!tpu.dma_semaphore, #tpu.memory_space<semaphore_mem>>)
        %dma_wait3A = arith.constant 0 : i32
        %dma_wait3A_48 = arith.constant 0 : i32
        %dma_wait3A_49 = tpu.memref_slice %arg6[%dma_wait3A, %dma_wait3A_48] : memref<78x128xi32, #tpu.memory_space<vmem>> -> memref<1x128xi32, #tpu.memory_space<vmem>>
        %dma_wait3A_50 = arith.constant 0 : i32
        %dma_wait3A_51 = arith.constant 0 : i32
        %dma_wait3A_52 = tpu.memref_slice %arg3[%sub3A_33, %dma_wait3A_50, %dma_wait3A_51] : memref<4x1x128xi32, #tpu.memory_space<hbm>> -> memref<1x1x128xi32, #tpu.memory_space<hbm>>
        %dma_wait3A_53 = tpu.memref_squeeze %dma_wait3A_52 : memref<1x1x128xi32, #tpu.memory_space<hbm>> -> memref<1x128xi32, #tpu.memory_space<hbm>>
        %dma_wait3A_54 = arith.constant 0 : i32
        %dma_wait3A_55 = arith.constant 0 : i32
        %dma_wait3A_56 = tpu.memref_slice %arg6[%dma_wait3A_54, %dma_wait3A_55] : memref<78x128xi32, #tpu.memory_space<vmem>> -> memref<1x128xi32, #tpu.memory_space<vmem>>
        %dma_wait3A_57 = arith.constant 0 : i32
        %dma_wait3A_58 = arith.constant 0 : i32
        %dma_wait3A_59 = tpu.memref_slice %arg3[%sub3A_33, %dma_wait3A_57, %dma_wait3A_58] : memref<4x1x128xi32, #tpu.memory_space<hbm>> -> memref<1x1x128xi32, #tpu.memory_space<hbm>>
        %dma_wait3A_60 = tpu.memref_squeeze %dma_wait3A_59 : memref<1x1x128xi32, #tpu.memory_space<hbm>> -> memref<1x128xi32, #tpu.memory_space<hbm>>
        tpu.wait_dma2 semaphore(%run_scoped3A_34 : memref<!tpu.dma_semaphore, #tpu.memory_space<semaphore_mem>>) src(%dma_wait3A_60 : memref<1x128xi32, #tpu.memory_space<hbm>>) dst(%dma_wait3A_56 : memref<1x128xi32, #tpu.memory_space<vmem>>)
        tpu.yield
      }) : () -> ()
      %run_scoped3A = arith.constant 0 : i32
      "tpu.region"() ({
        %run_scoped3A_34 = tpu.sem_alloc : memref<!tpu.dma_semaphore, #tpu.memory_space<semaphore_mem>>
        %dma_start3A = arith.constant 0 : i32
        %dma_start3A_35 = tpu.memref_slice %arg6[%run_scoped3A, %dma_start3A] : memref<78x128xi32, #tpu.memory_space<vmem>> -> memref<1x128xi32, #tpu.memory_space<vmem>>
        %dma_start3A_36 = tpu.memref_squeeze %dma_start3A_35 : memref<1x128xi32, #tpu.memory_space<vmem>> -> memref<128xi32, #tpu.memory_space<vmem>>
        %dma_start3A_37 = arith.constant 0 : i32
        %dma_start3A_38 = tpu.memref_slice %arg5[%dma_start3A_37] : memref<10240xf32, #tpu.memory_space<vmem_shared>> -> memref<10240xf32, #tpu.memory_space<vmem_shared>>
        tpu.enqueue_indirect_dma source(%arg7 : memref<128xf32, #tpu.memory_space<vmem>>) target(%dma_start3A_38 : memref<10240xf32, #tpu.memory_space<vmem_shared>>) offsets(%dma_start3A_36 : memref<128xi32, #tpu.memory_space<vmem>>) semaphore(%run_scoped3A_34 : memref<!tpu.dma_semaphore, #tpu.memory_space<semaphore_mem>>) {add = true}
        %dma_wait3A = arith.constant 0 : i32
        %dma_wait3A_39 = tpu.memref_slice %arg6[%run_scoped3A, %dma_wait3A] : memref<78x128xi32, #tpu.memory_space<vmem>> -> memref<1x128xi32, #tpu.memory_space<vmem>>
        %dma_wait3A_40 = tpu.memref_squeeze %dma_wait3A_39 : memref<1x128xi32, #tpu.memory_space<vmem>> -> memref<128xi32, #tpu.memory_space<vmem>>
        %dma_wait3A_41 = arith.constant 0 : i32
        %dma_wait3A_42 = tpu.memref_slice %arg5[%dma_wait3A_41] : memref<10240xf32, #tpu.memory_space<vmem_shared>> -> memref<10240xf32, #tpu.memory_space<vmem_shared>>
        tpu.wait_indirect_dma semaphore(%run_scoped3A_34 : memref<!tpu.dma_semaphore, #tpu.memory_space<semaphore_mem>>) src(%arg7 : memref<128xf32, #tpu.memory_space<vmem>>) dst(%dma_wait3A_42 : memref<10240xf32, #tpu.memory_space<vmem_shared>>)
        tpu.yield
      }) : () -> ()
    } else {
    }
    %barrier3A_32 = arith.constant 0 : index
    tpu.barrier barrier_id(%barrier3A_32)
    "tpu.region"() ({
      %run_scoped3A = tpu.sem_alloc : memref<!tpu.dma_semaphore, #tpu.memory_space<semaphore_mem>>
      %dma_start3A = tpu.memref_slice %arg4[%arg0, %mul3A_7] : memref<2x10240xf32, #tpu.memory_space<hbm>> -> memref<1x640xf32, #tpu.memory_space<hbm>>
      %dma_start3A_33 = tpu.memref_squeeze %dma_start3A : memref<1x640xf32, #tpu.memory_space<hbm>> -> memref<640xf32, #tpu.memory_space<hbm>>
      %dma_start3A_34 = tpu.memref_slice %arg5[%mul3A_7] : memref<10240xf32, #tpu.memory_space<vmem_shared>> -> memref<640xf32, #tpu.memory_space<vmem_shared>>
      tpu.enqueue_dma source(%dma_start3A_34 : memref<640xf32, #tpu.memory_space<vmem_shared>>) target(%dma_start3A_33 : memref<640xf32, #tpu.memory_space<hbm>>) target_semaphore(%run_scoped3A : memref<!tpu.dma_semaphore, #tpu.memory_space<semaphore_mem>>)
      %dma_wait3A = tpu.memref_slice %arg4[%arg0, %mul3A_7] : memref<2x10240xf32, #tpu.memory_space<hbm>> -> memref<1x640xf32, #tpu.memory_space<hbm>>
      %dma_wait3A_35 = tpu.memref_squeeze %dma_wait3A : memref<1x640xf32, #tpu.memory_space<hbm>> -> memref<640xf32, #tpu.memory_space<hbm>>
      %dma_wait3A_36 = tpu.memref_slice %arg5[%mul3A_7] : memref<10240xf32, #tpu.memory_space<vmem_shared>> -> memref<640xf32, #tpu.memory_space<vmem_shared>>
      tpu.wait_dma2 semaphore(%run_scoped3A : memref<!tpu.dma_semaphore, #tpu.memory_space<semaphore_mem>>) src(%dma_wait3A_36 : memref<640xf32, #tpu.memory_space<vmem_shared>>) dst(%dma_wait3A_35 : memref<640xf32, #tpu.memory_space<hbm>>)
      tpu.yield
    }) : () -> ()
    return
  }
}

#map = affine_map<(d0, d1) -> (0, 0)>
#map1 = affine_map<(d0, d1) -> (0, 0, 0)>
module attributes {stable_mosaic.version = 14 : i64} {
  func.func @agg(%arg0: i32, %arg1: i32, %arg2: memref<10000x128xf32, #tpu.memory_space<hbm>>, %arg3: memref<32x78x128xi32, #tpu.memory_space<hbm>>, %arg4: memref<32x78x128xi32, #tpu.memory_space<hbm>>, %arg5: memref<4x1x128xi32, #tpu.memory_space<hbm>>, %arg6: memref<4x1x128xi32, #tpu.memory_space<hbm>>, %arg7: memref<2x10240x128xf32, #tpu.memory_space<hbm>>, %arg8: memref<10240x128xf32, #tpu.memory_space<vmem_shared>>, %arg9: memref<40x128xi32, #tpu.memory_space<vmem>>, %arg10: memref<40x128xi32, #tpu.memory_space<vmem>>, %arg11: memref<128x128xf32, #tpu.memory_space<vmem>>, %arg12: memref<128x128xf32, #tpu.memory_space<vmem>>, %arg13: memref<!tpu.dma_semaphore, #tpu.memory_space<semaphore_mem>>, %arg14: memref<!tpu.dma_semaphore, #tpu.memory_space<semaphore_mem>>) attributes {dimension_semantics = [#tpu.dimension_semantics<core_parallel>, #tpu.dimension_semantics<subcore_parallel>], iteration_bounds = array<i64: 2, 16>, scalar_prefetch = 0 : i64, scratch_operands = 7 : i64, tpu.core_type = #tpu.core_type<sc_vector_subcore>, window_params = [{transform_indices = #map}, {transform_indices = #map1}, {transform_indices = #map1}, {transform_indices = #map1}, {transform_indices = #map1}, {transform_indices = #map1}]} {
    %mul3A = arith.constant 16 : i32
    %mul3A_0 = arith.muli %arg0, %mul3A : i32
    %add3A = arith.addi %mul3A_0, %arg1 : i32
    "tpu.region"() ({
      %run_scoped3A_88 = tpu.sem_alloc : memref<!tpu.dma_semaphore, #tpu.memory_space<semaphore_mem>>
      %dma_start3A_89 = arith.constant 0 : i32
      %dma_start3A_90 = arith.constant 0 : i32
      %dma_start3A_91 = tpu.memref_slice %arg3[%add3A, %dma_start3A_89, %dma_start3A_90] : memref<32x78x128xi32, #tpu.memory_space<hbm>> -> memref<1x40x128xi32, #tpu.memory_space<hbm>>
      %dma_start3A_92 = tpu.memref_squeeze %dma_start3A_91 : memref<1x40x128xi32, #tpu.memory_space<hbm>> -> memref<40x128xi32, #tpu.memory_space<hbm>>
      %dma_start3A_93 = arith.constant 0 : i32
      %dma_start3A_94 = arith.constant 0 : i32
      %dma_start3A_95 = tpu.memref_slice %arg3[%add3A, %dma_start3A_93, %dma_start3A_94] : memref<32x78x128xi32, #tpu.memory_space<hbm>> -> memref<1x40x128xi32, #tpu.memory_space<hbm>>
      %dma_start3A_96 = tpu.memref_squeeze %dma_start3A_95 : memref<1x40x128xi32, #tpu.memory_space<hbm>> -> memref<40x128xi32, #tpu.memory_space<hbm>>
      tpu.enqueue_dma source(%dma_start3A_96 : memref<40x128xi32, #tpu.memory_space<hbm>>) target(%arg9 : memref<40x128xi32, #tpu.memory_space<vmem>>) target_semaphore(%run_scoped3A_88 : memref<!tpu.dma_semaphore, #tpu.memory_space<semaphore_mem>>)
      %dma_wait3A_97 = arith.constant 0 : i32
      %dma_wait3A_98 = arith.constant 0 : i32
      %dma_wait3A_99 = tpu.memref_slice %arg3[%add3A, %dma_wait3A_97, %dma_wait3A_98] : memref<32x78x128xi32, #tpu.memory_space<hbm>> -> memref<1x40x128xi32, #tpu.memory_space<hbm>>
      %dma_wait3A_100 = tpu.memref_squeeze %dma_wait3A_99 : memref<1x40x128xi32, #tpu.memory_space<hbm>> -> memref<40x128xi32, #tpu.memory_space<hbm>>
      %dma_wait3A_101 = arith.constant 0 : i32
      %dma_wait3A_102 = arith.constant 0 : i32
      %dma_wait3A_103 = tpu.memref_slice %arg3[%add3A, %dma_wait3A_101, %dma_wait3A_102] : memref<32x78x128xi32, #tpu.memory_space<hbm>> -> memref<1x40x128xi32, #tpu.memory_space<hbm>>
      %dma_wait3A_104 = tpu.memref_squeeze %dma_wait3A_103 : memref<1x40x128xi32, #tpu.memory_space<hbm>> -> memref<40x128xi32, #tpu.memory_space<hbm>>
      tpu.wait_dma2 semaphore(%run_scoped3A_88 : memref<!tpu.dma_semaphore, #tpu.memory_space<semaphore_mem>>) src(%dma_wait3A_104 : memref<40x128xi32, #tpu.memory_space<hbm>>) dst(%arg9 : memref<40x128xi32, #tpu.memory_space<vmem>>)
      tpu.yield
    }) : () -> ()
    "tpu.region"() ({
      %run_scoped3A_88 = tpu.sem_alloc : memref<!tpu.dma_semaphore, #tpu.memory_space<semaphore_mem>>
      %dma_start3A_89 = arith.constant 0 : i32
      %dma_start3A_90 = arith.constant 0 : i32
      %dma_start3A_91 = tpu.memref_slice %arg4[%add3A, %dma_start3A_89, %dma_start3A_90] : memref<32x78x128xi32, #tpu.memory_space<hbm>> -> memref<1x40x128xi32, #tpu.memory_space<hbm>>
      %dma_start3A_92 = tpu.memref_squeeze %dma_start3A_91 : memref<1x40x128xi32, #tpu.memory_space<hbm>> -> memref<40x128xi32, #tpu.memory_space<hbm>>
      %dma_start3A_93 = arith.constant 0 : i32
      %dma_start3A_94 = arith.constant 0 : i32
      %dma_start3A_95 = tpu.memref_slice %arg4[%add3A, %dma_start3A_93, %dma_start3A_94] : memref<32x78x128xi32, #tpu.memory_space<hbm>> -> memref<1x40x128xi32, #tpu.memory_space<hbm>>
      %dma_start3A_96 = tpu.memref_squeeze %dma_start3A_95 : memref<1x40x128xi32, #tpu.memory_space<hbm>> -> memref<40x128xi32, #tpu.memory_space<hbm>>
      tpu.enqueue_dma source(%dma_start3A_96 : memref<40x128xi32, #tpu.memory_space<hbm>>) target(%arg10 : memref<40x128xi32, #tpu.memory_space<vmem>>) target_semaphore(%run_scoped3A_88 : memref<!tpu.dma_semaphore, #tpu.memory_space<semaphore_mem>>)
      %dma_wait3A_97 = arith.constant 0 : i32
      %dma_wait3A_98 = arith.constant 0 : i32
      %dma_wait3A_99 = tpu.memref_slice %arg4[%add3A, %dma_wait3A_97, %dma_wait3A_98] : memref<32x78x128xi32, #tpu.memory_space<hbm>> -> memref<1x40x128xi32, #tpu.memory_space<hbm>>
      %dma_wait3A_100 = tpu.memref_squeeze %dma_wait3A_99 : memref<1x40x128xi32, #tpu.memory_space<hbm>> -> memref<40x128xi32, #tpu.memory_space<hbm>>
      %dma_wait3A_101 = arith.constant 0 : i32
      %dma_wait3A_102 = arith.constant 0 : i32
      %dma_wait3A_103 = tpu.memref_slice %arg4[%add3A, %dma_wait3A_101, %dma_wait3A_102] : memref<32x78x128xi32, #tpu.memory_space<hbm>> -> memref<1x40x128xi32, #tpu.memory_space<hbm>>
      %dma_wait3A_104 = tpu.memref_squeeze %dma_wait3A_103 : memref<1x40x128xi32, #tpu.memory_space<hbm>> -> memref<40x128xi32, #tpu.memory_space<hbm>>
      tpu.wait_dma2 semaphore(%run_scoped3A_88 : memref<!tpu.dma_semaphore, #tpu.memory_space<semaphore_mem>>) src(%dma_wait3A_104 : memref<40x128xi32, #tpu.memory_space<hbm>>) dst(%arg10 : memref<40x128xi32, #tpu.memory_space<vmem>>)
      tpu.yield
    }) : () -> ()
    %dma_start3A = arith.constant 0 : i32
    %dma_start3A_1 = arith.constant 0 : i32
    %dma_start3A_2 = tpu.memref_slice %arg9[%dma_start3A, %dma_start3A_1] : memref<40x128xi32, #tpu.memory_space<vmem>> -> memref<1x128xi32, #tpu.memory_space<vmem>>
    %dma_start3A_3 = tpu.memref_squeeze %dma_start3A_2 : memref<1x128xi32, #tpu.memory_space<vmem>> -> memref<128xi32, #tpu.memory_space<vmem>>
    %dma_start3A_4 = arith.constant 0 : i32
    %dma_start3A_5 = arith.constant 0 : i32
    %dma_start3A_6 = tpu.memref_slice %arg2[%dma_start3A_4, %dma_start3A_5] : memref<10000x128xf32, #tpu.memory_space<hbm>> -> memref<10000x128xf32, #tpu.memory_space<hbm>>
    tpu.enqueue_indirect_dma source(%dma_start3A_6 : memref<10000x128xf32, #tpu.memory_space<hbm>>) target(%arg11 : memref<128x128xf32, #tpu.memory_space<vmem>>) offsets(%dma_start3A_3 : memref<128xi32, #tpu.memory_space<vmem>>) semaphore(%arg13 : memref<!tpu.dma_semaphore, #tpu.memory_space<semaphore_mem>>)
    %scan3A = arith.constant 0 : i32
    %scan3A_7 = arith.constant 0 : i32
    %scan3A_8 = arith.constant 128 : i32
    %scan3A_9 = arith.addi %scan3A_7, %scan3A_8 : i32
    %scan3A_10 = arith.constant 1 : i32
    scf.for %scan3A_88 = %scan3A_7 to %scan3A_9 step %scan3A_10  : i32 {
      %scan3A_89 = arith.constant 0 : i32
      %scan3A_90 = arith.constant 8 : i32
      %scan3A_91 = arith.addi %scan3A_89, %scan3A_90 : i32
      %scan3A_92 = arith.constant 1 : i32
      scf.for %scan3A_94 = %scan3A_89 to %scan3A_91 step %scan3A_92  : i32 {
        %broadcast_in_dim3A = arith.constant 0.000000e+00 : f32
        %broadcast_in_dim3A_95 = vector.broadcast %broadcast_in_dim3A : f32 to vector<16xf32>
        %mul3A_96 = arith.constant 16 : i32
        %mul3A_97 = arith.muli %scan3A_94, %mul3A_96 : i32
        %swap3A = arith.index_cast %scan3A_88 : i32 to index
        %swap3A_98 = arith.index_cast %mul3A_97 : i32 to index
        %swap3A_99 = tpu.vector_load %arg12[%swap3A, %swap3A_98] {strides = array<i32>} : memref<128x128xf32, #tpu.memory_space<vmem>>, vector<1x16xf32>,
        %swap3A_100 = vector.shape_cast %swap3A_99 : vector<1x16xf32> to vector<16xf32>
        %swap3A_101 = vector.shape_cast %broadcast_in_dim3A_95 : vector<16xf32> to vector<1x16xf32>
        tpu.vector_store %arg12[%swap3A, %swap3A_98], %swap3A_101 {strides = array<i32>} : memref<128x128xf32, #tpu.memory_space<vmem>>, vector<1x16xf32>,
      }
      %scan3A_93 = arith.constant 8 : i32
    }
    %scan3A_11 = arith.constant 128 : i32
    %mul3A_12 = arith.constant 640 : i32
    %mul3A_13 = arith.muli %arg1, %mul3A_12 : i32
    %add3A_14 = arith.constant 0 : i32
    %add3A_15 = arith.addi %mul3A_13, %add3A_14 : i32
    "tpu.region"() ({
      %run_scoped3A_88 = tpu.sem_alloc : memref<!tpu.dma_semaphore, #tpu.memory_space<semaphore_mem>>
      %dma_start3A_89 = arith.constant 0 : i32
      %dma_start3A_90 = tpu.memref_slice %arg8[%add3A_15, %dma_start3A_89] : memref<10240x128xf32, #tpu.memory_space<vmem_shared>> -> memref<128x128xf32, #tpu.memory_space<vmem_shared>>
      %dma_start3A_91 = arith.constant 0 : i32
      %dma_start3A_92 = tpu.memref_slice %arg8[%add3A_15, %dma_start3A_91] : memref<10240x128xf32, #tpu.memory_space<vmem_shared>> -> memref<128x128xf32, #tpu.memory_space<vmem_shared>>
      tpu.enqueue_dma source(%arg12 : memref<128x128xf32, #tpu.memory_space<vmem>>) target(%dma_start3A_92 : memref<128x128xf32, #tpu.memory_space<vmem_shared>>) target_semaphore(%run_scoped3A_88 : memref<!tpu.dma_semaphore, #tpu.memory_space<semaphore_mem>>)
      %dma_wait3A_93 = arith.constant 0 : i32
      %dma_wait3A_94 = tpu.memref_slice %arg8[%add3A_15, %dma_wait3A_93] : memref<10240x128xf32, #tpu.memory_space<vmem_shared>> -> memref<128x128xf32, #tpu.memory_space<vmem_shared>>
      %dma_wait3A_95 = arith.constant 0 : i32
      %dma_wait3A_96 = tpu.memref_slice %arg8[%add3A_15, %dma_wait3A_95] : memref<10240x128xf32, #tpu.memory_space<vmem_shared>> -> memref<128x128xf32, #tpu.memory_space<vmem_shared>>
      tpu.wait_dma2 semaphore(%run_scoped3A_88 : memref<!tpu.dma_semaphore, #tpu.memory_space<semaphore_mem>>) src(%arg12 : memref<128x128xf32, #tpu.memory_space<vmem>>) dst(%dma_wait3A_96 : memref<128x128xf32, #tpu.memory_space<vmem_shared>>)
      tpu.yield
    }) : () -> ()
    %add3A_16 = arith.constant 128 : i32
    %add3A_17 = arith.addi %mul3A_13, %add3A_16 : i32
    "tpu.region"() ({
      %run_scoped3A_88 = tpu.sem_alloc : memref<!tpu.dma_semaphore, #tpu.memory_space<semaphore_mem>>
      %dma_start3A_89 = arith.constant 0 : i32
      %dma_start3A_90 = tpu.memref_slice %arg8[%add3A_17, %dma_start3A_89] : memref<10240x128xf32, #tpu.memory_space<vmem_shared>> -> memref<128x128xf32, #tpu.memory_space<vmem_shared>>
      %dma_start3A_91 = arith.constant 0 : i32
      %dma_start3A_92 = tpu.memref_slice %arg8[%add3A_17, %dma_start3A_91] : memref<10240x128xf32, #tpu.memory_space<vmem_shared>> -> memref<128x128xf32, #tpu.memory_space<vmem_shared>>
      tpu.enqueue_dma source(%arg12 : memref<128x128xf32, #tpu.memory_space<vmem>>) target(%dma_start3A_92 : memref<128x128xf32, #tpu.memory_space<vmem_shared>>) target_semaphore(%run_scoped3A_88 : memref<!tpu.dma_semaphore, #tpu.memory_space<semaphore_mem>>)
      %dma_wait3A_93 = arith.constant 0 : i32
      %dma_wait3A_94 = tpu.memref_slice %arg8[%add3A_17, %dma_wait3A_93] : memref<10240x128xf32, #tpu.memory_space<vmem_shared>> -> memref<128x128xf32, #tpu.memory_space<vmem_shared>>
      %dma_wait3A_95 = arith.constant 0 : i32
      %dma_wait3A_96 = tpu.memref_slice %arg8[%add3A_17, %dma_wait3A_95] : memref<10240x128xf32, #tpu.memory_space<vmem_shared>> -> memref<128x128xf32, #tpu.memory_space<vmem_shared>>
      tpu.wait_dma2 semaphore(%run_scoped3A_88 : memref<!tpu.dma_semaphore, #tpu.memory_space<semaphore_mem>>) src(%arg12 : memref<128x128xf32, #tpu.memory_space<vmem>>) dst(%dma_wait3A_96 : memref<128x128xf32, #tpu.memory_space<vmem_shared>>)
      tpu.yield
    }) : () -> ()
    %add3A_18 = arith.constant 256 : i32
    %add3A_19 = arith.addi %mul3A_13, %add3A_18 : i32
    "tpu.region"() ({
      %run_scoped3A_88 = tpu.sem_alloc : memref<!tpu.dma_semaphore, #tpu.memory_space<semaphore_mem>>
      %dma_start3A_89 = arith.constant 0 : i32
      %dma_start3A_90 = tpu.memref_slice %arg8[%add3A_19, %dma_start3A_89] : memref<10240x128xf32, #tpu.memory_space<vmem_shared>> -> memref<128x128xf32, #tpu.memory_space<vmem_shared>>
      %dma_start3A_91 = arith.constant 0 : i32
      %dma_start3A_92 = tpu.memref_slice %arg8[%add3A_19, %dma_start3A_91] : memref<10240x128xf32, #tpu.memory_space<vmem_shared>> -> memref<128x128xf32, #tpu.memory_space<vmem_shared>>
      tpu.enqueue_dma source(%arg12 : memref<128x128xf32, #tpu.memory_space<vmem>>) target(%dma_start3A_92 : memref<128x128xf32, #tpu.memory_space<vmem_shared>>) target_semaphore(%run_scoped3A_88 : memref<!tpu.dma_semaphore, #tpu.memory_space<semaphore_mem>>)
      %dma_wait3A_93 = arith.constant 0 : i32
      %dma_wait3A_94 = tpu.memref_slice %arg8[%add3A_19, %dma_wait3A_93] : memref<10240x128xf32, #tpu.memory_space<vmem_shared>> -> memref<128x128xf32, #tpu.memory_space<vmem_shared>>
      %dma_wait3A_95 = arith.constant 0 : i32
      %dma_wait3A_96 = tpu.memref_slice %arg8[%add3A_19, %dma_wait3A_95] : memref<10240x128xf32, #tpu.memory_space<vmem_shared>> -> memref<128x128xf32, #tpu.memory_space<vmem_shared>>
      tpu.wait_dma2 semaphore(%run_scoped3A_88 : memref<!tpu.dma_semaphore, #tpu.memory_space<semaphore_mem>>) src(%arg12 : memref<128x128xf32, #tpu.memory_space<vmem>>) dst(%dma_wait3A_96 : memref<128x128xf32, #tpu.memory_space<vmem_shared>>)
      tpu.yield
    }) : () -> ()
    %add3A_20 = arith.constant 384 : i32
    %add3A_21 = arith.addi %mul3A_13, %add3A_20 : i32
    "tpu.region"() ({
      %run_scoped3A_88 = tpu.sem_alloc : memref<!tpu.dma_semaphore, #tpu.memory_space<semaphore_mem>>
      %dma_start3A_89 = arith.constant 0 : i32
      %dma_start3A_90 = tpu.memref_slice %arg8[%add3A_21, %dma_start3A_89] : memref<10240x128xf32, #tpu.memory_space<vmem_shared>> -> memref<128x128xf32, #tpu.memory_space<vmem_shared>>
      %dma_start3A_91 = arith.constant 0 : i32
      %dma_start3A_92 = tpu.memref_slice %arg8[%add3A_21, %dma_start3A_91] : memref<10240x128xf32, #tpu.memory_space<vmem_shared>> -> memref<128x128xf32, #tpu.memory_space<vmem_shared>>
      tpu.enqueue_dma source(%arg12 : memref<128x128xf32, #tpu.memory_space<vmem>>) target(%dma_start3A_92 : memref<128x128xf32, #tpu.memory_space<vmem_shared>>) target_semaphore(%run_scoped3A_88 : memref<!tpu.dma_semaphore, #tpu.memory_space<semaphore_mem>>)
      %dma_wait3A_93 = arith.constant 0 : i32
      %dma_wait3A_94 = tpu.memref_slice %arg8[%add3A_21, %dma_wait3A_93] : memref<10240x128xf32, #tpu.memory_space<vmem_shared>> -> memref<128x128xf32, #tpu.memory_space<vmem_shared>>
      %dma_wait3A_95 = arith.constant 0 : i32
      %dma_wait3A_96 = tpu.memref_slice %arg8[%add3A_21, %dma_wait3A_95] : memref<10240x128xf32, #tpu.memory_space<vmem_shared>> -> memref<128x128xf32, #tpu.memory_space<vmem_shared>>
      tpu.wait_dma2 semaphore(%run_scoped3A_88 : memref<!tpu.dma_semaphore, #tpu.memory_space<semaphore_mem>>) src(%arg12 : memref<128x128xf32, #tpu.memory_space<vmem>>) dst(%dma_wait3A_96 : memref<128x128xf32, #tpu.memory_space<vmem_shared>>)
      tpu.yield
    }) : () -> ()
    %add3A_22 = arith.constant 512 : i32
    %add3A_23 = arith.addi %mul3A_13, %add3A_22 : i32
    "tpu.region"() ({
      %run_scoped3A_88 = tpu.sem_alloc : memref<!tpu.dma_semaphore, #tpu.memory_space<semaphore_mem>>
      %dma_start3A_89 = arith.constant 0 : i32
      %dma_start3A_90 = tpu.memref_slice %arg8[%add3A_23, %dma_start3A_89] : memref<10240x128xf32, #tpu.memory_space<vmem_shared>> -> memref<128x128xf32, #tpu.memory_space<vmem_shared>>
      %dma_start3A_91 = arith.constant 0 : i32
      %dma_start3A_92 = tpu.memref_slice %arg8[%add3A_23, %dma_start3A_91] : memref<10240x128xf32, #tpu.memory_space<vmem_shared>> -> memref<128x128xf32, #tpu.memory_space<vmem_shared>>
      tpu.enqueue_dma source(%arg12 : memref<128x128xf32, #tpu.memory_space<vmem>>) target(%dma_start3A_92 : memref<128x128xf32, #tpu.memory_space<vmem_shared>>) target_semaphore(%run_scoped3A_88 : memref<!tpu.dma_semaphore, #tpu.memory_space<semaphore_mem>>)
      %dma_wait3A_93 = arith.constant 0 : i32
      %dma_wait3A_94 = tpu.memref_slice %arg8[%add3A_23, %dma_wait3A_93] : memref<10240x128xf32, #tpu.memory_space<vmem_shared>> -> memref<128x128xf32, #tpu.memory_space<vmem_shared>>
      %dma_wait3A_95 = arith.constant 0 : i32
      %dma_wait3A_96 = tpu.memref_slice %arg8[%add3A_23, %dma_wait3A_95] : memref<10240x128xf32, #tpu.memory_space<vmem_shared>> -> memref<128x128xf32, #tpu.memory_space<vmem_shared>>
      tpu.wait_dma2 semaphore(%run_scoped3A_88 : memref<!tpu.dma_semaphore, #tpu.memory_space<semaphore_mem>>) src(%arg12 : memref<128x128xf32, #tpu.memory_space<vmem>>) dst(%dma_wait3A_96 : memref<128x128xf32, #tpu.memory_space<vmem_shared>>)
      tpu.yield
    }) : () -> ()
    %barrier3A = arith.constant 0 : index
    tpu.barrier barrier_id(%barrier3A)
    %scan3A_24 = arith.constant 0 : i32
    %scan3A_25 = arith.constant 0 : i32
    %scan3A_26 = arith.constant 19 : i32
    %scan3A_27 = arith.addi %scan3A_25, %scan3A_26 : i32
    %scan3A_28 = arith.constant 1 : i32
    scf.for %scan3A_88 = %scan3A_25 to %scan3A_27 step %scan3A_28  : i32 {
      %mul3A_89 = arith.constant 2 : i32
      %mul3A_90 = arith.muli %mul3A_89, %scan3A_88 : i32
      %dma_wait3A_91 = arith.constant 0 : i32
      %dma_wait3A_92 = arith.constant 0 : i32
      %dma_wait3A_93 = tpu.memref_slice %arg2[%dma_wait3A_91, %dma_wait3A_92] : memref<10000x128xf32, #tpu.memory_space<hbm>> -> memref<128x128xf32, #tpu.memory_space<hbm>>
      %dma_wait3A_94 = arith.constant 0 : i32
      %dma_wait3A_95 = arith.constant 0 : i32
      %dma_wait3A_96 = tpu.memref_slice %arg2[%dma_wait3A_94, %dma_wait3A_95] : memref<10000x128xf32, #tpu.memory_space<hbm>> -> memref<128x128xf32, #tpu.memory_space<hbm>>
      tpu.wait_dma2 semaphore(%arg13 : memref<!tpu.dma_semaphore, #tpu.memory_space<semaphore_mem>>) src(%dma_wait3A_96 : memref<128x128xf32, #tpu.memory_space<hbm>>) dst(%arg11 : memref<128x128xf32, #tpu.memory_space<vmem>>)
      %add3A_97 = arith.constant 1 : i32
      %add3A_98 = arith.addi %mul3A_90, %add3A_97 : i32
      %dma_start3A_99 = arith.constant 0 : i32
      %dma_start3A_100 = tpu.memref_slice %arg9[%add3A_98, %dma_start3A_99] : memref<40x128xi32, #tpu.memory_space<vmem>> -> memref<1x128xi32, #tpu.memory_space<vmem>>
      %dma_start3A_101 = tpu.memref_squeeze %dma_start3A_100 : memref<1x128xi32, #tpu.memory_space<vmem>> -> memref<128xi32, #tpu.memory_space<vmem>>
      %dma_start3A_102 = arith.constant 0 : i32
      %dma_start3A_103 = arith.constant 0 : i32
      %dma_start3A_104 = tpu.memref_slice %arg2[%dma_start3A_102, %dma_start3A_103] : memref<10000x128xf32, #tpu.memory_space<hbm>> -> memref<10000x128xf32, #tpu.memory_space<hbm>>
      tpu.enqueue_indirect_dma source(%dma_start3A_104 : memref<10000x128xf32, #tpu.memory_space<hbm>>) target(%arg12 : memref<128x128xf32, #tpu.memory_space<vmem>>) offsets(%dma_start3A_101 : memref<128xi32, #tpu.memory_space<vmem>>) semaphore(%arg14 : memref<!tpu.dma_semaphore, #tpu.memory_space<semaphore_mem>>)
      "tpu.region"() ({
        %run_scoped3A_121 = tpu.sem_alloc : memref<!tpu.dma_semaphore, #tpu.memory_space<semaphore_mem>>
        %dma_start3A_122 = arith.constant 0 : i32
        %dma_start3A_123 = tpu.memref_slice %arg10[%mul3A_90, %dma_start3A_122] : memref<40x128xi32, #tpu.memory_space<vmem>> -> memref<1x128xi32, #tpu.memory_space<vmem>>
        %dma_start3A_124 = tpu.memref_squeeze %dma_start3A_123 : memref<1x128xi32, #tpu.memory_space<vmem>> -> memref<128xi32, #tpu.memory_space<vmem>>
        %dma_start3A_125 = arith.constant 0 : i32
        %dma_start3A_126 = arith.constant 0 : i32
        %dma_start3A_127 = tpu.memref_slice %arg8[%dma_start3A_125, %dma_start3A_126] : memref<10240x128xf32, #tpu.memory_space<vmem_shared>> -> memref<10240x128xf32, #tpu.memory_space<vmem_shared>>
        tpu.enqueue_indirect_dma source(%arg11 : memref<128x128xf32, #tpu.memory_space<vmem>>) target(%dma_start3A_127 : memref<10240x128xf32, #tpu.memory_space<vmem_shared>>) offsets(%dma_start3A_124 : memref<128xi32, #tpu.memory_space<vmem>>) semaphore(%run_scoped3A_121 : memref<!tpu.dma_semaphore, #tpu.memory_space<semaphore_mem>>) {add = true}
        %dma_wait3A_128 = arith.constant 0 : i32
        %dma_wait3A_129 = tpu.memref_slice %arg10[%mul3A_90, %dma_wait3A_128] : memref<40x128xi32, #tpu.memory_space<vmem>> -> memref<1x128xi32, #tpu.memory_space<vmem>>
        %dma_wait3A_130 = tpu.memref_squeeze %dma_wait3A_129 : memref<1x128xi32, #tpu.memory_space<vmem>> -> memref<128xi32, #tpu.memory_space<vmem>>
        %dma_wait3A_131 = arith.constant 0 : i32
        %dma_wait3A_132 = arith.constant 0 : i32
        %dma_wait3A_133 = tpu.memref_slice %arg8[%dma_wait3A_131, %dma_wait3A_132] : memref<10240x128xf32, #tpu.memory_space<vmem_shared>> -> memref<10240x128xf32, #tpu.memory_space<vmem_shared>>
        tpu.wait_indirect_dma semaphore(%run_scoped3A_121 : memref<!tpu.dma_semaphore, #tpu.memory_space<semaphore_mem>>) src(%arg11 : memref<128x128xf32, #tpu.memory_space<vmem>>) dst(%dma_wait3A_133 : memref<10240x128xf32, #tpu.memory_space<vmem_shared>>)
        tpu.yield
      }) : () -> ()
      %dma_wait3A_105 = arith.constant 0 : i32
      %dma_wait3A_106 = tpu.memref_slice %arg9[%add3A_98, %dma_wait3A_105] : memref<40x128xi32, #tpu.memory_space<vmem>> -> memref<1x128xi32, #tpu.memory_space<vmem>>
      %dma_wait3A_107 = tpu.memref_squeeze %dma_wait3A_106 : memref<1x128xi32, #tpu.memory_space<vmem>> -> memref<128xi32, #tpu.memory_space<vmem>>
      %dma_wait3A_108 = arith.constant 0 : i32
      %dma_wait3A_109 = arith.constant 0 : i32
      %dma_wait3A_110 = tpu.memref_slice %arg2[%dma_wait3A_108, %dma_wait3A_109] : memref<10000x128xf32, #tpu.memory_space<hbm>> -> memref<10000x128xf32, #tpu.memory_space<hbm>>
      tpu.wait_indirect_dma semaphore(%arg14 : memref<!tpu.dma_semaphore, #tpu.memory_space<semaphore_mem>>) src(%dma_wait3A_110 : memref<10000x128xf32, #tpu.memory_space<hbm>>) dst(%arg12 : memref<128x128xf32, #tpu.memory_space<vmem>>)
      %add3A_111 = arith.constant 2 : i32
      %add3A_112 = arith.addi %mul3A_90, %add3A_111 : i32
      %dma_start3A_113 = arith.constant 0 : i32
      %dma_start3A_114 = tpu.memref_slice %arg9[%add3A_112, %dma_start3A_113] : memref<40x128xi32, #tpu.memory_space<vmem>> -> memref<1x128xi32, #tpu.memory_space<vmem>>
      %dma_start3A_115 = tpu.memref_squeeze %dma_start3A_114 : memref<1x128xi32, #tpu.memory_space<vmem>> -> memref<128xi32, #tpu.memory_space<vmem>>
      %dma_start3A_116 = arith.constant 0 : i32
      %dma_start3A_117 = arith.constant 0 : i32
      %dma_start3A_118 = tpu.memref_slice %arg2[%dma_start3A_116, %dma_start3A_117] : memref<10000x128xf32, #tpu.memory_space<hbm>> -> memref<10000x128xf32, #tpu.memory_space<hbm>>
      tpu.enqueue_indirect_dma source(%dma_start3A_118 : memref<10000x128xf32, #tpu.memory_space<hbm>>) target(%arg11 : memref<128x128xf32, #tpu.memory_space<vmem>>) offsets(%dma_start3A_115 : memref<128xi32, #tpu.memory_space<vmem>>) semaphore(%arg13 : memref<!tpu.dma_semaphore, #tpu.memory_space<semaphore_mem>>)
      %add3A_119 = arith.constant 1 : i32
      %add3A_120 = arith.addi %mul3A_90, %add3A_119 : i32
      "tpu.region"() ({
        %run_scoped3A_121 = tpu.sem_alloc : memref<!tpu.dma_semaphore, #tpu.memory_space<semaphore_mem>>
        %dma_start3A_122 = arith.constant 0 : i32
        %dma_start3A_123 = tpu.memref_slice %arg10[%add3A_120, %dma_start3A_122] : memref<40x128xi32, #tpu.memory_space<vmem>> -> memref<1x128xi32, #tpu.memory_space<vmem>>
        %dma_start3A_124 = tpu.memref_squeeze %dma_start3A_123 : memref<1x128xi32, #tpu.memory_space<vmem>> -> memref<128xi32, #tpu.memory_space<vmem>>
        %dma_start3A_125 = arith.constant 0 : i32
        %dma_start3A_126 = arith.constant 0 : i32
        %dma_start3A_127 = tpu.memref_slice %arg8[%dma_start3A_125, %dma_start3A_126] : memref<10240x128xf32, #tpu.memory_space<vmem_shared>> -> memref<10240x128xf32, #tpu.memory_space<vmem_shared>>
        tpu.enqueue_indirect_dma source(%arg12 : memref<128x128xf32, #tpu.memory_space<vmem>>) target(%dma_start3A_127 : memref<10240x128xf32, #tpu.memory_space<vmem_shared>>) offsets(%dma_start3A_124 : memref<128xi32, #tpu.memory_space<vmem>>) semaphore(%run_scoped3A_121 : memref<!tpu.dma_semaphore, #tpu.memory_space<semaphore_mem>>) {add = true}
        %dma_wait3A_128 = arith.constant 0 : i32
        %dma_wait3A_129 = tpu.memref_slice %arg10[%add3A_120, %dma_wait3A_128] : memref<40x128xi32, #tpu.memory_space<vmem>> -> memref<1x128xi32, #tpu.memory_space<vmem>>
        %dma_wait3A_130 = tpu.memref_squeeze %dma_wait3A_129 : memref<1x128xi32, #tpu.memory_space<vmem>> -> memref<128xi32, #tpu.memory_space<vmem>>
        %dma_wait3A_131 = arith.constant 0 : i32
        %dma_wait3A_132 = arith.constant 0 : i32
        %dma_wait3A_133 = tpu.memref_slice %arg8[%dma_wait3A_131, %dma_wait3A_132] : memref<10240x128xf32, #tpu.memory_space<vmem_shared>> -> memref<10240x128xf32, #tpu.memory_space<vmem_shared>>
        tpu.wait_indirect_dma semaphore(%run_scoped3A_121 : memref<!tpu.dma_semaphore, #tpu.memory_space<semaphore_mem>>) src(%arg12 : memref<128x128xf32, #tpu.memory_space<vmem>>) dst(%dma_wait3A_133 : memref<10240x128xf32, #tpu.memory_space<vmem_shared>>)
        tpu.yield
      }) : () -> ()
    }
    %scan3A_29 = arith.constant 19 : i32
    %dma_wait3A = arith.constant 0 : i32
    %dma_wait3A_30 = arith.constant 0 : i32
    %dma_wait3A_31 = tpu.memref_slice %arg2[%dma_wait3A, %dma_wait3A_30] : memref<10000x128xf32, #tpu.memory_space<hbm>> -> memref<128x128xf32, #tpu.memory_space<hbm>>
    %dma_wait3A_32 = arith.constant 0 : i32
    %dma_wait3A_33 = arith.constant 0 : i32
    %dma_wait3A_34 = tpu.memref_slice %arg2[%dma_wait3A_32, %dma_wait3A_33] : memref<10000x128xf32, #tpu.memory_space<hbm>> -> memref<128x128xf32, #tpu.memory_space<hbm>>
    tpu.wait_dma2 semaphore(%arg13 : memref<!tpu.dma_semaphore, #tpu.memory_space<semaphore_mem>>) src(%dma_wait3A_34 : memref<128x128xf32, #tpu.memory_space<hbm>>) dst(%arg11 : memref<128x128xf32, #tpu.memory_space<vmem>>)
    %dma_start3A_35 = arith.constant 39 : i32
    %dma_start3A_36 = arith.constant 0 : i32
    %dma_start3A_37 = tpu.memref_slice %arg9[%dma_start3A_35, %dma_start3A_36] : memref<40x128xi32, #tpu.memory_space<vmem>> -> memref<1x128xi32, #tpu.memory_space<vmem>>
    %dma_start3A_38 = tpu.memref_squeeze %dma_start3A_37 : memref<1x128xi32, #tpu.memory_space<vmem>> -> memref<128xi32, #tpu.memory_space<vmem>>
    %dma_start3A_39 = arith.constant 0 : i32
    %dma_start3A_40 = arith.constant 0 : i32
    %dma_start3A_41 = tpu.memref_slice %arg2[%dma_start3A_39, %dma_start3A_40] : memref<10000x128xf32, #tpu.memory_space<hbm>> -> memref<10000x128xf32, #tpu.memory_space<hbm>>
    tpu.enqueue_indirect_dma source(%dma_start3A_41 : memref<10000x128xf32, #tpu.memory_space<hbm>>) target(%arg12 : memref<128x128xf32, #tpu.memory_space<vmem>>) offsets(%dma_start3A_38 : memref<128xi32, #tpu.memory_space<vmem>>) semaphore(%arg14 : memref<!tpu.dma_semaphore, #tpu.memory_space<semaphore_mem>>)
    %run_scoped3A = arith.constant 38 : i32
    "tpu.region"() ({
      %run_scoped3A_88 = tpu.sem_alloc : memref<!tpu.dma_semaphore, #tpu.memory_space<semaphore_mem>>
      %dma_start3A_89 = arith.constant 0 : i32
      %dma_start3A_90 = tpu.memref_slice %arg10[%run_scoped3A, %dma_start3A_89] : memref<40x128xi32, #tpu.memory_space<vmem>> -> memref<1x128xi32, #tpu.memory_space<vmem>>
      %dma_start3A_91 = tpu.memref_squeeze %dma_start3A_90 : memref<1x128xi32, #tpu.memory_space<vmem>> -> memref<128xi32, #tpu.memory_space<vmem>>
      %dma_start3A_92 = arith.constant 0 : i32
      %dma_start3A_93 = arith.constant 0 : i32
      %dma_start3A_94 = tpu.memref_slice %arg8[%dma_start3A_92, %dma_start3A_93] : memref<10240x128xf32, #tpu.memory_space<vmem_shared>> -> memref<10240x128xf32, #tpu.memory_space<vmem_shared>>
      tpu.enqueue_indirect_dma source(%arg11 : memref<128x128xf32, #tpu.memory_space<vmem>>) target(%dma_start3A_94 : memref<10240x128xf32, #tpu.memory_space<vmem_shared>>) offsets(%dma_start3A_91 : memref<128xi32, #tpu.memory_space<vmem>>) semaphore(%run_scoped3A_88 : memref<!tpu.dma_semaphore, #tpu.memory_space<semaphore_mem>>) {add = true}
      %dma_wait3A_95 = arith.constant 0 : i32
      %dma_wait3A_96 = tpu.memref_slice %arg10[%run_scoped3A, %dma_wait3A_95] : memref<40x128xi32, #tpu.memory_space<vmem>> -> memref<1x128xi32, #tpu.memory_space<vmem>>
      %dma_wait3A_97 = tpu.memref_squeeze %dma_wait3A_96 : memref<1x128xi32, #tpu.memory_space<vmem>> -> memref<128xi32, #tpu.memory_space<vmem>>
      %dma_wait3A_98 = arith.constant 0 : i32
      %dma_wait3A_99 = arith.constant 0 : i32
      %dma_wait3A_100 = tpu.memref_slice %arg8[%dma_wait3A_98, %dma_wait3A_99] : memref<10240x128xf32, #tpu.memory_space<vmem_shared>> -> memref<10240x128xf32, #tpu.memory_space<vmem_shared>>
      tpu.wait_indirect_dma semaphore(%run_scoped3A_88 : memref<!tpu.dma_semaphore, #tpu.memory_space<semaphore_mem>>) src(%arg11 : memref<128x128xf32, #tpu.memory_space<vmem>>) dst(%dma_wait3A_100 : memref<10240x128xf32, #tpu.memory_space<vmem_shared>>)
      tpu.yield
    }) : () -> ()
    %dma_wait3A_42 = arith.constant 39 : i32
    %dma_wait3A_43 = arith.constant 0 : i32
    %dma_wait3A_44 = tpu.memref_slice %arg9[%dma_wait3A_42, %dma_wait3A_43] : memref<40x128xi32, #tpu.memory_space<vmem>> -> memref<1x128xi32, #tpu.memory_space<vmem>>
    %dma_wait3A_45 = tpu.memref_squeeze %dma_wait3A_44 : memref<1x128xi32, #tpu.memory_space<vmem>> -> memref<128xi32, #tpu.memory_space<vmem>>
    %dma_wait3A_46 = arith.constant 0 : i32
    %dma_wait3A_47 = arith.constant 0 : i32
    %dma_wait3A_48 = tpu.memref_slice %arg2[%dma_wait3A_46, %dma_wait3A_47] : memref<10000x128xf32, #tpu.memory_space<hbm>> -> memref<10000x128xf32, #tpu.memory_space<hbm>>
    tpu.wait_indirect_dma semaphore(%arg14 : memref<!tpu.dma_semaphore, #tpu.memory_space<semaphore_mem>>) src(%dma_wait3A_48 : memref<10000x128xf32, #tpu.memory_space<hbm>>) dst(%arg12 : memref<128x128xf32, #tpu.memory_space<vmem>>)
    "tpu.region"() ({
      %run_scoped3A_88 = tpu.sem_alloc : memref<!tpu.dma_semaphore, #tpu.memory_space<semaphore_mem>>
      %dma_start3A_89 = arith.constant 0 : i32
      %dma_start3A_90 = arith.constant 0 : i32
      %dma_start3A_91 = tpu.memref_slice %arg9[%dma_start3A_89, %dma_start3A_90] : memref<40x128xi32, #tpu.memory_space<vmem>> -> memref<38x128xi32, #tpu.memory_space<vmem>>
      %dma_start3A_92 = arith.constant 40 : i32
      %dma_start3A_93 = arith.constant 0 : i32
      %dma_start3A_94 = tpu.memref_slice %arg3[%add3A, %dma_start3A_92, %dma_start3A_93] : memref<32x78x128xi32, #tpu.memory_space<hbm>> -> memref<1x38x128xi32, #tpu.memory_space<hbm>>
      %dma_start3A_95 = tpu.memref_squeeze %dma_start3A_94 : memref<1x38x128xi32, #tpu.memory_space<hbm>> -> memref<38x128xi32, #tpu.memory_space<hbm>>
      %dma_start3A_96 = arith.constant 0 : i32
      %dma_start3A_97 = arith.constant 0 : i32
      %dma_start3A_98 = tpu.memref_slice %arg9[%dma_start3A_96, %dma_start3A_97] : memref<40x128xi32, #tpu.memory_space<vmem>> -> memref<38x128xi32, #tpu.memory_space<vmem>>
      %dma_start3A_99 = arith.constant 40 : i32
      %dma_start3A_100 = arith.constant 0 : i32
      %dma_start3A_101 = tpu.memref_slice %arg3[%add3A, %dma_start3A_99, %dma_start3A_100] : memref<32x78x128xi32, #tpu.memory_space<hbm>> -> memref<1x38x128xi32, #tpu.memory_space<hbm>>
      %dma_start3A_102 = tpu.memref_squeeze %dma_start3A_101 : memref<1x38x128xi32, #tpu.memory_space<hbm>> -> memref<38x128xi32, #tpu.memory_space<hbm>>
      tpu.enqueue_dma source(%dma_start3A_102 : memref<38x128xi32, #tpu.memory_space<hbm>>) target(%dma_start3A_98 : memref<38x128xi32, #tpu.memory_space<vmem>>) target_semaphore(%run_scoped3A_88 : memref<!tpu.dma_semaphore, #tpu.memory_space<semaphore_mem>>)
      %dma_wait3A_103 = arith.constant 0 : i32
      %dma_wait3A_104 = arith.constant 0 : i32
      %dma_wait3A_105 = tpu.memref_slice %arg9[%dma_wait3A_103, %dma_wait3A_104] : memref<40x128xi32, #tpu.memory_space<vmem>> -> memref<38x128xi32, #tpu.memory_space<vmem>>
      %dma_wait3A_106 = arith.constant 40 : i32
      %dma_wait3A_107 = arith.constant 0 : i32
      %dma_wait3A_108 = tpu.memref_slice %arg3[%add3A, %dma_wait3A_106, %dma_wait3A_107] : memref<32x78x128xi32, #tpu.memory_space<hbm>> -> memref<1x38x128xi32, #tpu.memory_space<hbm>>
      %dma_wait3A_109 = tpu.memref_squeeze %dma_wait3A_108 : memref<1x38x128xi32, #tpu.memory_space<hbm>> -> memref<38x128xi32, #tpu.memory_space<hbm>>
      %dma_wait3A_110 = arith.constant 0 : i32
      %dma_wait3A_111 = arith.constant 0 : i32
      %dma_wait3A_112 = tpu.memref_slice %arg9[%dma_wait3A_110, %dma_wait3A_111] : memref<40x128xi32, #tpu.memory_space<vmem>> -> memref<38x128xi32, #tpu.memory_space<vmem>>
      %dma_wait3A_113 = arith.constant 40 : i32
      %dma_wait3A_114 = arith.constant 0 : i32
      %dma_wait3A_115 = tpu.memref_slice %arg3[%add3A, %dma_wait3A_113, %dma_wait3A_114] : memref<32x78x128xi32, #tpu.memory_space<hbm>> -> memref<1x38x128xi32, #tpu.memory_space<hbm>>
      %dma_wait3A_116 = tpu.memref_squeeze %dma_wait3A_115 : memref<1x38x128xi32, #tpu.memory_space<hbm>> -> memref<38x128xi32, #tpu.memory_space<hbm>>
      tpu.wait_dma2 semaphore(%run_scoped3A_88 : memref<!tpu.dma_semaphore, #tpu.memory_space<semaphore_mem>>) src(%dma_wait3A_116 : memref<38x128xi32, #tpu.memory_space<hbm>>) dst(%dma_wait3A_112 : memref<38x128xi32, #tpu.memory_space<vmem>>)
      tpu.yield
    }) : () -> ()
    %run_scoped3A_49 = arith.constant 39 : i32
    "tpu.region"() ({
      %run_scoped3A_88 = tpu.sem_alloc : memref<!tpu.dma_semaphore, #tpu.memory_space<semaphore_mem>>
      %dma_start3A_89 = arith.constant 0 : i32
      %dma_start3A_90 = tpu.memref_slice %arg10[%run_scoped3A_49, %dma_start3A_89] : memref<40x128xi32, #tpu.memory_space<vmem>> -> memref<1x128xi32, #tpu.memory_space<vmem>>
      %dma_start3A_91 = tpu.memref_squeeze %dma_start3A_90 : memref<1x128xi32, #tpu.memory_space<vmem>> -> memref<128xi32, #tpu.memory_space<vmem>>
      %dma_start3A_92 = arith.constant 0 : i32
      %dma_start3A_93 = arith.constant 0 : i32
      %dma_start3A_94 = tpu.memref_slice %arg8[%dma_start3A_92, %dma_start3A_93] : memref<10240x128xf32, #tpu.memory_space<vmem_shared>> -> memref<10240x128xf32, #tpu.memory_space<vmem_shared>>
      tpu.enqueue_indirect_dma source(%arg12 : memref<128x128xf32, #tpu.memory_space<vmem>>) target(%dma_start3A_94 : memref<10240x128xf32, #tpu.memory_space<vmem_shared>>) offsets(%dma_start3A_91 : memref<128xi32, #tpu.memory_space<vmem>>) semaphore(%run_scoped3A_88 : memref<!tpu.dma_semaphore, #tpu.memory_space<semaphore_mem>>) {add = true}
      %dma_wait3A_95 = arith.constant 0 : i32
      %dma_wait3A_96 = tpu.memref_slice %arg10[%run_scoped3A_49, %dma_wait3A_95] : memref<40x128xi32, #tpu.memory_space<vmem>> -> memref<1x128xi32, #tpu.memory_space<vmem>>
      %dma_wait3A_97 = tpu.memref_squeeze %dma_wait3A_96 : memref<1x128xi32, #tpu.memory_space<vmem>> -> memref<128xi32, #tpu.memory_space<vmem>>
      %dma_wait3A_98 = arith.constant 0 : i32
      %dma_wait3A_99 = arith.constant 0 : i32
      %dma_wait3A_100 = tpu.memref_slice %arg8[%dma_wait3A_98, %dma_wait3A_99] : memref<10240x128xf32, #tpu.memory_space<vmem_shared>> -> memref<10240x128xf32, #tpu.memory_space<vmem_shared>>
      tpu.wait_indirect_dma semaphore(%run_scoped3A_88 : memref<!tpu.dma_semaphore, #tpu.memory_space<semaphore_mem>>) src(%arg12 : memref<128x128xf32, #tpu.memory_space<vmem>>) dst(%dma_wait3A_100 : memref<10240x128xf32, #tpu.memory_space<vmem_shared>>)
      tpu.yield
    }) : () -> ()
    "tpu.region"() ({
      %run_scoped3A_88 = tpu.sem_alloc : memref<!tpu.dma_semaphore, #tpu.memory_space<semaphore_mem>>
      %dma_start3A_89 = arith.constant 0 : i32
      %dma_start3A_90 = arith.constant 0 : i32
      %dma_start3A_91 = tpu.memref_slice %arg10[%dma_start3A_89, %dma_start3A_90] : memref<40x128xi32, #tpu.memory_space<vmem>> -> memref<38x128xi32, #tpu.memory_space<vmem>>
      %dma_start3A_92 = arith.constant 40 : i32
      %dma_start3A_93 = arith.constant 0 : i32
      %dma_start3A_94 = tpu.memref_slice %arg4[%add3A, %dma_start3A_92, %dma_start3A_93] : memref<32x78x128xi32, #tpu.memory_space<hbm>> -> memref<1x38x128xi32, #tpu.memory_space<hbm>>
      %dma_start3A_95 = tpu.memref_squeeze %dma_start3A_94 : memref<1x38x128xi32, #tpu.memory_space<hbm>> -> memref<38x128xi32, #tpu.memory_space<hbm>>
      %dma_start3A_96 = arith.constant 0 : i32
      %dma_start3A_97 = arith.constant 0 : i32
      %dma_start3A_98 = tpu.memref_slice %arg10[%dma_start3A_96, %dma_start3A_97] : memref<40x128xi32, #tpu.memory_space<vmem>> -> memref<38x128xi32, #tpu.memory_space<vmem>>
      %dma_start3A_99 = arith.constant 40 : i32
      %dma_start3A_100 = arith.constant 0 : i32
      %dma_start3A_101 = tpu.memref_slice %arg4[%add3A, %dma_start3A_99, %dma_start3A_100] : memref<32x78x128xi32, #tpu.memory_space<hbm>> -> memref<1x38x128xi32, #tpu.memory_space<hbm>>
      %dma_start3A_102 = tpu.memref_squeeze %dma_start3A_101 : memref<1x38x128xi32, #tpu.memory_space<hbm>> -> memref<38x128xi32, #tpu.memory_space<hbm>>
      tpu.enqueue_dma source(%dma_start3A_102 : memref<38x128xi32, #tpu.memory_space<hbm>>) target(%dma_start3A_98 : memref<38x128xi32, #tpu.memory_space<vmem>>) target_semaphore(%run_scoped3A_88 : memref<!tpu.dma_semaphore, #tpu.memory_space<semaphore_mem>>)
      %dma_wait3A_103 = arith.constant 0 : i32
      %dma_wait3A_104 = arith.constant 0 : i32
      %dma_wait3A_105 = tpu.memref_slice %arg10[%dma_wait3A_103, %dma_wait3A_104] : memref<40x128xi32, #tpu.memory_space<vmem>> -> memref<38x128xi32, #tpu.memory_space<vmem>>
      %dma_wait3A_106 = arith.constant 40 : i32
      %dma_wait3A_107 = arith.constant 0 : i32
      %dma_wait3A_108 = tpu.memref_slice %arg4[%add3A, %dma_wait3A_106, %dma_wait3A_107] : memref<32x78x128xi32, #tpu.memory_space<hbm>> -> memref<1x38x128xi32, #tpu.memory_space<hbm>>
      %dma_wait3A_109 = tpu.memref_squeeze %dma_wait3A_108 : memref<1x38x128xi32, #tpu.memory_space<hbm>> -> memref<38x128xi32, #tpu.memory_space<hbm>>
      %dma_wait3A_110 = arith.constant 0 : i32
      %dma_wait3A_111 = arith.constant 0 : i32
      %dma_wait3A_112 = tpu.memref_slice %arg10[%dma_wait3A_110, %dma_wait3A_111] : memref<40x128xi32, #tpu.memory_space<vmem>> -> memref<38x128xi32, #tpu.memory_space<vmem>>
      %dma_wait3A_113 = arith.constant 40 : i32
      %dma_wait3A_114 = arith.constant 0 : i32
      %dma_wait3A_115 = tpu.memref_slice %arg4[%add3A, %dma_wait3A_113, %dma_wait3A_114] : memref<32x78x128xi32, #tpu.memory_space<hbm>> -> memref<1x38x128xi32, #tpu.memory_space<hbm>>
      %dma_wait3A_116 = tpu.memref_squeeze %dma_wait3A_115 : memref<1x38x128xi32, #tpu.memory_space<hbm>> -> memref<38x128xi32, #tpu.memory_space<hbm>>
      tpu.wait_dma2 semaphore(%run_scoped3A_88 : memref<!tpu.dma_semaphore, #tpu.memory_space<semaphore_mem>>) src(%dma_wait3A_116 : memref<38x128xi32, #tpu.memory_space<hbm>>) dst(%dma_wait3A_112 : memref<38x128xi32, #tpu.memory_space<vmem>>)
      tpu.yield
    }) : () -> ()
    %dma_start3A_50 = arith.constant 0 : i32
    %dma_start3A_51 = arith.constant 0 : i32
    %dma_start3A_52 = tpu.memref_slice %arg9[%dma_start3A_50, %dma_start3A_51] : memref<40x128xi32, #tpu.memory_space<vmem>> -> memref<1x128xi32, #tpu.memory_space<vmem>>
    %dma_start3A_53 = tpu.memref_squeeze %dma_start3A_52 : memref<1x128xi32, #tpu.memory_space<vmem>> -> memref<128xi32, #tpu.memory_space<vmem>>
    %dma_start3A_54 = arith.constant 0 : i32
    %dma_start3A_55 = arith.constant 0 : i32
    %dma_start3A_56 = tpu.memref_slice %arg2[%dma_start3A_54, %dma_start3A_55] : memref<10000x128xf32, #tpu.memory_space<hbm>> -> memref<10000x128xf32, #tpu.memory_space<hbm>>
    tpu.enqueue_indirect_dma source(%dma_start3A_56 : memref<10000x128xf32, #tpu.memory_space<hbm>>) target(%arg11 : memref<128x128xf32, #tpu.memory_space<vmem>>) offsets(%dma_start3A_53 : memref<128xi32, #tpu.memory_space<vmem>>) semaphore(%arg13 : memref<!tpu.dma_semaphore, #tpu.memory_space<semaphore_mem>>)
    %scan3A_57 = arith.constant 0 : i32
    %scan3A_58 = arith.constant 0 : i32
    %scan3A_59 = arith.constant 18 : i32
    %scan3A_60 = arith.addi %scan3A_58, %scan3A_59 : i32
    %scan3A_61 = arith.constant 1 : i32
    scf.for %scan3A_88 = %scan3A_58 to %scan3A_60 step %scan3A_61  : i32 {
      %mul3A_89 = arith.constant 2 : i32
      %mul3A_90 = arith.muli %mul3A_89, %scan3A_88 : i32
      %dma_wait3A_91 = arith.constant 0 : i32
      %dma_wait3A_92 = arith.constant 0 : i32
      %dma_wait3A_93 = tpu.memref_slice %arg2[%dma_wait3A_91, %dma_wait3A_92] : memref<10000x128xf32, #tpu.memory_space<hbm>> -> memref<128x128xf32, #tpu.memory_space<hbm>>
      %dma_wait3A_94 = arith.constant 0 : i32
      %dma_wait3A_95 = arith.constant 0 : i32
      %dma_wait3A_96 = tpu.memref_slice %arg2[%dma_wait3A_94, %dma_wait3A_95] : memref<10000x128xf32, #tpu.memory_space<hbm>> -> memref<128x128xf32, #tpu.memory_space<hbm>>
      tpu.wait_dma2 semaphore(%arg13 : memref<!tpu.dma_semaphore, #tpu.memory_space<semaphore_mem>>) src(%dma_wait3A_96 : memref<128x128xf32, #tpu.memory_space<hbm>>) dst(%arg11 : memref<128x128xf32, #tpu.memory_space<vmem>>)
      %add3A_97 = arith.constant 1 : i32
      %add3A_98 = arith.addi %mul3A_90, %add3A_97 : i32
      %dma_start3A_99 = arith.constant 0 : i32
      %dma_start3A_100 = tpu.memref_slice %arg9[%add3A_98, %dma_start3A_99] : memref<40x128xi32, #tpu.memory_space<vmem>> -> memref<1x128xi32, #tpu.memory_space<vmem>>
      %dma_start3A_101 = tpu.memref_squeeze %dma_start3A_100 : memref<1x128xi32, #tpu.memory_space<vmem>> -> memref<128xi32, #tpu.memory_space<vmem>>
      %dma_start3A_102 = arith.constant 0 : i32
      %dma_start3A_103 = arith.constant 0 : i32
      %dma_start3A_104 = tpu.memref_slice %arg2[%dma_start3A_102, %dma_start3A_103] : memref<10000x128xf32, #tpu.memory_space<hbm>> -> memref<10000x128xf32, #tpu.memory_space<hbm>>
      tpu.enqueue_indirect_dma source(%dma_start3A_104 : memref<10000x128xf32, #tpu.memory_space<hbm>>) target(%arg12 : memref<128x128xf32, #tpu.memory_space<vmem>>) offsets(%dma_start3A_101 : memref<128xi32, #tpu.memory_space<vmem>>) semaphore(%arg14 : memref<!tpu.dma_semaphore, #tpu.memory_space<semaphore_mem>>)
      "tpu.region"() ({
        %run_scoped3A_121 = tpu.sem_alloc : memref<!tpu.dma_semaphore, #tpu.memory_space<semaphore_mem>>
        %dma_start3A_122 = arith.constant 0 : i32
        %dma_start3A_123 = tpu.memref_slice %arg10[%mul3A_90, %dma_start3A_122] : memref<40x128xi32, #tpu.memory_space<vmem>> -> memref<1x128xi32, #tpu.memory_space<vmem>>
        %dma_start3A_124 = tpu.memref_squeeze %dma_start3A_123 : memref<1x128xi32, #tpu.memory_space<vmem>> -> memref<128xi32, #tpu.memory_space<vmem>>
        %dma_start3A_125 = arith.constant 0 : i32
        %dma_start3A_126 = arith.constant 0 : i32
        %dma_start3A_127 = tpu.memref_slice %arg8[%dma_start3A_125, %dma_start3A_126] : memref<10240x128xf32, #tpu.memory_space<vmem_shared>> -> memref<10240x128xf32, #tpu.memory_space<vmem_shared>>
        tpu.enqueue_indirect_dma source(%arg11 : memref<128x128xf32, #tpu.memory_space<vmem>>) target(%dma_start3A_127 : memref<10240x128xf32, #tpu.memory_space<vmem_shared>>) offsets(%dma_start3A_124 : memref<128xi32, #tpu.memory_space<vmem>>) semaphore(%run_scoped3A_121 : memref<!tpu.dma_semaphore, #tpu.memory_space<semaphore_mem>>) {add = true}
        %dma_wait3A_128 = arith.constant 0 : i32
        %dma_wait3A_129 = tpu.memref_slice %arg10[%mul3A_90, %dma_wait3A_128] : memref<40x128xi32, #tpu.memory_space<vmem>> -> memref<1x128xi32, #tpu.memory_space<vmem>>
        %dma_wait3A_130 = tpu.memref_squeeze %dma_wait3A_129 : memref<1x128xi32, #tpu.memory_space<vmem>> -> memref<128xi32, #tpu.memory_space<vmem>>
        %dma_wait3A_131 = arith.constant 0 : i32
        %dma_wait3A_132 = arith.constant 0 : i32
        %dma_wait3A_133 = tpu.memref_slice %arg8[%dma_wait3A_131, %dma_wait3A_132] : memref<10240x128xf32, #tpu.memory_space<vmem_shared>> -> memref<10240x128xf32, #tpu.memory_space<vmem_shared>>
        tpu.wait_indirect_dma semaphore(%run_scoped3A_121 : memref<!tpu.dma_semaphore, #tpu.memory_space<semaphore_mem>>) src(%arg11 : memref<128x128xf32, #tpu.memory_space<vmem>>) dst(%dma_wait3A_133 : memref<10240x128xf32, #tpu.memory_space<vmem_shared>>)
        tpu.yield
      }) : () -> ()
      %dma_wait3A_105 = arith.constant 0 : i32
      %dma_wait3A_106 = tpu.memref_slice %arg9[%add3A_98, %dma_wait3A_105] : memref<40x128xi32, #tpu.memory_space<vmem>> -> memref<1x128xi32, #tpu.memory_space<vmem>>
      %dma_wait3A_107 = tpu.memref_squeeze %dma_wait3A_106 : memref<1x128xi32, #tpu.memory_space<vmem>> -> memref<128xi32, #tpu.memory_space<vmem>>
      %dma_wait3A_108 = arith.constant 0 : i32
      %dma_wait3A_109 = arith.constant 0 : i32
      %dma_wait3A_110 = tpu.memref_slice %arg2[%dma_wait3A_108, %dma_wait3A_109] : memref<10000x128xf32, #tpu.memory_space<hbm>> -> memref<10000x128xf32, #tpu.memory_space<hbm>>
      tpu.wait_indirect_dma semaphore(%arg14 : memref<!tpu.dma_semaphore, #tpu.memory_space<semaphore_mem>>) src(%dma_wait3A_110 : memref<10000x128xf32, #tpu.memory_space<hbm>>) dst(%arg12 : memref<128x128xf32, #tpu.memory_space<vmem>>)
      %add3A_111 = arith.constant 2 : i32
      %add3A_112 = arith.addi %mul3A_90, %add3A_111 : i32
      %dma_start3A_113 = arith.constant 0 : i32
      %dma_start3A_114 = tpu.memref_slice %arg9[%add3A_112, %dma_start3A_113] : memref<40x128xi32, #tpu.memory_space<vmem>> -> memref<1x128xi32, #tpu.memory_space<vmem>>
      %dma_start3A_115 = tpu.memref_squeeze %dma_start3A_114 : memref<1x128xi32, #tpu.memory_space<vmem>> -> memref<128xi32, #tpu.memory_space<vmem>>
      %dma_start3A_116 = arith.constant 0 : i32
      %dma_start3A_117 = arith.constant 0 : i32
      %dma_start3A_118 = tpu.memref_slice %arg2[%dma_start3A_116, %dma_start3A_117] : memref<10000x128xf32, #tpu.memory_space<hbm>> -> memref<10000x128xf32, #tpu.memory_space<hbm>>
      tpu.enqueue_indirect_dma source(%dma_start3A_118 : memref<10000x128xf32, #tpu.memory_space<hbm>>) target(%arg11 : memref<128x128xf32, #tpu.memory_space<vmem>>) offsets(%dma_start3A_115 : memref<128xi32, #tpu.memory_space<vmem>>) semaphore(%arg13 : memref<!tpu.dma_semaphore, #tpu.memory_space<semaphore_mem>>)
      %add3A_119 = arith.constant 1 : i32
      %add3A_120 = arith.addi %mul3A_90, %add3A_119 : i32
      "tpu.region"() ({
        %run_scoped3A_121 = tpu.sem_alloc : memref<!tpu.dma_semaphore, #tpu.memory_space<semaphore_mem>>
        %dma_start3A_122 = arith.constant 0 : i32
        %dma_start3A_123 = tpu.memref_slice %arg10[%add3A_120, %dma_start3A_122] : memref<40x128xi32, #tpu.memory_space<vmem>> -> memref<1x128xi32, #tpu.memory_space<vmem>>
        %dma_start3A_124 = tpu.memref_squeeze %dma_start3A_123 : memref<1x128xi32, #tpu.memory_space<vmem>> -> memref<128xi32, #tpu.memory_space<vmem>>
        %dma_start3A_125 = arith.constant 0 : i32
        %dma_start3A_126 = arith.constant 0 : i32
        %dma_start3A_127 = tpu.memref_slice %arg8[%dma_start3A_125, %dma_start3A_126] : memref<10240x128xf32, #tpu.memory_space<vmem_shared>> -> memref<10240x128xf32, #tpu.memory_space<vmem_shared>>
        tpu.enqueue_indirect_dma source(%arg12 : memref<128x128xf32, #tpu.memory_space<vmem>>) target(%dma_start3A_127 : memref<10240x128xf32, #tpu.memory_space<vmem_shared>>) offsets(%dma_start3A_124 : memref<128xi32, #tpu.memory_space<vmem>>) semaphore(%run_scoped3A_121 : memref<!tpu.dma_semaphore, #tpu.memory_space<semaphore_mem>>) {add = true}
        %dma_wait3A_128 = arith.constant 0 : i32
        %dma_wait3A_129 = tpu.memref_slice %arg10[%add3A_120, %dma_wait3A_128] : memref<40x128xi32, #tpu.memory_space<vmem>> -> memref<1x128xi32, #tpu.memory_space<vmem>>
        %dma_wait3A_130 = tpu.memref_squeeze %dma_wait3A_129 : memref<1x128xi32, #tpu.memory_space<vmem>> -> memref<128xi32, #tpu.memory_space<vmem>>
        %dma_wait3A_131 = arith.constant 0 : i32
        %dma_wait3A_132 = arith.constant 0 : i32
        %dma_wait3A_133 = tpu.memref_slice %arg8[%dma_wait3A_131, %dma_wait3A_132] : memref<10240x128xf32, #tpu.memory_space<vmem_shared>> -> memref<10240x128xf32, #tpu.memory_space<vmem_shared>>
        tpu.wait_indirect_dma semaphore(%run_scoped3A_121 : memref<!tpu.dma_semaphore, #tpu.memory_space<semaphore_mem>>) src(%arg12 : memref<128x128xf32, #tpu.memory_space<vmem>>) dst(%dma_wait3A_133 : memref<10240x128xf32, #tpu.memory_space<vmem_shared>>)
        tpu.yield
      }) : () -> ()
    }
    %scan3A_62 = arith.constant 18 : i32
    %dma_wait3A_63 = arith.constant 0 : i32
    %dma_wait3A_64 = arith.constant 0 : i32
    %dma_wait3A_65 = tpu.memref_slice %arg2[%dma_wait3A_63, %dma_wait3A_64] : memref<10000x128xf32, #tpu.memory_space<hbm>> -> memref<128x128xf32, #tpu.memory_space<hbm>>
    %dma_wait3A_66 = arith.constant 0 : i32
    %dma_wait3A_67 = arith.constant 0 : i32
    %dma_wait3A_68 = tpu.memref_slice %arg2[%dma_wait3A_66, %dma_wait3A_67] : memref<10000x128xf32, #tpu.memory_space<hbm>> -> memref<128x128xf32, #tpu.memory_space<hbm>>
    tpu.wait_dma2 semaphore(%arg13 : memref<!tpu.dma_semaphore, #tpu.memory_space<semaphore_mem>>) src(%dma_wait3A_68 : memref<128x128xf32, #tpu.memory_space<hbm>>) dst(%arg11 : memref<128x128xf32, #tpu.memory_space<vmem>>)
    %dma_start3A_69 = arith.constant 37 : i32
    %dma_start3A_70 = arith.constant 0 : i32
    %dma_start3A_71 = tpu.memref_slice %arg9[%dma_start3A_69, %dma_start3A_70] : memref<40x128xi32, #tpu.memory_space<vmem>> -> memref<1x128xi32, #tpu.memory_space<vmem>>
    %dma_start3A_72 = tpu.memref_squeeze %dma_start3A_71 : memref<1x128xi32, #tpu.memory_space<vmem>> -> memref<128xi32, #tpu.memory_space<vmem>>
    %dma_start3A_73 = arith.constant 0 : i32
    %dma_start3A_74 = arith.constant 0 : i32
    %dma_start3A_75 = tpu.memref_slice %arg2[%dma_start3A_73, %dma_start3A_74] : memref<10000x128xf32, #tpu.memory_space<hbm>> -> memref<10000x128xf32, #tpu.memory_space<hbm>>
    tpu.enqueue_indirect_dma source(%dma_start3A_75 : memref<10000x128xf32, #tpu.memory_space<hbm>>) target(%arg12 : memref<128x128xf32, #tpu.memory_space<vmem>>) offsets(%dma_start3A_72 : memref<128xi32, #tpu.memory_space<vmem>>) semaphore(%arg14 : memref<!tpu.dma_semaphore, #tpu.memory_space<semaphore_mem>>)
    %run_scoped3A_76 = arith.constant 36 : i32
    "tpu.region"() ({
      %run_scoped3A_88 = tpu.sem_alloc : memref<!tpu.dma_semaphore, #tpu.memory_space<semaphore_mem>>
      %dma_start3A_89 = arith.constant 0 : i32
      %dma_start3A_90 = tpu.memref_slice %arg10[%run_scoped3A_76, %dma_start3A_89] : memref<40x128xi32, #tpu.memory_space<vmem>> -> memref<1x128xi32, #tpu.memory_space<vmem>>
      %dma_start3A_91 = tpu.memref_squeeze %dma_start3A_90 : memref<1x128xi32, #tpu.memory_space<vmem>> -> memref<128xi32, #tpu.memory_space<vmem>>
      %dma_start3A_92 = arith.constant 0 : i32
      %dma_start3A_93 = arith.constant 0 : i32
      %dma_start3A_94 = tpu.memref_slice %arg8[%dma_start3A_92, %dma_start3A_93] : memref<10240x128xf32, #tpu.memory_space<vmem_shared>> -> memref<10240x128xf32, #tpu.memory_space<vmem_shared>>
      tpu.enqueue_indirect_dma source(%arg11 : memref<128x128xf32, #tpu.memory_space<vmem>>) target(%dma_start3A_94 : memref<10240x128xf32, #tpu.memory_space<vmem_shared>>) offsets(%dma_start3A_91 : memref<128xi32, #tpu.memory_space<vmem>>) semaphore(%run_scoped3A_88 : memref<!tpu.dma_semaphore, #tpu.memory_space<semaphore_mem>>) {add = true}
      %dma_wait3A_95 = arith.constant 0 : i32
      %dma_wait3A_96 = tpu.memref_slice %arg10[%run_scoped3A_76, %dma_wait3A_95] : memref<40x128xi32, #tpu.memory_space<vmem>> -> memref<1x128xi32, #tpu.memory_space<vmem>>
      %dma_wait3A_97 = tpu.memref_squeeze %dma_wait3A_96 : memref<1x128xi32, #tpu.memory_space<vmem>> -> memref<128xi32, #tpu.memory_space<vmem>>
      %dma_wait3A_98 = arith.constant 0 : i32
      %dma_wait3A_99 = arith.constant 0 : i32
      %dma_wait3A_100 = tpu.memref_slice %arg8[%dma_wait3A_98, %dma_wait3A_99] : memref<10240x128xf32, #tpu.memory_space<vmem_shared>> -> memref<10240x128xf32, #tpu.memory_space<vmem_shared>>
      tpu.wait_indirect_dma semaphore(%run_scoped3A_88 : memref<!tpu.dma_semaphore, #tpu.memory_space<semaphore_mem>>) src(%arg11 : memref<128x128xf32, #tpu.memory_space<vmem>>) dst(%dma_wait3A_100 : memref<10240x128xf32, #tpu.memory_space<vmem_shared>>)
      tpu.yield
    }) : () -> ()
    %dma_wait3A_77 = arith.constant 37 : i32
    %dma_wait3A_78 = arith.constant 0 : i32
    %dma_wait3A_79 = tpu.memref_slice %arg9[%dma_wait3A_77, %dma_wait3A_78] : memref<40x128xi32, #tpu.memory_space<vmem>> -> memref<1x128xi32, #tpu.memory_space<vmem>>
    %dma_wait3A_80 = tpu.memref_squeeze %dma_wait3A_79 : memref<1x128xi32, #tpu.memory_space<vmem>> -> memref<128xi32, #tpu.memory_space<vmem>>
    %dma_wait3A_81 = arith.constant 0 : i32
    %dma_wait3A_82 = arith.constant 0 : i32
    %dma_wait3A_83 = tpu.memref_slice %arg2[%dma_wait3A_81, %dma_wait3A_82] : memref<10000x128xf32, #tpu.memory_space<hbm>> -> memref<10000x128xf32, #tpu.memory_space<hbm>>
    tpu.wait_indirect_dma semaphore(%arg14 : memref<!tpu.dma_semaphore, #tpu.memory_space<semaphore_mem>>) src(%dma_wait3A_83 : memref<10000x128xf32, #tpu.memory_space<hbm>>) dst(%arg12 : memref<128x128xf32, #tpu.memory_space<vmem>>)
    %run_scoped3A_84 = arith.constant 37 : i32
    "tpu.region"() ({
      %run_scoped3A_88 = tpu.sem_alloc : memref<!tpu.dma_semaphore, #tpu.memory_space<semaphore_mem>>
      %dma_start3A_89 = arith.constant 0 : i32
      %dma_start3A_90 = tpu.memref_slice %arg10[%run_scoped3A_84, %dma_start3A_89] : memref<40x128xi32, #tpu.memory_space<vmem>> -> memref<1x128xi32, #tpu.memory_space<vmem>>
      %dma_start3A_91 = tpu.memref_squeeze %dma_start3A_90 : memref<1x128xi32, #tpu.memory_space<vmem>> -> memref<128xi32, #tpu.memory_space<vmem>>
      %dma_start3A_92 = arith.constant 0 : i32
      %dma_start3A_93 = arith.constant 0 : i32
      %dma_start3A_94 = tpu.memref_slice %arg8[%dma_start3A_92, %dma_start3A_93] : memref<10240x128xf32, #tpu.memory_space<vmem_shared>> -> memref<10240x128xf32, #tpu.memory_space<vmem_shared>>
      tpu.enqueue_indirect_dma source(%arg12 : memref<128x128xf32, #tpu.memory_space<vmem>>) target(%dma_start3A_94 : memref<10240x128xf32, #tpu.memory_space<vmem_shared>>) offsets(%dma_start3A_91 : memref<128xi32, #tpu.memory_space<vmem>>) semaphore(%run_scoped3A_88 : memref<!tpu.dma_semaphore, #tpu.memory_space<semaphore_mem>>) {add = true}
      %dma_wait3A_95 = arith.constant 0 : i32
      %dma_wait3A_96 = tpu.memref_slice %arg10[%run_scoped3A_84, %dma_wait3A_95] : memref<40x128xi32, #tpu.memory_space<vmem>> -> memref<1x128xi32, #tpu.memory_space<vmem>>
      %dma_wait3A_97 = tpu.memref_squeeze %dma_wait3A_96 : memref<1x128xi32, #tpu.memory_space<vmem>> -> memref<128xi32, #tpu.memory_space<vmem>>
      %dma_wait3A_98 = arith.constant 0 : i32
      %dma_wait3A_99 = arith.constant 0 : i32
      %dma_wait3A_100 = tpu.memref_slice %arg8[%dma_wait3A_98, %dma_wait3A_99] : memref<10240x128xf32, #tpu.memory_space<vmem_shared>> -> memref<10240x128xf32, #tpu.memory_space<vmem_shared>>
      tpu.wait_indirect_dma semaphore(%run_scoped3A_88 : memref<!tpu.dma_semaphore, #tpu.memory_space<semaphore_mem>>) src(%arg12 : memref<128x128xf32, #tpu.memory_space<vmem>>) dst(%dma_wait3A_100 : memref<10240x128xf32, #tpu.memory_space<vmem_shared>>)
      tpu.yield
    }) : () -> ()
    %ge3A = arith.constant 28 : i32
    %ge3A_85 = arith.cmpi sge, %add3A, %ge3A : i32
    %convert_element_type3A = arith.extui %ge3A_85 : i1 to i32
    %cond3A = arith.constant 0 : i32
    %cond3A_86 = arith.cmpi ne, %convert_element_type3A, %cond3A : i32
    scf.if %cond3A_86 {
      %sub3A = arith.constant 28 : i32
      %sub3A_88 = arith.subi %add3A, %sub3A : i32
      "tpu.region"() ({
        %run_scoped3A_91 = tpu.sem_alloc : memref<!tpu.dma_semaphore, #tpu.memory_space<semaphore_mem>>
        %dma_start3A_92 = arith.constant 0 : i32
        %dma_start3A_93 = arith.constant 0 : i32
        %dma_start3A_94 = tpu.memref_slice %arg9[%dma_start3A_92, %dma_start3A_93] : memref<40x128xi32, #tpu.memory_space<vmem>> -> memref<1x128xi32, #tpu.memory_space<vmem>>
        %dma_start3A_95 = arith.constant 0 : i32
        %dma_start3A_96 = arith.constant 0 : i32
        %dma_start3A_97 = tpu.memref_slice %arg5[%sub3A_88, %dma_start3A_95, %dma_start3A_96] : memref<4x1x128xi32, #tpu.memory_space<hbm>> -> memref<1x1x128xi32, #tpu.memory_space<hbm>>
        %dma_start3A_98 = tpu.memref_squeeze %dma_start3A_97 : memref<1x1x128xi32, #tpu.memory_space<hbm>> -> memref<1x128xi32, #tpu.memory_space<hbm>>
        %dma_start3A_99 = arith.constant 0 : i32
        %dma_start3A_100 = arith.constant 0 : i32
        %dma_start3A_101 = tpu.memref_slice %arg9[%dma_start3A_99, %dma_start3A_100] : memref<40x128xi32, #tpu.memory_space<vmem>> -> memref<1x128xi32, #tpu.memory_space<vmem>>
        %dma_start3A_102 = arith.constant 0 : i32
        %dma_start3A_103 = arith.constant 0 : i32
        %dma_start3A_104 = tpu.memref_slice %arg5[%sub3A_88, %dma_start3A_102, %dma_start3A_103] : memref<4x1x128xi32, #tpu.memory_space<hbm>> -> memref<1x1x128xi32, #tpu.memory_space<hbm>>
        %dma_start3A_105 = tpu.memref_squeeze %dma_start3A_104 : memref<1x1x128xi32, #tpu.memory_space<hbm>> -> memref<1x128xi32, #tpu.memory_space<hbm>>
        tpu.enqueue_dma source(%dma_start3A_105 : memref<1x128xi32, #tpu.memory_space<hbm>>) target(%dma_start3A_101 : memref<1x128xi32, #tpu.memory_space<vmem>>) target_semaphore(%run_scoped3A_91 : memref<!tpu.dma_semaphore, #tpu.memory_space<semaphore_mem>>)
        %dma_wait3A_106 = arith.constant 0 : i32
        %dma_wait3A_107 = arith.constant 0 : i32
        %dma_wait3A_108 = tpu.memref_slice %arg9[%dma_wait3A_106, %dma_wait3A_107] : memref<40x128xi32, #tpu.memory_space<vmem>> -> memref<1x128xi32, #tpu.memory_space<vmem>>
        %dma_wait3A_109 = arith.constant 0 : i32
        %dma_wait3A_110 = arith.constant 0 : i32
        %dma_wait3A_111 = tpu.memref_slice %arg5[%sub3A_88, %dma_wait3A_109, %dma_wait3A_110] : memref<4x1x128xi32, #tpu.memory_space<hbm>> -> memref<1x1x128xi32, #tpu.memory_space<hbm>>
        %dma_wait3A_112 = tpu.memref_squeeze %dma_wait3A_111 : memref<1x1x128xi32, #tpu.memory_space<hbm>> -> memref<1x128xi32, #tpu.memory_space<hbm>>
        %dma_wait3A_113 = arith.constant 0 : i32
        %dma_wait3A_114 = arith.constant 0 : i32
        %dma_wait3A_115 = tpu.memref_slice %arg9[%dma_wait3A_113, %dma_wait3A_114] : memref<40x128xi32, #tpu.memory_space<vmem>> -> memref<1x128xi32, #tpu.memory_space<vmem>>
        %dma_wait3A_116 = arith.constant 0 : i32
        %dma_wait3A_117 = arith.constant 0 : i32
        %dma_wait3A_118 = tpu.memref_slice %arg5[%sub3A_88, %dma_wait3A_116, %dma_wait3A_117] : memref<4x1x128xi32, #tpu.memory_space<hbm>> -> memref<1x1x128xi32, #tpu.memory_space<hbm>>
        %dma_wait3A_119 = tpu.memref_squeeze %dma_wait3A_118 : memref<1x1x128xi32, #tpu.memory_space<hbm>> -> memref<1x128xi32, #tpu.memory_space<hbm>>
        tpu.wait_dma2 semaphore(%run_scoped3A_91 : memref<!tpu.dma_semaphore, #tpu.memory_space<semaphore_mem>>) src(%dma_wait3A_119 : memref<1x128xi32, #tpu.memory_space<hbm>>) dst(%dma_wait3A_115 : memref<1x128xi32, #tpu.memory_space<vmem>>)
        tpu.yield
      }) : () -> ()
      "tpu.region"() ({
        %run_scoped3A_91 = tpu.sem_alloc : memref<!tpu.dma_semaphore, #tpu.memory_space<semaphore_mem>>
        %dma_start3A_92 = arith.constant 0 : i32
        %dma_start3A_93 = arith.constant 0 : i32
        %dma_start3A_94 = tpu.memref_slice %arg10[%dma_start3A_92, %dma_start3A_93] : memref<40x128xi32, #tpu.memory_space<vmem>> -> memref<1x128xi32, #tpu.memory_space<vmem>>
        %dma_start3A_95 = arith.constant 0 : i32
        %dma_start3A_96 = arith.constant 0 : i32
        %dma_start3A_97 = tpu.memref_slice %arg6[%sub3A_88, %dma_start3A_95, %dma_start3A_96] : memref<4x1x128xi32, #tpu.memory_space<hbm>> -> memref<1x1x128xi32, #tpu.memory_space<hbm>>
        %dma_start3A_98 = tpu.memref_squeeze %dma_start3A_97 : memref<1x1x128xi32, #tpu.memory_space<hbm>> -> memref<1x128xi32, #tpu.memory_space<hbm>>
        %dma_start3A_99 = arith.constant 0 : i32
        %dma_start3A_100 = arith.constant 0 : i32
        %dma_start3A_101 = tpu.memref_slice %arg10[%dma_start3A_99, %dma_start3A_100] : memref<40x128xi32, #tpu.memory_space<vmem>> -> memref<1x128xi32, #tpu.memory_space<vmem>>
        %dma_start3A_102 = arith.constant 0 : i32
        %dma_start3A_103 = arith.constant 0 : i32
        %dma_start3A_104 = tpu.memref_slice %arg6[%sub3A_88, %dma_start3A_102, %dma_start3A_103] : memref<4x1x128xi32, #tpu.memory_space<hbm>> -> memref<1x1x128xi32, #tpu.memory_space<hbm>>
        %dma_start3A_105 = tpu.memref_squeeze %dma_start3A_104 : memref<1x1x128xi32, #tpu.memory_space<hbm>> -> memref<1x128xi32, #tpu.memory_space<hbm>>
        tpu.enqueue_dma source(%dma_start3A_105 : memref<1x128xi32, #tpu.memory_space<hbm>>) target(%dma_start3A_101 : memref<1x128xi32, #tpu.memory_space<vmem>>) target_semaphore(%run_scoped3A_91 : memref<!tpu.dma_semaphore, #tpu.memory_space<semaphore_mem>>)
        %dma_wait3A_106 = arith.constant 0 : i32
        %dma_wait3A_107 = arith.constant 0 : i32
        %dma_wait3A_108 = tpu.memref_slice %arg10[%dma_wait3A_106, %dma_wait3A_107] : memref<40x128xi32, #tpu.memory_space<vmem>> -> memref<1x128xi32, #tpu.memory_space<vmem>>
        %dma_wait3A_109 = arith.constant 0 : i32
        %dma_wait3A_110 = arith.constant 0 : i32
        %dma_wait3A_111 = tpu.memref_slice %arg6[%sub3A_88, %dma_wait3A_109, %dma_wait3A_110] : memref<4x1x128xi32, #tpu.memory_space<hbm>> -> memref<1x1x128xi32, #tpu.memory_space<hbm>>
        %dma_wait3A_112 = tpu.memref_squeeze %dma_wait3A_111 : memref<1x1x128xi32, #tpu.memory_space<hbm>> -> memref<1x128xi32, #tpu.memory_space<hbm>>
        %dma_wait3A_113 = arith.constant 0 : i32
        %dma_wait3A_114 = arith.constant 0 : i32
        %dma_wait3A_115 = tpu.memref_slice %arg10[%dma_wait3A_113, %dma_wait3A_114] : memref<40x128xi32, #tpu.memory_space<vmem>> -> memref<1x128xi32, #tpu.memory_space<vmem>>
        %dma_wait3A_116 = arith.constant 0 : i32
        %dma_wait3A_117 = arith.constant 0 : i32
        %dma_wait3A_118 = tpu.memref_slice %arg6[%sub3A_88, %dma_wait3A_116, %dma_wait3A_117] : memref<4x1x128xi32, #tpu.memory_space<hbm>> -> memref<1x1x128xi32, #tpu.memory_space<hbm>>
        %dma_wait3A_119 = tpu.memref_squeeze %dma_wait3A_118 : memref<1x1x128xi32, #tpu.memory_space<hbm>> -> memref<1x128xi32, #tpu.memory_space<hbm>>
        tpu.wait_dma2 semaphore(%run_scoped3A_91 : memref<!tpu.dma_semaphore, #tpu.memory_space<semaphore_mem>>) src(%dma_wait3A_119 : memref<1x128xi32, #tpu.memory_space<hbm>>) dst(%dma_wait3A_115 : memref<1x128xi32, #tpu.memory_space<vmem>>)
        tpu.yield
      }) : () -> ()
      %run_scoped3A_89 = arith.constant 0 : i32
      "tpu.region"() ({
        %run_scoped3A_91 = tpu.sem_alloc : memref<!tpu.dma_semaphore, #tpu.memory_space<semaphore_mem>>
        %dma_start3A_92 = arith.constant 0 : i32
        %dma_start3A_93 = tpu.memref_slice %arg9[%run_scoped3A_89, %dma_start3A_92] : memref<40x128xi32, #tpu.memory_space<vmem>> -> memref<1x128xi32, #tpu.memory_space<vmem>>
        %dma_start3A_94 = tpu.memref_squeeze %dma_start3A_93 : memref<1x128xi32, #tpu.memory_space<vmem>> -> memref<128xi32, #tpu.memory_space<vmem>>
        %dma_start3A_95 = arith.constant 0 : i32
        %dma_start3A_96 = arith.constant 0 : i32
        %dma_start3A_97 = tpu.memref_slice %arg2[%dma_start3A_95, %dma_start3A_96] : memref<10000x128xf32, #tpu.memory_space<hbm>> -> memref<10000x128xf32, #tpu.memory_space<hbm>>
        tpu.enqueue_indirect_dma source(%dma_start3A_97 : memref<10000x128xf32, #tpu.memory_space<hbm>>) target(%arg11 : memref<128x128xf32, #tpu.memory_space<vmem>>) offsets(%dma_start3A_94 : memref<128xi32, #tpu.memory_space<vmem>>) semaphore(%run_scoped3A_91 : memref<!tpu.dma_semaphore, #tpu.memory_space<semaphore_mem>>)
        %dma_wait3A_98 = arith.constant 0 : i32
        %dma_wait3A_99 = tpu.memref_slice %arg9[%run_scoped3A_89, %dma_wait3A_98] : memref<40x128xi32, #tpu.memory_space<vmem>> -> memref<1x128xi32, #tpu.memory_space<vmem>>
        %dma_wait3A_100 = tpu.memref_squeeze %dma_wait3A_99 : memref<1x128xi32, #tpu.memory_space<vmem>> -> memref<128xi32, #tpu.memory_space<vmem>>
        %dma_wait3A_101 = arith.constant 0 : i32
        %dma_wait3A_102 = arith.constant 0 : i32
        %dma_wait3A_103 = tpu.memref_slice %arg2[%dma_wait3A_101, %dma_wait3A_102] : memref<10000x128xf32, #tpu.memory_space<hbm>> -> memref<10000x128xf32, #tpu.memory_space<hbm>>
        tpu.wait_indirect_dma semaphore(%run_scoped3A_91 : memref<!tpu.dma_semaphore, #tpu.memory_space<semaphore_mem>>) src(%dma_wait3A_103 : memref<10000x128xf32, #tpu.memory_space<hbm>>) dst(%arg11 : memref<128x128xf32, #tpu.memory_space<vmem>>)
        tpu.yield
      }) : () -> ()
      %run_scoped3A_90 = arith.constant 0 : i32
      "tpu.region"() ({
        %run_scoped3A_91 = tpu.sem_alloc : memref<!tpu.dma_semaphore, #tpu.memory_space<semaphore_mem>>
        %dma_start3A_92 = arith.constant 0 : i32
        %dma_start3A_93 = tpu.memref_slice %arg10[%run_scoped3A_90, %dma_start3A_92] : memref<40x128xi32, #tpu.memory_space<vmem>> -> memref<1x128xi32, #tpu.memory_space<vmem>>
        %dma_start3A_94 = tpu.memref_squeeze %dma_start3A_93 : memref<1x128xi32, #tpu.memory_space<vmem>> -> memref<128xi32, #tpu.memory_space<vmem>>
        %dma_start3A_95 = arith.constant 0 : i32
        %dma_start3A_96 = arith.constant 0 : i32
        %dma_start3A_97 = tpu.memref_slice %arg8[%dma_start3A_95, %dma_start3A_96] : memref<10240x128xf32, #tpu.memory_space<vmem_shared>> -> memref<10240x128xf32, #tpu.memory_space<vmem_shared>>
        tpu.enqueue_indirect_dma source(%arg11 : memref<128x128xf32, #tpu.memory_space<vmem>>) target(%dma_start3A_97 : memref<10240x128xf32, #tpu.memory_space<vmem_shared>>) offsets(%dma_start3A_94 : memref<128xi32, #tpu.memory_space<vmem>>) semaphore(%run_scoped3A_91 : memref<!tpu.dma_semaphore, #tpu.memory_space<semaphore_mem>>) {add = true}
        %dma_wait3A_98 = arith.constant 0 : i32
        %dma_wait3A_99 = tpu.memref_slice %arg10[%run_scoped3A_90, %dma_wait3A_98] : memref<40x128xi32, #tpu.memory_space<vmem>> -> memref<1x128xi32, #tpu.memory_space<vmem>>
        %dma_wait3A_100 = tpu.memref_squeeze %dma_wait3A_99 : memref<1x128xi32, #tpu.memory_space<vmem>> -> memref<128xi32, #tpu.memory_space<vmem>>
        %dma_wait3A_101 = arith.constant 0 : i32
        %dma_wait3A_102 = arith.constant 0 : i32
        %dma_wait3A_103 = tpu.memref_slice %arg8[%dma_wait3A_101, %dma_wait3A_102] : memref<10240x128xf32, #tpu.memory_space<vmem_shared>> -> memref<10240x128xf32, #tpu.memory_space<vmem_shared>>
        tpu.wait_indirect_dma semaphore(%run_scoped3A_91 : memref<!tpu.dma_semaphore, #tpu.memory_space<semaphore_mem>>) src(%arg11 : memref<128x128xf32, #tpu.memory_space<vmem>>) dst(%dma_wait3A_103 : memref<10240x128xf32, #tpu.memory_space<vmem_shared>>)
        tpu.yield
      }) : () -> ()
    } else {
    }
    %barrier3A_87 = arith.constant 0 : index
    tpu.barrier barrier_id(%barrier3A_87)
    "tpu.region"() ({
      %run_scoped3A_88 = tpu.sem_alloc : memref<!tpu.dma_semaphore, #tpu.memory_space<semaphore_mem>>
      %dma_start3A_89 = arith.constant 0 : i32
      %dma_start3A_90 = tpu.memref_slice %arg7[%arg0, %mul3A_13, %dma_start3A_89] : memref<2x10240x128xf32, #tpu.memory_space<hbm>> -> memref<1x640x128xf32, #tpu.memory_space<hbm>>
      %dma_start3A_91 = tpu.memref_squeeze %dma_start3A_90 : memref<1x640x128xf32, #tpu.memory_space<hbm>> -> memref<640x128xf32, #tpu.memory_space<hbm>>
      %dma_start3A_92 = arith.constant 0 : i32
      %dma_start3A_93 = tpu.memref_slice %arg8[%mul3A_13, %dma_start3A_92] : memref<10240x128xf32, #tpu.memory_space<vmem_shared>> -> memref<640x128xf32, #tpu.memory_space<vmem_shared>>
      tpu.enqueue_dma source(%dma_start3A_93 : memref<640x128xf32, #tpu.memory_space<vmem_shared>>) target(%dma_start3A_91 : memref<640x128xf32, #tpu.memory_space<hbm>>) target_semaphore(%run_scoped3A_88 : memref<!tpu.dma_semaphore, #tpu.memory_space<semaphore_mem>>)
      %dma_wait3A_94 = arith.constant 0 : i32
      %dma_wait3A_95 = tpu.memref_slice %arg7[%arg0, %mul3A_13, %dma_wait3A_94] : memref<2x10240x128xf32, #tpu.memory_space<hbm>> -> memref<1x640x128xf32, #tpu.memory_space<hbm>>
      %dma_wait3A_96 = tpu.memref_squeeze %dma_wait3A_95 : memref<1x640x128xf32, #tpu.memory_space<hbm>> -> memref<640x128xf32, #tpu.memory_space<hbm>>
      %dma_wait3A_97 = arith.constant 0 : i32
      %dma_wait3A_98 = tpu.memref_slice %arg8[%mul3A_13, %dma_wait3A_97] : memref<10240x128xf32, #tpu.memory_space<vmem_shared>> -> memref<640x128xf32, #tpu.memory_space<vmem_shared>>
      tpu.wait_dma2 semaphore(%run_scoped3A_88 : memref<!tpu.dma_semaphore, #tpu.memory_space<semaphore_mem>>) src(%dma_wait3A_98 : memref<640x128xf32, #tpu.memory_space<vmem_shared>>) dst(%dma_wait3A_96 : memref<640x128xf32, #tpu.memory_space<hbm>>)
      tpu.yield
    }) : () -> ()
    return
  }
}

module attributes {stable_mosaic.version = 14 : i64} {
  func.func @_tc1_body(%arg0: i32, %arg1: memref<1000x128xf32, #tpu.memory_space<vmem>>, %arg2: memref<128x128xf32, #tpu.memory_space<vmem>>, %arg3: memref<1000x2xf32, #tpu.memory_space<vmem>>, %arg4: memref<1000x128xf32, #tpu.memory_space<vmem>>) attributes {dimension_semantics = [#tpu.dimension_semantics<arbitrary>], iteration_bounds = array<i64: 10>, scalar_prefetch = 0 : i64, scratch_operands = 0 : i64, tpu.core_type = #tpu.core_type<tc>, window_params = [{transform_indices = @transform_0, window_bounds = array<i64: 1000, 128>}, {pipeline_mode = #tpu.pipeline_mode<synchronous>, transform_indices = @transform_1, window_bounds = array<i64: 128, 128>}, {transform_indices = @transform_2, window_bounds = array<i64: 1000, 2>}, {transform_indices = @transform_3, window_bounds = array<i64: 1000, 128>}]} {
    %get3A = arith.constant 0 : index
    %get3A_0 = arith.constant 0 : index
    %get3A_1 = vector.load %arg3[%get3A, %get3A_0] : memref<1000x2xf32, #tpu.memory_space<vmem>>, vector<1000x2xf32>
    %slice3A = vector.extract_strided_slice %get3A_1 {offsets = [0, 0], sizes = [1000, 1], strides = [1, 1]} : vector<1000x2xf32> to vector<1000x1xf32>
    %slice3A_2 = vector.extract_strided_slice %get3A_1 {offsets = [0, 1], sizes = [1000, 1], strides = [1, 1]} : vector<1000x2xf32> to vector<1000x1xf32>
    %add3A = arith.addf %slice3A, %slice3A_2 : vector<1000x1xf32>
    %add3A_3 = arith.constant 1.000000e+00 : f32
    %add3A_4 = vector.broadcast %add3A_3 : f32 to vector<1000x1xf32>
    %add3A_5 = arith.addf %add3A, %add3A_4 : vector<1000x1xf32>
    %rsqrt3A = math.rsqrt %add3A_5 : vector<1000x1xf32>
    %get3A_6 = arith.constant 0 : index
    %get3A_7 = arith.constant 0 : index
    %get3A_8 = vector.load %arg1[%get3A_6, %get3A_7] : memref<1000x128xf32, #tpu.memory_space<vmem>>, vector<1000x128xf32>
    %get3A_9 = arith.constant 0 : index
    %get3A_10 = arith.constant 0 : index
    %get3A_11 = vector.load %arg2[%get3A_9, %get3A_10] : memref<128x128xf32, #tpu.memory_space<vmem>>, vector<128x128xf32>
    %dot_general3A = arith.constant dense<0.000000e+00> : vector<1000x128xf32>
    %dot_general3A_12 = tpu.matmul %get3A_8, %get3A_11, %dot_general3A {dimension_numbers = #tpu.dot_dimension_numbers<[1], [0], [0], [1], [0, 0, 1, 1], [], []>, transpose_lhs_hint = false} : vector<1000x128xf32>, vector<128x128xf32>, vector<1000x128xf32> -> vector<1000x128xf32>
    %mul3A = vector.broadcast %rsqrt3A : vector<1000x1xf32> to vector<1000x128xf32>
    %mul3A_13 = arith.mulf %dot_general3A_12, %mul3A : vector<1000x128xf32>
    %swap3A = arith.constant 0 : index
    %swap3A_14 = arith.constant 0 : index
    %swap3A_15 = vector.load %arg4[%swap3A, %swap3A_14] : memref<1000x128xf32, #tpu.memory_space<vmem>>, vector<1000x128xf32>
    tpu.vector_store %arg4[%swap3A, %swap3A_14], %mul3A_13 {strides = array<i32>} : memref<1000x128xf32, #tpu.memory_space<vmem>>, vector<1000x128xf32>,
    return
  }
  func.func @transform_0(%arg0: i32) -> (i32, i32) {
    %c0_i32 = arith.constant 0 : i32
    %c0_i32_0 = arith.constant 0 : i32
    return %arg0, %c0_i32 : i32, i32
  }
  func.func @transform_1(%arg0: i32) -> (i32, i32) {
    %c0_i32 = arith.constant 0 : i32
    %c0_i32_0 = arith.constant 0 : i32
    %c0_i32_1 = arith.constant 0 : i32
    return %c0_i32, %c0_i32_0 : i32, i32
  }
  func.func @transform_2(%arg0: i32) -> (i32, i32) {
    %c0_i32 = arith.constant 0 : i32
    %c0_i32_0 = arith.constant 0 : i32
    return %arg0, %c0_i32 : i32, i32
  }
  func.func @transform_3(%arg0: i32) -> (i32, i32) {
    %c0_i32 = arith.constant 0 : i32
    %c0_i32_0 = arith.constant 0 : i32
    return %arg0, %c0_i32 : i32, i32
  }
}

module attributes {stable_mosaic.version = 14 : i64} {
  func.func @_tc2_body(%arg0: i32, %arg1: memref<1x1000x128xf32, #tpu.memory_space<vmem>>, %arg2: memref<1x1000x128xf32, #tpu.memory_space<vmem>>, %arg3: memref<1000x128xf32, #tpu.memory_space<vmem>>, %arg4: memref<1000x2xf32, #tpu.memory_space<vmem>>, %arg5: memref<1x128xf32, #tpu.memory_space<vmem>>, %arg6: memref<1000x128xf32, #tpu.memory_space<vmem>>) attributes {dimension_semantics = [#tpu.dimension_semantics<arbitrary>], iteration_bounds = array<i64: 10>, scalar_prefetch = 0 : i64, scratch_operands = 0 : i64, tpu.core_type = #tpu.core_type<tc>, window_params = [{transform_indices = @transform_0, window_bounds = array<i64: 1, 1000, 128>}, {transform_indices = @transform_1, window_bounds = array<i64: 1, 1000, 128>}, {transform_indices = @transform_2, window_bounds = array<i64: 1000, 128>}, {transform_indices = @transform_3, window_bounds = array<i64: 1000, 2>}, {pipeline_mode = #tpu.pipeline_mode<synchronous>, transform_indices = @transform_4, window_bounds = array<i64: 1, 128>}, {transform_indices = @transform_5, window_bounds = array<i64: 1000, 128>}]} {
    %get3A = arith.constant 0 : index
    %get3A_0 = arith.constant 0 : index
    %get3A_1 = vector.load %arg4[%get3A, %get3A_0] : memref<1000x2xf32, #tpu.memory_space<vmem>>, vector<1000x2xf32>
    %slice3A = vector.extract_strided_slice %get3A_1 {offsets = [0, 0], sizes = [1000, 1], strides = [1, 1]} : vector<1000x2xf32> to vector<1000x1xf32>
    %slice3A_2 = vector.extract_strided_slice %get3A_1 {offsets = [0, 1], sizes = [1000, 1], strides = [1, 1]} : vector<1000x2xf32> to vector<1000x1xf32>
    %add3A = arith.addf %slice3A, %slice3A_2 : vector<1000x1xf32>
    %add3A_3 = arith.constant 1.000000e+00 : f32
    %add3A_4 = vector.broadcast %add3A_3 : f32 to vector<1000x1xf32>
    %add3A_5 = arith.addf %add3A, %add3A_4 : vector<1000x1xf32>
    %rsqrt3A = math.rsqrt %add3A_5 : vector<1000x1xf32>
    %get3A_6 = arith.constant 0 : index
    %get3A_7 = arith.constant 0 : index
    %get3A_8 = arith.constant 0 : index
    %get3A_9 = vector.load %arg1[%get3A_6, %get3A_7, %get3A_8] : memref<1x1000x128xf32, #tpu.memory_space<vmem>>, vector<1x1000x128xf32>
    %get3A_10 = vector.shape_cast %get3A_9 : vector<1x1000x128xf32> to vector<1000x128xf32>
    %get3A_11 = arith.constant 0 : index
    %get3A_12 = arith.constant 0 : index
    %get3A_13 = arith.constant 0 : index
    %get3A_14 = vector.load %arg2[%get3A_11, %get3A_12, %get3A_13] : memref<1x1000x128xf32, #tpu.memory_space<vmem>>, vector<1x1000x128xf32>
    %get3A_15 = vector.shape_cast %get3A_14 : vector<1x1000x128xf32> to vector<1000x128xf32>
    %add3A_16 = arith.addf %get3A_10, %get3A_15 : vector<1000x128xf32>
    %get3A_17 = arith.constant 0 : index
    %get3A_18 = arith.constant 0 : index
    %get3A_19 = vector.load %arg3[%get3A_17, %get3A_18] : memref<1000x128xf32, #tpu.memory_space<vmem>>, vector<1000x128xf32>
    %add3A_20 = arith.addf %add3A_16, %get3A_19 : vector<1000x128xf32>
    %mul3A = vector.broadcast %rsqrt3A : vector<1000x1xf32> to vector<1000x128xf32>
    %mul3A_21 = arith.mulf %add3A_20, %mul3A : vector<1000x128xf32>
    %get3A_22 = arith.constant 0 : index
    %get3A_23 = arith.constant 0 : index
    %get3A_24 = vector.load %arg5[%get3A_22, %get3A_23] : memref<1x128xf32, #tpu.memory_space<vmem>>, vector<1x128xf32>
    %add3A_25 = vector.broadcast %get3A_24 : vector<1x128xf32> to vector<1000x128xf32>
    %add3A_26 = arith.addf %mul3A_21, %add3A_25 : vector<1000x128xf32>
    %max3A = arith.constant 0.000000e+00 : f32
    %max3A_27 = vector.broadcast %max3A : f32 to vector<1000x128xf32>
    %max3A_28 = arith.maximumf %add3A_26, %max3A_27 : vector<1000x128xf32>
    %mul3A_29 = vector.broadcast %rsqrt3A : vector<1000x1xf32> to vector<1000x128xf32>
    %mul3A_30 = arith.mulf %max3A_28, %mul3A_29 : vector<1000x128xf32>
    %swap3A = arith.constant 0 : index
    %swap3A_31 = arith.constant 0 : index
    %swap3A_32 = vector.load %arg6[%swap3A, %swap3A_31] : memref<1000x128xf32, #tpu.memory_space<vmem>>, vector<1000x128xf32>
    tpu.vector_store %arg6[%swap3A, %swap3A_31], %mul3A_30 {strides = array<i32>} : memref<1000x128xf32, #tpu.memory_space<vmem>>, vector<1000x128xf32>,
    return
  }
  func.func @transform_0(%arg0: i32) -> (i32, i32, i32) {
    %c0_i32 = arith.constant 0 : i32
    %c0_i32_0 = arith.constant 0 : i32
    %c0_i32_1 = arith.constant 0 : i32
    return %c0_i32, %arg0, %c0_i32_0 : i32, i32, i32
  }
  func.func @transform_1(%arg0: i32) -> (i32, i32, i32) {
    %c1_i32 = arith.constant 1 : i32
    %c0_i32 = arith.constant 0 : i32
    %c0_i32_0 = arith.constant 0 : i32
    return %c1_i32, %arg0, %c0_i32 : i32, i32, i32
  }
  func.func @transform_2(%arg0: i32) -> (i32, i32) {
    %c0_i32 = arith.constant 0 : i32
    %c0_i32_0 = arith.constant 0 : i32
    return %arg0, %c0_i32 : i32, i32
  }
  func.func @transform_3(%arg0: i32) -> (i32, i32) {
    %c0_i32 = arith.constant 0 : i32
    %c0_i32_0 = arith.constant 0 : i32
    return %arg0, %c0_i32 : i32, i32
  }
  func.func @transform_4(%arg0: i32) -> (i32, i32) {
    %c0_i32 = arith.constant 0 : i32
    %c0_i32_0 = arith.constant 0 : i32
    %c0_i32_1 = arith.constant 0 : i32
    return %c0_i32, %c0_i32_0 : i32, i32
  }
  func.func @transform_5(%arg0: i32) -> (i32, i32) {
    %c0_i32 = arith.constant 0 : i32
    %c0_i32_0 = arith.constant 0 : i32
    return %arg0, %c0_i32 : i32, i32
  }
}

module attributes {stable_mosaic.version = 14 : i64} {
  func.func @_tc3_body(%arg0: i32, %arg1: memref<1x1000x128xf32, #tpu.memory_space<vmem>>, %arg2: memref<1x1000x128xf32, #tpu.memory_space<vmem>>, %arg3: memref<1000x128xf32, #tpu.memory_space<vmem>>, %arg4: memref<1000x2xf32, #tpu.memory_space<vmem>>, %arg5: memref<1x64xf32, #tpu.memory_space<vmem>>, %arg6: memref<128x64xf32, #tpu.memory_space<vmem>>, %arg7: memref<1000x64xf32, #tpu.memory_space<vmem>>) attributes {dimension_semantics = [#tpu.dimension_semantics<arbitrary>], iteration_bounds = array<i64: 10>, scalar_prefetch = 0 : i64, scratch_operands = 0 : i64, tpu.core_type = #tpu.core_type<tc>, window_params = [{transform_indices = @transform_0, window_bounds = array<i64: 1, 1000, 128>}, {transform_indices = @transform_1, window_bounds = array<i64: 1, 1000, 128>}, {transform_indices = @transform_2, window_bounds = array<i64: 1000, 128>}, {transform_indices = @transform_3, window_bounds = array<i64: 1000, 2>}, {pipeline_mode = #tpu.pipeline_mode<synchronous>, transform_indices = @transform_4, window_bounds = array<i64: 1, 64>}, {pipeline_mode = #tpu.pipeline_mode<synchronous>, transform_indices = @transform_5, window_bounds = array<i64: 128, 64>}, {transform_indices = @transform_6, window_bounds = array<i64: 1000, 64>}]} {
    %get3A = arith.constant 0 : index
    %get3A_0 = arith.constant 0 : index
    %get3A_1 = vector.load %arg4[%get3A, %get3A_0] : memref<1000x2xf32, #tpu.memory_space<vmem>>, vector<1000x2xf32>
    %slice3A = vector.extract_strided_slice %get3A_1 {offsets = [0, 0], sizes = [1000, 1], strides = [1, 1]} : vector<1000x2xf32> to vector<1000x1xf32>
    %slice3A_2 = vector.extract_strided_slice %get3A_1 {offsets = [0, 1], sizes = [1000, 1], strides = [1, 1]} : vector<1000x2xf32> to vector<1000x1xf32>
    %add3A = arith.addf %slice3A, %slice3A_2 : vector<1000x1xf32>
    %add3A_3 = arith.constant 1.000000e+00 : f32
    %add3A_4 = vector.broadcast %add3A_3 : f32 to vector<1000x1xf32>
    %add3A_5 = arith.addf %add3A, %add3A_4 : vector<1000x1xf32>
    %rsqrt3A = math.rsqrt %add3A_5 : vector<1000x1xf32>
    %get3A_6 = arith.constant 0 : index
    %get3A_7 = arith.constant 0 : index
    %get3A_8 = arith.constant 0 : index
    %get3A_9 = vector.load %arg1[%get3A_6, %get3A_7, %get3A_8] : memref<1x1000x128xf32, #tpu.memory_space<vmem>>, vector<1x1000x128xf32>
    %get3A_10 = vector.shape_cast %get3A_9 : vector<1x1000x128xf32> to vector<1000x128xf32>
    %get3A_11 = arith.constant 0 : index
    %get3A_12 = arith.constant 0 : index
    %get3A_13 = arith.constant 0 : index
    %get3A_14 = vector.load %arg2[%get3A_11, %get3A_12, %get3A_13] : memref<1x1000x128xf32, #tpu.memory_space<vmem>>, vector<1x1000x128xf32>
    %get3A_15 = vector.shape_cast %get3A_14 : vector<1x1000x128xf32> to vector<1000x128xf32>
    %add3A_16 = arith.addf %get3A_10, %get3A_15 : vector<1000x128xf32>
    %get3A_17 = arith.constant 0 : index
    %get3A_18 = arith.constant 0 : index
    %get3A_19 = vector.load %arg3[%get3A_17, %get3A_18] : memref<1000x128xf32, #tpu.memory_space<vmem>>, vector<1000x128xf32>
    %add3A_20 = arith.addf %add3A_16, %get3A_19 : vector<1000x128xf32>
    %mul3A = vector.broadcast %rsqrt3A : vector<1000x1xf32> to vector<1000x128xf32>
    %mul3A_21 = arith.mulf %add3A_20, %mul3A : vector<1000x128xf32>
    %get3A_22 = arith.constant 0 : index
    %get3A_23 = arith.constant 0 : index
    %get3A_24 = vector.load %arg6[%get3A_22, %get3A_23] : memref<128x64xf32, #tpu.memory_space<vmem>>, vector<128x64xf32>
    %dot_general3A = arith.constant dense<0.000000e+00> : vector<1000x64xf32>
    %dot_general3A_25 = tpu.matmul %mul3A_21, %get3A_24, %dot_general3A {dimension_numbers = #tpu.dot_dimension_numbers<[1], [0], [0], [1], [0, 0, 1, 1], [], []>, transpose_lhs_hint = false} : vector<1000x128xf32>, vector<128x64xf32>, vector<1000x64xf32> -> vector<1000x64xf32>
    %get3A_26 = arith.constant 0 : index
    %get3A_27 = arith.constant 0 : index
    %get3A_28 = vector.load %arg5[%get3A_26, %get3A_27] : memref<1x64xf32, #tpu.memory_space<vmem>>, vector<1x64xf32>
    %add3A_29 = vector.broadcast %get3A_28 : vector<1x64xf32> to vector<1000x64xf32>
    %add3A_30 = arith.addf %dot_general3A_25, %add3A_29 : vector<1000x64xf32>
    %reduce_max3A = arith.constant dense<0xFF800000> : vector<1000xf32>
    %reduce_max3A_31 = vector.multi_reduction <maximumf>, %add3A_30, %reduce_max3A [1] : vector<1000x64xf32> to vector<1000xf32>
    %broadcast_in_dim3A = vector.shape_cast %reduce_max3A_31 : vector<1000xf32> to vector<1000x1xf32>
    %sub3A = vector.broadcast %broadcast_in_dim3A : vector<1000x1xf32> to vector<1000x64xf32>
    %sub3A_32 = arith.subf %add3A_30, %sub3A : vector<1000x64xf32>
    %exp3A = math.exp %sub3A_32 : vector<1000x64xf32>
    %reduce_sum3A = arith.constant dense<0.000000e+00> : vector<1000xf32>
    %reduce_sum3A_33 = vector.multi_reduction <add>, %exp3A, %reduce_sum3A [1] : vector<1000x64xf32> to vector<1000xf32>
    %broadcast_in_dim3A_34 = vector.shape_cast %reduce_sum3A_33 : vector<1000xf32> to vector<1000x1xf32>
    %log3A = math.log %broadcast_in_dim3A_34 : vector<1000x1xf32>
    %add3A_35 = arith.addf %log3A, %broadcast_in_dim3A : vector<1000x1xf32>
    %sub3A_36 = vector.broadcast %add3A_35 : vector<1000x1xf32> to vector<1000x64xf32>
    %sub3A_37 = arith.subf %add3A_30, %sub3A_36 : vector<1000x64xf32>
    %swap3A = arith.constant 0 : index
    %swap3A_38 = arith.constant 0 : index
    %swap3A_39 = vector.load %arg7[%swap3A, %swap3A_38] : memref<1000x64xf32, #tpu.memory_space<vmem>>, vector<1000x64xf32>
    tpu.vector_store %arg7[%swap3A, %swap3A_38], %sub3A_37 {strides = array<i32>} : memref<1000x64xf32, #tpu.memory_space<vmem>>, vector<1000x64xf32>,
    return
  }
  func.func @transform_0(%arg0: i32) -> (i32, i32, i32) {
    %c0_i32 = arith.constant 0 : i32
    %c0_i32_0 = arith.constant 0 : i32
    %c0_i32_1 = arith.constant 0 : i32
    return %c0_i32, %arg0, %c0_i32_0 : i32, i32, i32
  }
  func.func @transform_1(%arg0: i32) -> (i32, i32, i32) {
    %c1_i32 = arith.constant 1 : i32
    %c0_i32 = arith.constant 0 : i32
    %c0_i32_0 = arith.constant 0 : i32
    return %c1_i32, %arg0, %c0_i32 : i32, i32, i32
  }
  func.func @transform_2(%arg0: i32) -> (i32, i32) {
    %c0_i32 = arith.constant 0 : i32
    %c0_i32_0 = arith.constant 0 : i32
    return %arg0, %c0_i32 : i32, i32
  }
  func.func @transform_3(%arg0: i32) -> (i32, i32) {
    %c0_i32 = arith.constant 0 : i32
    %c0_i32_0 = arith.constant 0 : i32
    return %arg0, %c0_i32 : i32, i32
  }
  func.func @transform_4(%arg0: i32) -> (i32, i32) {
    %c0_i32 = arith.constant 0 : i32
    %c0_i32_0 = arith.constant 0 : i32
    %c0_i32_1 = arith.constant 0 : i32
    return %c0_i32, %c0_i32_0 : i32, i32
  }
  func.func @transform_5(%arg0: i32) -> (i32, i32) {
    %c0_i32 = arith.constant 0 : i32
    %c0_i32_0 = arith.constant 0 : i32
    %c0_i32_1 = arith.constant 0 : i32
    return %c0_i32, %c0_i32_0 : i32, i32
  }
  func.func @transform_6(%arg0: i32) -> (i32, i32) {
    %c0_i32 = arith.constant 0 : i32
    %c0_i32_0 = arith.constant 0 : i32
    return %arg0, %c0_i32 : i32, i32
  }
}

</mosaic_0001>

<sc_bundles>
// kernel: kernel.11.cloned.1.call-start
scs
__scs_entry_jumppad:
0x0: {  	(pc) =	sbr.rel $0x88, $3  }
0x1: {  	(tag) =	ssettag $0x0;
	lr =	simm.s32 $0x1  }
0x2: {  	[smem:$0x3F9B] =	sst lr;
	_ =	strace $0xD0000000  }
0x3: {  	_ = 	snop  }
0x4: {  	_ = 	snop  }
0x5: {  	_ = 	snop  }
0x6: {  	_ = 	snop  }
0x7: {  	_ = 	snop  }
__scs_overlays_trampoline_lowered:
0x8: {  	[smem:$0x3FAA] =	sst s0  }
0x9: {  	[smem:$0x3FAB] =	sst s1  }
0xa: {  	[smem:$0x3FAC] =	sst s2  }
0xb: {  	[smem:$0x3FAD] =	sst s3  }
0xc: {  	[smem:$0x3FAE] =	sst s4  }
0xd: {  	[smem:$0x3FAF] =	sst s5  }
0xe: {  	[smem:$0x3FB0] =	sst s6  }
0xf: {  	[smem:$0x3FB1] =	sst s7  }
0x10: {  	[smem:$0x3FB2] =	sst s8  }
0x11: {  	[smem:$0x3FB3] =	sst s9;
	s0 =	simm.s32 @!p0 $0x0  }
0x12: {  	s1 =	sld [smem:$0x3F99];
	s0 =	simm.s32 @p0 $0x1  }
0x13: {  	[smem:$0x3FB4] =	sst s0;
	s0 =	simm.s32 @!p1 $0x0  }
0x14: {  	s2 =	sld [smem:$0x3F98];
	s0 =	simm.s32 @p1 $0x1  }
0x15: {  	[smem:$0x3FB5] =	sst s0;
	s0 =	simm.s32 @!p2 $0x0  }
0x16: {  	s3 =	sld [smem:$0x3FDB];
	s0 =	simm.s32 @p2 $0x1  }
0x17: {  	s4 =	simm.s32 $0x1BF5;
	[smem:$0x3FB7] =	sst s0  }
0x18: {  	s0 =	sld [smem:$0x3F9A];
	_ =	swait.ge [sflag:s4], $0x0  }
0x19: {  	s7 =	sld [smem:$0x3F9B]  }
0x1a: {  	s8 =	sadd.s32 $0xFFFFE003, lr  }
0x1b: {  	s9 =	sadd.s32 $0xFFFFFEF7, lr;
	s5 =	simm.s32 $0xFFFFFFFF;
	p2 =	slt.u32 s8, $0xFFFFF086  }
0x1c: {  	p1 =	slt.u32 s9, $0xF7A;
	s5 =	simm.s32 @!p2 $0x0  }
0x1d: {  	s5 =	simm.s32 @p1 $0x1;
	p0 =	seq.s32 s7, s2  }
0x1e: {  	s7 =	smul.u32 @!p0 $0xF7A, s2;
	p2 =	seq.s32 @!p0 s5, $0x0  }
0x1f: {  	s9 =	smul.u32 $0xF7A, s1;
	s8 =	simm.s32 @!p0 $0x1BF5;
	p2 =	por !p2, p0  }
0x20: {  	[sflag:s8] =	ssyncset.s32 @!p0 $0xFFFFF086;
	s6 =	sadd.s32 @!p0 s3, s7;
	s7 =	simm.s32 @!p0 $0x108  }
0x21: {  	s3 =	sadd.s32 s3, s9;
	s6 =	sadd.s32 @!p0 $0x88, s6;
	s7 =	simm.s32 @p2 $0x1082  }
0x22: {  	[simem:s7], [sflag:s8] =	dma.local @!p0 [hbm:s6], $0xF7A  }
0x23: {  	s9 =	sor.u32 $0xD0000000, s2;
	s6 =	simm.s32 $0x108;
	_ =	swait.ge @!p0 [sflag:s8], $0x0  }
0x24: {  	s3 =	sadd.s32 $0x88, s3;
	s6 =	simm.s32 @!p1 $0x1082;
	[sflag:s4] =	ssyncset.s32 $0xFFFFF086  }
0x25: {  	[simem:s6], [sflag:s4] =	dma.local [hbm:s3], $0xF7A  }
0x26: {  	[smem:$0x3F9B] =	sst s1;
	(tag) =	ssettag s2;
	_ =	strace s9  }
0x27: {  	s1 =	sld [smem:$0x3FAB]  }
0x28: {  	s2 =	sld [smem:$0x3FAC]  }
0x29: {  	s4 =	sld [smem:$0x3FAE]  }
0x2a: {  	p0 =	seq.s32 s5, $0x0;
	s5 =	sld [smem:$0x3FAF]  }
0x2b: {  	s6 =	sld [smem:$0x3FB0]  }
0x2c: {  	s7 =	sld [smem:$0x3FB1]  }
0x2d: {  	s3 =	simm.s32 $0x108;
	s8 =	sld [smem:$0x3FB2]  }
0x2e: {  	s3 =	simm.s32 @!p0 $0x1082;
	s9 =	sld [smem:$0x3FB3]  }
0x2f: {  	lr =	sadd.s32 s0, s3;
	s0 =	sld [smem:$0x3FAA]  }
0x30: {  	s3 =	sld [smem:$0x3FAD]  }
0x31: {  	[smem:$0x3FB6] =	sst s10  }
0x32: {  	s10 =	sld [smem:$0x3FB4];
	_ =	sdelay $0x3  }
0x33: {  	p0 =	seq.s32 s10, $0x1;
	s10 =	sld [smem:$0x3FB6];
	_ =	sdelay $0x3  }
0x34: {  	[smem:$0x3FB6] =	sst s10  }
0x35: {  	s10 =	sld [smem:$0x3FB5];
	_ =	sdelay $0x3  }
0x36: {  	p1 =	seq.s32 s10, $0x1;
	s10 =	sld [smem:$0x3FB6];
	_ =	sdelay $0x3  }
0x37: {  	[smem:$0x3FB6] =	sst s10  }
0x38: {  	s10 =	sld [smem:$0x3FB7]  }
0x39: {  	_ = 	snop;
	(pc) =	sbr.ind lr, $3  }
0x3a: {  	_ = 	snop  }
0x3b: {  	_ = 	snop  }
0x3c: {  	p2 =	seq.s32 s10, $0x1;
	s10 =	sld [smem:$0x3FB6]  }
0x3d: {  	_ =	shalt  }
0x3e: {  	_ =	shalt  }
0x3f: {  	_ =	shalt  }
0x40: {  	_ =	shalt  }
0x41: {  	_ =	shalt  }
0x42: {  	_ =	shalt  }
0x43: {  	_ =	shalt  }
0x44: {  	_ =	shalt  }
0x45: {  	_ =	shalt  }
0x46: {  	_ =	shalt  }
0x47: {  	_ =	shalt  }
0x48: {  	_ =	shalt  }
0x49: {  	_ =	shalt  }
0x4a: {  	_ =	shalt  }
0x4b: {  	_ =	shalt  }
0x4c: {  	_ =	shalt  }
0x4d: {  	_ =	shalt  }
0x4e: {  	_ =	shalt  }
0x4f: {  	_ =	shalt  }
0x50: {  	_ =	shalt  }
0x51: {  	_ =	shalt  }
0x52: {  	_ =	shalt  }
0x53: {  	_ =	shalt  }
0x54: {  	_ =	shalt  }
0x55: {  	_ =	shalt  }
0x56: {  	_ =	shalt  }
0x57: {  	_ =	shalt  }
0x58: {  	_ =	shalt  }
0x59: {  	_ =	shalt  }
0x5a: {  	_ =	shalt  }
0x5b: {  	_ =	shalt  }
0x5c: {  	_ =	shalt  }
0x5d: {  	_ =	shalt  }
0x5e: {  	_ =	shalt  }
0x5f: {  	_ =	shalt  }
0x60: {  	_ =	shalt  }
0x61: {  	_ =	shalt  }
0x62: {  	_ =	shalt  }
0x63: {  	_ =	shalt  }
0x64: {  	_ =	shalt  }
0x65: {  	_ =	shalt  }
0x66: {  	_ =	shalt  }
0x67: {  	_ =	shalt  }
0x68: {  	_ =	shalt  }
0x69: {  	_ =	shalt  }
0x6a: {  	_ =	shalt  }
0x6b: {  	_ =	shalt  }
0x6c: {  	_ =	shalt  }
0x6d: {  	_ =	shalt  }
0x6e: {  	_ =	shalt  }
0x6f: {  	_ =	shalt  }
0x70: {  	_ =	shalt  }
0x71: {  	_ =	shalt  }
0x72: {  	_ =	shalt  }
0x73: {  	_ =	shalt  }
0x74: {  	_ =	shalt  }
0x75: {  	_ =	shalt  }
0x76: {  	_ =	shalt  }
0x77: {  	_ =	shalt  }
0x78: {  	_ =	shalt  }
0x79: {  	_ =	shalt  }
0x7a: {  	_ =	shalt  }
0x7b: {  	_ =	shalt  }
0x7c: {  	_ =	shalt  }
0x7d: {  	_ =	shalt  }
0x7e: {  	_ =	shalt  }
0x7f: {  	_ =	shalt  }
0x80: {  	_ =	shalt  }
0x81: {  	_ =	shalt  }
0x82: {  	_ =	shalt  }
0x83: {  	_ =	shalt  }
0x84: {  	_ =	shalt  }
0x85: {  	_ =	shalt  }
0x86: {  	_ =	shalt  }
0x87: {  	_ =	shalt  }
.Lfunc_end0:
.L_simem_size_0:
called_computation.1_lowered:
.L_overlay_start_0:
0x88: {  	s2 =	sld [smem:$0x3FD9]  }
0x89: {  	s3 =	sld [smem:$0x3FFE];
	_ =	sdelay $0x1  }
0x8a: {  	s1 =	srdreg.scid  }
0x8b: {  	s0 =	sand.u32 $0x1, s1  }
0x8c: {  	s17 =	sshll.u32 s0, $0xA;
	s2 =	sadd.s32 s3, s2  }
0x8d: {  	s2 =	sadd.s32 s2, s17  }
0x8e: {  	[smem:$0x3FC2] =	sst s2  }
0x8f: {  	_ = 	snop  }
0x90: {  	s2 =	sld [smem:$0x3FD0];
	(tm) =	ssettm $0x1  }
0x91: {  	s18 =	sld [smem:$0x3FFB];
	_ =	sdelay $0x3  }
0x92: {  	_ =	strace s18  }
0x93: {  	s3 =	sld [smem:$0x3FFC];
	_ =	sdelay $0x3  }
0x94: {  	_ =	strace s3  }
0x95: {  	s3 =	sld [smem:$0x3FFD];
	_ =	sdelay $0x3  }
0x96: {  	_ =	strace s3  }
0x97: {  	_ =	strace $0x8FFFFFFF  }
0x98: {  	s19 =	sld [smem:$0x3FDB];
	_ =	sdelay $0x1  }
0x99: {  	s4 =	simm.s32 $_scs_section_size  }
0x9a: {  	s5 =	simm.s32 $_size__tile_overlayer_lowered;
	s6 =	simm.s32 $_tile_overlayer_lowered  }
0x9b: {  	s22 =	simm.s32 $0x1BFF;
	s21 =	sshll.u32 s6, $0x1;
	s3 =	sadd.s32 s4, s19  }
0x9c: {  	s7 =	simm.s32 $0x0;
	s20 =	sshll.u32 s5, $0x1;
	s5 =	sadd.s32 s21, s3  }
0x9d: {  	[timem:s7], [sflag:s22] =	dma.local [hbm:s5], s20  }
0x9e: {  	_ =	swait.ge [sflag:s22], s20  }
0x9f: {  	s4 =	ssub.s32 $0x0, s20;
	[sflag:s22] =	ssyncset.done $0x0  }
0xa0: {  	[sflag:s22] =	ssyncadd.s32 s4;
	_ =	sdelay $0x1  }
0xa1: {  	s23 =	simm.s32 $0x1B8B  }
0xa2: {  	_ =	swait.ge [sflag:s23], $0x1  }
0xa3: {  	[sflag:s23] =	ssyncset.done $0x0  }
0xa4: {  	s25 =	simm.s32 $0x1B8E;
	s24 =	sld [smem:$0x3FFE];
	[sflag:s23] =	ssyncadd.s32 $0xFFFFFFFF  }
0xa5: {  	s26 =	simm.s32 $execute0_lowered;
	[smem:$0x3FD2] =	sst s25  }
0xa6: {  	s5 =	sshll.u32 s26, $0x1;
	_ =	strace $0x80000049;
	[dreg:$0x1] =	wrdreg $0xFFFFFFFF  }
0xa7: {  	s28 =	simm.s32 $_size_execute0_lowered;
	s3 =	sadd.s32 s3, s5;
	[dreg:$0x0] =	wrdreg $0x0  }
0xa8: {  	s5 =	sshll.u32 s28, $0x1;
	[dreg:$0x2] =	wrdreg s3  }
0xa9: {  	[dreg:$0x3] =	wrdreg s5  }
0xaa: {  	[dreg:$0x4] =	wrdreg $0xC0  }
0xab: {  	_ =	task [dreg:s7], $0x5FFFF  }
0xac: {  	[dreg:$0x1] =	wrdreg $0xFFFFFFFF  }
0xad: {  	[dreg:$0x0] =	wrdreg $0x60  }
0xae: {  	[dreg:$0x2] =	wrdreg s24  }
0xaf: {  	[dreg:$0x3] =	wrdreg s2  }
0xb0: {  	[dreg:$0x4] =	wrdreg $0x0  }
0xb1: {  	[dreg:$0x5] =	wrdreg $0x9  }
0xb2: {  	_ =	task.clear_ibuf [dreg:s7], $0x6FFFF;
	_ =	strace $0x90000049  }
0xb3: {  	s29 =	simm.s32 $0x9;
	_ =	strace $0x8000004B  }
0xb4: {  	_ =	swait.ge [sflag:s29], $0x1  }
0xb5: {  	[sflag:s29] =	ssyncadd.s32 $0xFFFFFFFF  }
0xb6: {  	_ =	strace $0x9000004B  }
0xb7: {  	_ =	sfence  }
0xb8: {  	s30 =	sld [smem:$0x0];
	_ =	sdelay $0x2  }
0xb9: {  	s31 =	sshll.u32 s1, $0xD;
	s1 =	sshrl.u32 s1, $0x2  }
0xba: {  	s3 =	sand.u32 $0x4000, s31;
	s1 =	sadd.s32 s1, s30  }
0xbb: {  	s0 =	sor.u32 s3, s0;
	s1 =	sshll.u32 s1, $0x11  }
0xbc: {  	s0 =	sor.u32 s1, s0  }
0xbd: {  	s0 =	sadd.s32 $0x8F2B, s0  }
0xbe: {  	[sflag:s0] =	ssyncadd.remote.s32 $0x1  }
0xbf: {  	_ =	sfence.sel $0xFFFF  }
0xc0: {  	[dreg:$0x0] =	wrdreg $0xFFFFFFFF;
	(pc) =	sbr.abs _section_cstart, $3  }
0xc1: {  	[dreg:$0x1] =	wrdreg $0xFFFFFFFF  }
0xc2: {  	_ =	task.clear_ibuf [dreg:s7], $0x2FFFF;
	_ =	strace $0x9FFFFFFF  }
0xc3: {  	(tm) =	ssettm $0x7FFFFFFF  }
tec
execute0_lowered:
.L_overlay_start_1:
0x0: {  	(tag) =	ssettag $0x1  }
0x1: {  	s0 =	rddreg [dreg:$0x0]  }
0x2: {  	s2 =	rddreg [dreg:$0x1]  }
0x3: {  	s1 =	rddreg [dreg:$0x2]  }
0x4: {  	s3 =	srdreg.scid;
	s9 =	stileid.u32;
	s18 =	simm.s32 $0x14000  }
0x5: {  	s19 =	simm.s32 $0x3;
	s20 =	simm.s32 $0x15400;
	s21 =	simm.s32 $0x80  }
0x6: {  	s22 =	simm.s32 $0x16800;
	s23 =	simm.s32 $0x1A800;
	s24 =	simm.s32 $0x1  }
0x7: {  	s5 =	sand.u32 $0x1, s3;
	s3 =	simm.s32 $0x0;
	s8 =	smul.u32 $0x14000, s9  }
0x8: {  	s12 =	sadd.s32 $0x2C00, s0;
	s4 =	sshll.u32 s5, $0x4;
	[smem:$0x7FF] =	sst s3  }
0x9: {  	s6 =	smul.u32 $0x140000, s5;
	s5 =	ssub.s32 $0x2, s5;
	s25 =	sor.u32 s9, s4  }
0xa: {  	_ =	strace $0x8000004A;
	s4 =	sadd.s32 $0xCE00, s0;
	s9 =	smul.u32 $0x50000, s9  }
0xb: {  	s30 =	sshrl.u32 s5, $0x1;
	s7 =	sshll.u32 s25, $0x7;
	s6 =	sadd.s32 s8, s6  }
0xc: {  	s29 =	smul.u32 $0x2800, s25;
	s17 =	ssub.s32 s5, s30;
	p0 =	slt.u32 s25, $0x1C  }
0xd: {  	s25 =	simm.s32 $0x2;
	s7 =	sadd.s32 $0xFFFFF200, s7;
	s6 =	sshrl.u32 s6, $0x3  }
0xe: {  	s31 =	sshrl.u32 s9, $0x2;
	s17 =	smax.u32 s17, $0x1;
	s7 =	sshrl.u32 s7, $0x3  }
0xf: {  	s10 =	sshrl.u32 s29, $0x3;
	s15 =	sadd.s32 s7, s0;
	s0 =	sadd.s32 s6, s0  }
0x10: {  	s5 =	sadd.s32 s12, s10;
	s6 =	sadd.s32 s2, s10;
	s7 =	sadd.s32 s31, s1  }
0x11: {  	s13 =	sadd.s32 $0x280, s10;
	s8 =	sadd.s32 $0x4000, s7;
	s9 =	sadd.s32 $0x8000, s7  }
0x12: {  	s10 =	sadd.s32 $0xC000, s7;
	s11 =	sadd.s32 $0x10000, s7;
	s12 =	sadd.s32 s12, s13  }
0x13: {  	s13 =	sadd.s32 s2, s13;
	s14 =	sadd.s32 $0xCC00, s15;
	s15 =	sadd.s32 $0x2000, s15  }
0x14: {  	v0 =	vimm.f32 $0.0e+00;
	s16 =	sadd.s32 $0x34000, s0;
	s0 =	simm.s32 $0x16680;
	s2 =	simm.s32 $0x0  }
.LBB2_1:
0x15: {  	[tilespmem:s18], [sflag:$0x3] =	stream.linear.gather [hbm4b:s5+s3], $0x1400, $0x38;
	[tilespmem:$0x1E800] =	vst v63  }
0x16: {  	_ =	swait.ge [sflag:s19], $0x1400  }
0x17: {  	[sflag:s19] =	ssyncset.done $0x0  }
0x18: {  	[sflag:s19] =	ssyncadd.s32 $0xFFFFEC00  }
0x19: {  	[tilespmem:s20], [sflag:$0x3] =	stream.linear.gather [hbm4b:s6+s3], $0x1400, $0x38;
	[tilespmem:$0x1E800] =	vst v63  }
0x1a: {  	_ =	swait.ge [sflag:s19], $0x1400  }
0x1b: {  	[sflag:s19] =	ssyncset.done $0x0  }
0x1c: {  	s26 =	simm.s32 $0x0;
	s28 =	simm.s32 $0x200;
	[sflag:s19] =	ssyncadd.s32 $0xFFFFEC00  }
0x1d: {  	[tilespmem:s22], [sflag:$0x1] =	stream.indirect.gather [hbm4b:s4+s21], $0x80, s18, s21, $0xb8;
	[tilespmem:$0x1E800] =	vst v63  }
.LBB2_2:
0x1e: {  	p1 =	sne.s32 s28, $0xFE00;
	[tilespmem:s26+$0x1A870] =	vst v0  }
0x1f: {  	[tilespmem:s26+$0x1A800] =	vst v0  }
0x20: {  	[tilespmem:s26+$0x1A810] =	vst v0  }
.Ltmp0:
0x21: {  	[tilespmem:s26+$0x1A820] =	vst v0;
	(pc) =	sbr.rel @p1 .LBB2_2-.Ltmp0, $4  }
0x22: {  	[tilespmem:s26+$0x1A830] =	vst v0  }
0x23: {  	[tilespmem:s26+$0x1A840] =	vst v0  }
0x24: {  	[tilespmem:s26+$0x1A850] =	vst v0  }
0x25: {  	[tilespmem:s26+$0x1A860] =	vst v0;
	s26 =	sshra.s32 s28, $0x2;
	s28 =	sadd.s32 $0x200, s28  }
0x26: {  	[tilespmem:s26+$0x1A870] =	vst v0  }
0x27: {  	[tilespmem:s26+$0x1A800] =	vst v0  }
0x28: {  	[tilespmem:s26+$0x1A810] =	vst v0  }
0x29: {  	[tilespmem:s26+$0x1A820] =	vst v0  }
0x2a: {  	[tilespmem:s26+$0x1A830] =	vst v0  }
0x2b: {  	[tilespmem:s26+$0x1A840] =	vst v0  }
0x2c: {  	[tilespmem:s26+$0x1A850] =	vst v0  }
0x2d: {  	[tilespmem:s26+$0x1A860] =	vst v0  }
0x2e: {  	[spmem:s7] =	stream.linear.scatter [tilespmem:s23], [sflag:$0x3], $0x4000, $0x38;
	[tilespmem:$0x1E800] =	vst v63  }
0x2f: {  	_ =	swait.ge [sflag:s19], $0x4000  }
0x30: {  	[sflag:s19] =	ssyncset.done $0x0  }
0x31: {  	[sflag:s19] =	ssyncadd.s32 $0xFFFFC000  }
0x32: {  	[spmem:s8] =	stream.linear.scatter [tilespmem:s23], [sflag:$0x3], $0x4000, $0x38;
	[tilespmem:$0x1E800] =	vst v63  }
0x33: {  	_ =	swait.ge [sflag:s19], $0x4000  }
0x34: {  	[sflag:s19] =	ssyncset.done $0x0  }
0x35: {  	[sflag:s19] =	ssyncadd.s32 $0xFFFFC000  }
0x36: {  	[spmem:s9] =	stream.linear.scatter [tilespmem:s23], [sflag:$0x3], $0x4000, $0x38;
	[tilespmem:$0x1E800] =	vst v63  }
0x37: {  	_ =	swait.ge [sflag:s19], $0x4000  }
0x38: {  	[sflag:s19] =	ssyncset.done $0x0  }
0x39: {  	[sflag:s19] =	ssyncadd.s32 $0xFFFFC000  }
0x3a: {  	[spmem:s10] =	stream.linear.scatter [tilespmem:s23], [sflag:$0x3], $0x4000, $0x38;
	[tilespmem:$0x1E800] =	vst v63  }
0x3b: {  	_ =	swait.ge [sflag:s19], $0x4000  }
0x3c: {  	[sflag:s19] =	ssyncset.done $0x0  }
0x3d: {  	[sflag:s19] =	ssyncadd.s32 $0xFFFFC000  }
0x3e: {  	[spmem:s11] =	stream.linear.scatter [tilespmem:s23], [sflag:$0x3], $0x4000, $0x38;
	[tilespmem:$0x1E800] =	vst v63  }
0x3f: {  	_ =	swait.ge [sflag:s19], $0x4000  }
0x40: {  	[sflag:s19] =	ssyncset.done $0x0  }
0x41: {  	[sflag:s19] =	ssyncadd.s32 $0xFFFFC000  }
0x42: {  	[bflag:$0x0] =	sbarrier.arrive $0xFFFF  }
0x43: {  	_ =	swait.ge [sflag:s24], $0x4000  }
0x44: {  	[sflag:s24] =	ssyncset.done $0x0  }
0x45: {  	s28 =	simm.s32 $0x14080;
	[sflag:s24] =	ssyncadd.s32 $0xFFFFC000  }
0x46: {  	[tilespmem:s23], [sflag:$0x2] =	stream.indirect.gather [hbm4b:s4+s21], $0x80, s28, s21, $0xb8;
	[tilespmem:$0x1E800] =	vst v63  }
0x47: {  	s29 =	simm.s32 $0x15400  }
0x48: {  	[spmem:s1] =	stream.indirect.scatter.add.f32 [tilespmem:s22], [sflag:$0x3], $0x80, s29, s21, $0xb8;
	[tilespmem:$0x1E800] =	vst v63  }
0x49: {  	_ =	swait.ge [sflag:s19], $0x4000  }
0x4a: {  	[sflag:s19] =	ssyncset.done $0x0  }
0x4b: {  	[sflag:s19] =	ssyncadd.s32 $0xFFFFC000  }
0x4c: {  	_ =	swait.ge [sflag:s25], $0x4000  }
0x4d: {  	[sflag:s25] =	ssyncset.done $0x0  }
0x4e: {  	s30 =	simm.s32 $0x14100;
	[sflag:s25] =	ssyncadd.s32 $0xFFFFC000  }
0x4f: {  	[tilespmem:s22], [sflag:$0x1] =	stream.indirect.gather [hbm4b:s4+s21], $0x80, s30, s21, $0xb8;
	[tilespmem:$0x1E800] =	vst v63  }
0x50: {  	s31 =	simm.s32 $0x15480  }
0x51: {  	[spmem:s1] =	stream.indirect.scatter.add.f32 [tilespmem:s23], [sflag:$0x3], $0x80, s31, s21, $0xb8;
	[tilespmem:$0x1E800] =	vst v63  }
0x52: {  	_ =	swait.ge [sflag:s19], $0x4000  }
0x53: {  	s26 =	simm.s32 $0x400;
	[sflag:s19] =	ssyncset.done $0x0  }
.LBB2_4:
0x54: {  	p1 =	sne.s32 s26, $0x4800  }
0x55: {  	[sflag:s19] =	ssyncadd.s32 $0xFFFFC000;
	s28 =	smov.u32 s26;
	s26 =	sadd.s32 $0x400, s26  }
0x56: {  	_ = 	snop  }
0x57: {  	_ =	swait.ge [sflag:s24], $0x4000  }
0x58: {  	s28 =	sshra.s32 s28, $0x2;
	[sflag:s24] =	ssyncset.done $0x0  }
0x59: {  	s29 =	sadd.s32 $0x14080, s28;
	[sflag:s24] =	ssyncadd.s32 $0xFFFFC000  }
0x5a: {  	[tilespmem:s23], [sflag:$0x2] =	stream.indirect.gather [hbm4b:s4+s21], $0x80, s29, s21, $0xb8;
	[tilespmem:$0x1E800] =	vst v63  }
0x5b: {  	s29 =	sadd.s32 $0x15400, s28  }
0x5c: {  	[spmem:s1] =	stream.indirect.scatter.add.f32 [tilespmem:s22], [sflag:$0x3], $0x80, s29, s21, $0xb8;
	[tilespmem:$0x1E800] =	vst v63  }
0x5d: {  	_ =	swait.ge [sflag:s19], $0x4000  }
0x5e: {  	[sflag:s19] =	ssyncset.done $0x0  }
0x5f: {  	[sflag:s19] =	ssyncadd.s32 $0xFFFFC000  }
0x60: {  	_ =	swait.ge [sflag:s25], $0x4000  }
0x61: {  	[sflag:s25] =	ssyncset.done $0x0  }
0x62: {  	s29 =	sadd.s32 $0x14100, s28;
	[sflag:s25] =	ssyncadd.s32 $0xFFFFC000  }
0x63: {  	[tilespmem:s22], [sflag:$0x1] =	stream.indirect.gather [hbm4b:s4+s21], $0x80, s29, s21, $0xb8;
	[tilespmem:$0x1E800] =	vst v63  }
.Ltmp1:
0x64: {  	_ = 	snop;
	(pc) =	sbr.rel @p1 .LBB2_4-.Ltmp1, $4  }
0x65: {  	s28 =	sadd.s32 $0x15480, s28  }
0x66: {  	[spmem:s1] =	stream.indirect.scatter.add.f32 [tilespmem:s23], [sflag:$0x3], $0x80, s28, s21, $0xb8;
	[tilespmem:$0x1E800] =	vst v63  }
0x67: {  	_ =	swait.ge [sflag:s19], $0x4000  }
0x68: {  	[sflag:s19] =	ssyncset.done $0x0  }
0x69: {  	[sflag:s19] =	ssyncadd.s32 $0xFFFFC000  }
0x6a: {  	_ =	swait.ge [sflag:s24], $0x4000  }
0x6b: {  	[sflag:s24] =	ssyncset.done $0x0  }
0x6c: {  	s26 =	simm.s32 $0x15380;
	[sflag:s24] =	ssyncadd.s32 $0xFFFFC000  }
0x6d: {  	[tilespmem:s23], [sflag:$0x2] =	stream.indirect.gather [hbm4b:s4+s21], $0x80, s26, s21, $0xb8;
	[tilespmem:$0x1E800] =	vst v63  }
0x6e: {  	s30 =	simm.s32 $0x16700  }
0x6f: {  	[spmem:s1] =	stream.indirect.scatter.add.f32 [tilespmem:s22], [sflag:$0x3], $0x80, s30, s21, $0xb8;
	[tilespmem:$0x1E800] =	vst v63  }
0x70: {  	_ =	swait.ge [sflag:s19], $0x4000  }
0x71: {  	[sflag:s19] =	ssyncset.done $0x0  }
0x72: {  	[sflag:s19] =	ssyncadd.s32 $0xFFFFC000  }
0x73: {  	_ =	swait.ge [sflag:s25], $0x4000  }
0x74: {  	[sflag:s25] =	ssyncset.done $0x0  }
0x75: {  	s31 =	simm.s32 $0x0;
	[sflag:s25] =	ssyncadd.s32 $0xFFFFC000  }
0x76: {  	[tilespmem:s18], [sflag:$0x3] =	stream.linear.gather [hbm4b:s12+s31], $0x1300, $0x38;
	[tilespmem:$0x1E800] =	vst v63  }
0x77: {  	_ =	swait.ge [sflag:s19], $0x1300  }
0x78: {  	[sflag:s19] =	ssyncset.done $0x0  }
0x79: {  	s28 =	simm.s32 $0x16780;
	[sflag:s19] =	ssyncadd.s32 $0xFFFFED00  }
0x7a: {  	[spmem:s1] =	stream.indirect.scatter.add.f32 [tilespmem:s23], [sflag:$0x3], $0x80, s28, s21, $0xb8;
	[tilespmem:$0x1E800] =	vst v63  }
0x7b: {  	_ =	swait.ge [sflag:s19], $0x4000  }
0x7c: {  	[sflag:s19] =	ssyncset.done $0x0  }
0x7d: {  	[sflag:s19] =	ssyncadd.s32 $0xFFFFC000  }
0x7e: {  	[tilespmem:s20], [sflag:$0x3] =	stream.linear.gather [hbm4b:s13+s31], $0x1300, $0x38;
	[tilespmem:$0x1E800] =	vst v63  }
0x7f: {  	_ =	swait.ge [sflag:s19], $0x1300  }
0x80: {  	[sflag:s19] =	ssyncset.done $0x0  }
0x81: {  	[sflag:s19] =	ssyncadd.s32 $0xFFFFED00  }
0x82: {  	[tilespmem:s22], [sflag:$0x1] =	stream.indirect.gather [hbm4b:s4+s21], $0x80, s18, s21, $0xb8;
	[tilespmem:$0x1E800] =	vst v63  }
0x83: {  	_ =	swait.ge [sflag:s24], $0x4000  }
0x84: {  	[sflag:s24] =	ssyncset.done $0x0  }
0x85: {  	s28 =	simm.s32 $0x14080;
	[sflag:s24] =	ssyncadd.s32 $0xFFFFC000  }
0x86: {  	[tilespmem:s23], [sflag:$0x2] =	stream.indirect.gather [hbm4b:s4+s21], $0x80, s28, s21, $0xb8;
	[tilespmem:$0x1E800] =	vst v63  }
0x87: {  	s29 =	simm.s32 $0x15400  }
0x88: {  	[spmem:s1] =	stream.indirect.scatter.add.f32 [tilespmem:s22], [sflag:$0x3], $0x80, s29, s21, $0xb8;
	[tilespmem:$0x1E800] =	vst v63  }
0x89: {  	_ =	swait.ge [sflag:s19], $0x4000  }
0x8a: {  	[sflag:s19] =	ssyncset.done $0x0  }
0x8b: {  	[sflag:s19] =	ssyncadd.s32 $0xFFFFC000  }
0x8c: {  	_ =	swait.ge [sflag:s25], $0x4000  }
0x8d: {  	[sflag:s25] =	ssyncset.done $0x0  }
0x8e: {  	s30 =	simm.s32 $0x14100;
	[sflag:s25] =	ssyncadd.s32 $0xFFFFC000  }
0x8f: {  	[tilespmem:s22], [sflag:$0x1] =	stream.indirect.gather [hbm4b:s4+s21], $0x80, s30, s21, $0xb8;
	[tilespmem:$0x1E800] =	vst v63  }
0x90: {  	s31 =	simm.s32 $0x15480  }
0x91: {  	[spmem:s1] =	stream.indirect.scatter.add.f32 [tilespmem:s23], [sflag:$0x3], $0x80, s31, s21, $0xb8;
	[tilespmem:$0x1E800] =	vst v63  }
0x92: {  	_ =	swait.ge [sflag:s19], $0x4000  }
0x93: {  	s26 =	simm.s32 $0x400;
	[sflag:s19] =	ssyncset.done $0x0  }
.LBB2_6:
0x94: {  	p1 =	sne.s32 s26, $0x4400  }
0x95: {  	[sflag:s19] =	ssyncadd.s32 $0xFFFFC000;
	s28 =	smov.u32 s26;
	s26 =	sadd.s32 $0x400, s26  }
0x96: {  	_ = 	snop  }
0x97: {  	_ =	swait.ge [sflag:s24], $0x4000  }
0x98: {  	s28 =	sshra.s32 s28, $0x2;
	[sflag:s24] =	ssyncset.done $0x0  }
0x99: {  	s29 =	sadd.s32 $0x14080, s28;
	[sflag:s24] =	ssyncadd.s32 $0xFFFFC000  }
0x9a: {  	[tilespmem:s23], [sflag:$0x2] =	stream.indirect.gather [hbm4b:s4+s21], $0x80, s29, s21, $0xb8;
	[tilespmem:$0x1E800] =	vst v63  }
0x9b: {  	s29 =	sadd.s32 $0x15400, s28  }
0x9c: {  	[spmem:s1] =	stream.indirect.scatter.add.f32 [tilespmem:s22], [sflag:$0x3], $0x80, s29, s21, $0xb8;
	[tilespmem:$0x1E800] =	vst v63  }
0x9d: {  	_ =	swait.ge [sflag:s19], $0x4000  }
0x9e: {  	[sflag:s19] =	ssyncset.done $0x0  }
0x9f: {  	[sflag:s19] =	ssyncadd.s32 $0xFFFFC000  }
0xa0: {  	_ =	swait.ge [sflag:s25], $0x4000  }
0xa1: {  	[sflag:s25] =	ssyncset.done $0x0  }
0xa2: {  	s29 =	sadd.s32 $0x14100, s28;
	[sflag:s25] =	ssyncadd.s32 $0xFFFFC000  }
0xa3: {  	[tilespmem:s22], [sflag:$0x1] =	stream.indirect.gather [hbm4b:s4+s21], $0x80, s29, s21, $0xb8;
	[tilespmem:$0x1E800] =	vst v63  }
.Ltmp2:
0xa4: {  	_ = 	snop;
	(pc) =	sbr.rel @p1 .LBB2_6-.Ltmp2, $4  }
0xa5: {  	s28 =	sadd.s32 $0x15480, s28  }
0xa6: {  	[spmem:s1] =	stream.indirect.scatter.add.f32 [tilespmem:s23], [sflag:$0x3], $0x80, s28, s21, $0xb8;
	[tilespmem:$0x1E800] =	vst v63  }
0xa7: {  	_ =	swait.ge [sflag:s19], $0x4000  }
0xa8: {  	[sflag:s19] =	ssyncset.done $0x0  }
0xa9: {  	[sflag:s19] =	ssyncadd.s32 $0xFFFFC000  }
0xaa: {  	_ =	swait.ge [sflag:s24], $0x4000  }
0xab: {  	[sflag:s24] =	ssyncset.done $0x0  }
0xac: {  	s26 =	simm.s32 $0x15280;
	[sflag:s24] =	ssyncadd.s32 $0xFFFFC000  }
0xad: {  	[tilespmem:s23], [sflag:$0x2] =	stream.indirect.gather [hbm4b:s4+s21], $0x80, s26, s21, $0xb8;
	[tilespmem:$0x1E800] =	vst v63  }
0xae: {  	s29 =	simm.s32 $0x16600  }
0xaf: {  	[spmem:s1] =	stream.indirect.scatter.add.f32 [tilespmem:s22], [sflag:$0x3], $0x80, s29, s21, $0xb8;
	[tilespmem:$0x1E800] =	vst v63  }
0xb0: {  	_ =	swait.ge [sflag:s19], $0x4000  }
0xb1: {  	[sflag:s19] =	ssyncset.done $0x0  }
0xb2: {  	[sflag:s19] =	ssyncadd.s32 $0xFFFFC000  }
0xb3: {  	_ =	swait.ge [sflag:s25], $0x4000  }
0xb4: {  	[sflag:s25] =	ssyncset.done $0x0  }
0xb5: {  	[sflag:s25] =	ssyncadd.s32 $0xFFFFC000  }
0xb6: {  	[spmem:s1] =	stream.indirect.scatter.add.f32 [tilespmem:s23], [sflag:$0x3], $0x80, s0, s21, $0xb8;
	[tilespmem:$0x1E800] =	vst v63  }
0xb7: {  	_ =	swait.ge [sflag:s19], $0x4000  }
0xb8: {  	s28 =	simm.s32 @!p0 $0x14000;
	[sflag:s19] =	ssyncset.done $0x0  }
0xb9: {  	s26 =	simm.s32 @!p0 $0x0;
	s29 =	simm.s32 @!p0 $0x3;
	[sflag:s19] =	ssyncadd.s32 $0xFFFFC000  }
0xba: {  	[tilespmem:s28], [sflag:$0x3] =	stream.linear.gather @!p0 [hbm4b:s14+s26], $0x80, $0x38;
	[tilespmem:$0x1E800] =	vst v63  }
0xbb: {  	_ =	swait.ge @!p0 [sflag:s29], $0x80  }
0xbc: {  	[sflag:s29] =	ssyncset.done @!p0 $0x0  }
0xbd: {  	s30 =	simm.s32 @!p0 $0x15400;
	[sflag:s29] =	ssyncadd.s32 @!p0 $0xFFFFFF80  }
0xbe: {  	[tilespmem:s30], [sflag:$0x3] =	stream.linear.gather @!p0 [hbm4b:s15+s26], $0x80, $0x38;
	[tilespmem:$0x1E800] =	vst v63  }
0xbf: {  	_ =	swait.ge @!p0 [sflag:s29], $0x80  }
0xc0: {  	[sflag:s29] =	ssyncset.done @!p0 $0x0  }
0xc1: {  	s31 =	simm.s32 @!p0 $0x16800;
	s26 =	simm.s32 @!p0 $0x80;
	[sflag:s29] =	ssyncadd.s32 @!p0 $0xFFFFFF80  }
0xc2: {  	[tilespmem:s31], [sflag:$0x3] =	stream.indirect.gather @!p0 [hbm4b:s4+s26], $0x80, s28, s26, $0xb8;
	[tilespmem:$0x1E800] =	vst v63  }
0xc3: {  	_ =	swait.ge @!p0 [sflag:s29], $0x4000  }
0xc4: {  	[sflag:s29] =	ssyncset.done @!p0 $0x0  }
0xc5: {  	[sflag:s29] =	ssyncadd.s32 @!p0 $0xFFFFC000  }
0xc6: {  	[spmem:s1] =	stream.indirect.scatter.add.f32 @!p0 [tilespmem:s31], [sflag:$0x3], $0x80, s30, s26, $0xb8;
	[tilespmem:$0x1E800] =	vst v63  }
0xc7: {  	s2 =	sadd.s32 $0x1, s2;
	_ =	swait.ge @!p0 [sflag:s29], $0x4000  }
0xc8: {  	p1 =	sne.s32 s2, s17;
	s30 =	stileid.u32;
	[sflag:s29] =	ssyncset.done @!p0 $0x0  }
0xc9: {  	s31 =	sshrl.u32 s7, $0x3;
	s26 =	sshll.u32 s30, $0x6;
	[sflag:s29] =	ssyncadd.s32 @!p0 $0xFFFFC000  }
.Ltmp3:
0xca: {  	s26 =	sor.u32 $0x1C03, s26;
	[bflag:$0x0] =	sbarrier.arrive $0xFFFF;
	(pc) =	sbr.rel @p1 .LBB2_1-.Ltmp3, $4  }
0xcb: {  	[hbm:s16], [sflag:s26] =	dma.local [spmem:s31], $0x2800  }
0xcc: {  	_ =	swait.ge [sflag:s19], $0x2800  }
0xcd: {  	[sflag:s19] =	ssyncset.done $0x0  }
0xce: {  	[sflag:s19] =	ssyncadd.s32 $0xFFFFD800  }
0xcf: {  	_ =	sfence.sel $0x180000  }
0xd0: {  	[bflag:$0x0] =	sbarrier.arrive $0xFFFF  }
0xd1: {  	_ =	strace $0x9000004A  }
0xd2: {  	s0 =	stileid.u32;
	[bflag:$0x2] =	sbarrier.arrive $0xFFFF  }
0xd3: {  	p0 =	sne.s32 s0, $0x0;
	s0 =	rddreg [dreg:$0x3]  }
0xd4: {  	s0 =	sadd.s32 @!p0 $0x100000, s0  }
0xd5: {  	[sflag:s0] =	ssyncadd.tile.s32 @!p0 $0x1;
	_ =	shalt  }
.Lfunc_end2:
_tile_overlayer_lowered:
.L_overlay_start_2:
0xd6: {  	(tag) =	ssettag $0x2  }
0xd7: {  	s0 =	rddreg [dreg:$0x0];
	s2 =	stileid.u32  }
0xd8: {  	s1 =	rddreg [dreg:$0x1];
	p0 =	sne.s32 s2, $0x0  }
0xd9: {  	s3 =	rddreg [dreg:$0x2];
	[bflag:$0x3] =	sbarrier.arrive $0xFFFF;
	s2 =	simm.s32 @!p0 $0x1C03  }
0xda: {  	[timem:s3], [sflag:s2] =	dma.local @!p0 [hbm:s0], s1  }
0xdb: {  	s0 =	simm.s32 @!p0 $0x3  }
0xdc: {  	_ =	swait.ge @!p0 [sflag:s0], s1  }
0xdd: {  	s1 =	ssub.s32 @!p0 $0x0, s1;
	[sflag:s0] =	ssyncset.done @!p0 $0x0  }
0xde: {  	[sflag:s0] =	ssyncadd.s32 @!p0 s1  }
0xdf: {  	[bflag:$0x3] =	sbarrier.arrive $0xFFFF  }
0xe0: {  	_ =	shalt  }

// kernel: kernel.14.cloned.1.call-start
scs
__scs_entry_jumppad:
0x0: {  	(pc) =	sbr.rel $0x88, $3  }
0x1: {  	(tag) =	ssettag $0x0;
	lr =	simm.s32 $0x1  }
0x2: {  	[smem:$0x3F9B] =	sst lr;
	_ =	strace $0xD0000000  }
0x3: {  	_ = 	snop  }
0x4: {  	_ = 	snop  }
0x5: {  	_ = 	snop  }
0x6: {  	_ = 	snop  }
0x7: {  	_ = 	snop  }
__scs_overlays_trampoline_lowered:
0x8: {  	[smem:$0x3FAA] =	sst s0  }
0x9: {  	[smem:$0x3FAB] =	sst s1  }
0xa: {  	[smem:$0x3FAC] =	sst s2  }
0xb: {  	[smem:$0x3FAD] =	sst s3  }
0xc: {  	[smem:$0x3FAE] =	sst s4  }
0xd: {  	[smem:$0x3FAF] =	sst s5  }
0xe: {  	[smem:$0x3FB0] =	sst s6  }
0xf: {  	[smem:$0x3FB1] =	sst s7  }
0x10: {  	[smem:$0x3FB2] =	sst s8  }
0x11: {  	[smem:$0x3FB3] =	sst s9;
	s0 =	simm.s32 @!p0 $0x0  }
0x12: {  	s1 =	sld [smem:$0x3F99];
	s0 =	simm.s32 @p0 $0x1  }
0x13: {  	[smem:$0x3FB4] =	sst s0;
	s0 =	simm.s32 @!p1 $0x0  }
0x14: {  	s2 =	sld [smem:$0x3F98];
	s0 =	simm.s32 @p1 $0x1  }
0x15: {  	[smem:$0x3FB5] =	sst s0;
	s0 =	simm.s32 @!p2 $0x0  }
0x16: {  	s3 =	sld [smem:$0x3FDB];
	s0 =	simm.s32 @p2 $0x1  }
0x17: {  	s4 =	simm.s32 $0x1BF5;
	[smem:$0x3FB7] =	sst s0  }
0x18: {  	s0 =	sld [smem:$0x3F9A];
	_ =	swait.ge [sflag:s4], $0x0  }
0x19: {  	s7 =	sld [smem:$0x3F9B]  }
0x1a: {  	s8 =	sadd.s32 $0xFFFFE003, lr  }
0x1b: {  	s9 =	sadd.s32 $0xFFFFFEF7, lr;
	s5 =	simm.s32 $0xFFFFFFFF;
	p2 =	slt.u32 s8, $0xFFFFF086  }
0x1c: {  	p1 =	slt.u32 s9, $0xF7A;
	s5 =	simm.s32 @!p2 $0x0  }
0x1d: {  	s5 =	simm.s32 @p1 $0x1;
	p0 =	seq.s32 s7, s2  }
0x1e: {  	s7 =	smul.u32 @!p0 $0xF7A, s2;
	p2 =	seq.s32 @!p0 s5, $0x0  }
0x1f: {  	s9 =	smul.u32 $0xF7A, s1;
	s8 =	simm.s32 @!p0 $0x1BF5;
	p2 =	por !p2, p0  }
0x20: {  	[sflag:s8] =	ssyncset.s32 @!p0 $0xFFFFF086;
	s6 =	sadd.s32 @!p0 s3, s7;
	s7 =	simm.s32 @!p0 $0x108  }
0x21: {  	s3 =	sadd.s32 s3, s9;
	s6 =	sadd.s32 @!p0 $0x88, s6;
	s7 =	simm.s32 @p2 $0x1082  }
0x22: {  	[simem:s7], [sflag:s8] =	dma.local @!p0 [hbm:s6], $0xF7A  }
0x23: {  	s9 =	sor.u32 $0xD0000000, s2;
	s6 =	simm.s32 $0x108;
	_ =	swait.ge @!p0 [sflag:s8], $0x0  }
0x24: {  	s3 =	sadd.s32 $0x88, s3;
	s6 =	simm.s32 @!p1 $0x1082;
	[sflag:s4] =	ssyncset.s32 $0xFFFFF086  }
0x25: {  	[simem:s6], [sflag:s4] =	dma.local [hbm:s3], $0xF7A  }
0x26: {  	[smem:$0x3F9B] =	sst s1;
	(tag) =	ssettag s2;
	_ =	strace s9  }
0x27: {  	s1 =	sld [smem:$0x3FAB]  }
0x28: {  	s2 =	sld [smem:$0x3FAC]  }
0x29: {  	s4 =	sld [smem:$0x3FAE]  }
0x2a: {  	p0 =	seq.s32 s5, $0x0;
	s5 =	sld [smem:$0x3FAF]  }
0x2b: {  	s6 =	sld [smem:$0x3FB0]  }
0x2c: {  	s7 =	sld [smem:$0x3FB1]  }
0x2d: {  	s3 =	simm.s32 $0x108;
	s8 =	sld [smem:$0x3FB2]  }
0x2e: {  	s3 =	simm.s32 @!p0 $0x1082;
	s9 =	sld [smem:$0x3FB3]  }
0x2f: {  	lr =	sadd.s32 s0, s3;
	s0 =	sld [smem:$0x3FAA]  }
0x30: {  	s3 =	sld [smem:$0x3FAD]  }
0x31: {  	[smem:$0x3FB6] =	sst s10  }
0x32: {  	s10 =	sld [smem:$0x3FB4];
	_ =	sdelay $0x3  }
0x33: {  	p0 =	seq.s32 s10, $0x1;
	s10 =	sld [smem:$0x3FB6];
	_ =	sdelay $0x3  }
0x34: {  	[smem:$0x3FB6] =	sst s10  }
0x35: {  	s10 =	sld [smem:$0x3FB5];
	_ =	sdelay $0x3  }
0x36: {  	p1 =	seq.s32 s10, $0x1;
	s10 =	sld [smem:$0x3FB6];
	_ =	sdelay $0x3  }
0x37: {  	[smem:$0x3FB6] =	sst s10  }
0x38: {  	s10 =	sld [smem:$0x3FB7]  }
0x39: {  	_ = 	snop;
	(pc) =	sbr.ind lr, $3  }
0x3a: {  	_ = 	snop  }
0x3b: {  	_ = 	snop  }
0x3c: {  	p2 =	seq.s32 s10, $0x1;
	s10 =	sld [smem:$0x3FB6]  }
0x3d: {  	_ =	shalt  }
0x3e: {  	_ =	shalt  }
0x3f: {  	_ =	shalt  }
0x40: {  	_ =	shalt  }
0x41: {  	_ =	shalt  }
0x42: {  	_ =	shalt  }
0x43: {  	_ =	shalt  }
0x44: {  	_ =	shalt  }
0x45: {  	_ =	shalt  }
0x46: {  	_ =	shalt  }
0x47: {  	_ =	shalt  }
0x48: {  	_ =	shalt  }
0x49: {  	_ =	shalt  }
0x4a: {  	_ =	shalt  }
0x4b: {  	_ =	shalt  }
0x4c: {  	_ =	shalt  }
0x4d: {  	_ =	shalt  }
0x4e: {  	_ =	shalt  }
0x4f: {  	_ =	shalt  }
0x50: {  	_ =	shalt  }
0x51: {  	_ =	shalt  }
0x52: {  	_ =	shalt  }
0x53: {  	_ =	shalt  }
0x54: {  	_ =	shalt  }
0x55: {  	_ =	shalt  }
0x56: {  	_ =	shalt  }
0x57: {  	_ =	shalt  }
0x58: {  	_ =	shalt  }
0x59: {  	_ =	shalt  }
0x5a: {  	_ =	shalt  }
0x5b: {  	_ =	shalt  }
0x5c: {  	_ =	shalt  }
0x5d: {  	_ =	shalt  }
0x5e: {  	_ =	shalt  }
0x5f: {  	_ =	shalt  }
0x60: {  	_ =	shalt  }
0x61: {  	_ =	shalt  }
0x62: {  	_ =	shalt  }
0x63: {  	_ =	shalt  }
0x64: {  	_ =	shalt  }
0x65: {  	_ =	shalt  }
0x66: {  	_ =	shalt  }
0x67: {  	_ =	shalt  }
0x68: {  	_ =	shalt  }
0x69: {  	_ =	shalt  }
0x6a: {  	_ =	shalt  }
0x6b: {  	_ =	shalt  }
0x6c: {  	_ =	shalt  }
0x6d: {  	_ =	shalt  }
0x6e: {  	_ =	shalt  }
0x6f: {  	_ =	shalt  }
0x70: {  	_ =	shalt  }
0x71: {  	_ =	shalt  }
0x72: {  	_ =	shalt  }
0x73: {  	_ =	shalt  }
0x74: {  	_ =	shalt  }
0x75: {  	_ =	shalt  }
0x76: {  	_ =	shalt  }
0x77: {  	_ =	shalt  }
0x78: {  	_ =	shalt  }
0x79: {  	_ =	shalt  }
0x7a: {  	_ =	shalt  }
0x7b: {  	_ =	shalt  }
0x7c: {  	_ =	shalt  }
0x7d: {  	_ =	shalt  }
0x7e: {  	_ =	shalt  }
0x7f: {  	_ =	shalt  }
0x80: {  	_ =	shalt  }
0x81: {  	_ =	shalt  }
0x82: {  	_ =	shalt  }
0x83: {  	_ =	shalt  }
0x84: {  	_ =	shalt  }
0x85: {  	_ =	shalt  }
0x86: {  	_ =	shalt  }
0x87: {  	_ =	shalt  }
.Lfunc_end0:
.L_simem_size_0:
called_computation.2_lowered:
.L_overlay_start_0:
0x88: {  	s2 =	sld [smem:$0x3FD9]  }
0x89: {  	s3 =	sld [smem:$0x3FFE];
	_ =	sdelay $0x1  }
0x8a: {  	s1 =	srdreg.scid  }
0x8b: {  	s0 =	sand.u32 $0x1, s1  }
0x8c: {  	s17 =	sshll.u32 s0, $0xA;
	s2 =	sadd.s32 s3, s2  }
0x8d: {  	s2 =	sadd.s32 s2, s17  }
0x8e: {  	[smem:$0x3FC2] =	sst s2  }
0x8f: {  	_ = 	snop  }
0x90: {  	s2 =	sld [smem:$0x3FD0];
	(tm) =	ssettm $0x1  }
0x91: {  	s18 =	sld [smem:$0x3FFB];
	_ =	sdelay $0x3  }
0x92: {  	_ =	strace s18  }
0x93: {  	s3 =	sld [smem:$0x3FFC];
	_ =	sdelay $0x3  }
0x94: {  	_ =	strace s3  }
0x95: {  	s3 =	sld [smem:$0x3FFD];
	_ =	sdelay $0x3  }
0x96: {  	_ =	strace s3  }
0x97: {  	_ =	strace $0x8FFFFFFF  }
0x98: {  	s19 =	sld [smem:$0x3FDB];
	_ =	sdelay $0x1  }
0x99: {  	s4 =	simm.s32 $_scs_section_size  }
0x9a: {  	s5 =	simm.s32 $_size__tile_overlayer_lowered;
	s6 =	simm.s32 $_tile_overlayer_lowered  }
0x9b: {  	s22 =	simm.s32 $0x1BFF;
	s21 =	sshll.u32 s6, $0x1;
	s3 =	sadd.s32 s4, s19  }
0x9c: {  	s7 =	simm.s32 $0x0;
	s20 =	sshll.u32 s5, $0x1;
	s5 =	sadd.s32 s21, s3  }
0x9d: {  	[timem:s7], [sflag:s22] =	dma.local [hbm:s5], s20  }
0x9e: {  	_ =	swait.ge [sflag:s22], s20  }
0x9f: {  	s4 =	ssub.s32 $0x0, s20;
	[sflag:s22] =	ssyncset.done $0x0  }
0xa0: {  	[sflag:s22] =	ssyncadd.s32 s4;
	_ =	sdelay $0x1  }
0xa1: {  	s23 =	simm.s32 $0x1B8B  }
0xa2: {  	_ =	swait.ge [sflag:s23], $0x1  }
0xa3: {  	[sflag:s23] =	ssyncset.done $0x0  }
0xa4: {  	s25 =	simm.s32 $0x1B8E;
	s24 =	sld [smem:$0x3FFE];
	[sflag:s23] =	ssyncadd.s32 $0xFFFFFFFF  }
0xa5: {  	s26 =	simm.s32 $execute0_lowered;
	[smem:$0x3FD2] =	sst s25  }
0xa6: {  	s5 =	sshll.u32 s26, $0x1;
	_ =	strace $0x8000004C;
	[dreg:$0x1] =	wrdreg $0xFFFFFFFF  }
0xa7: {  	s28 =	simm.s32 $_size_execute0_lowered;
	s3 =	sadd.s32 s3, s5;
	[dreg:$0x0] =	wrdreg $0x0  }
0xa8: {  	s5 =	sshll.u32 s28, $0x1;
	[dreg:$0x2] =	wrdreg s3  }
0xa9: {  	[dreg:$0x3] =	wrdreg s5  }
0xaa: {  	[dreg:$0x4] =	wrdreg $0xC0  }
0xab: {  	_ =	task [dreg:s7], $0x5FFFF  }
0xac: {  	[dreg:$0x1] =	wrdreg $0xFFFFFFFF  }
0xad: {  	[dreg:$0x0] =	wrdreg $0x60  }
0xae: {  	[dreg:$0x2] =	wrdreg s24  }
0xaf: {  	[dreg:$0x3] =	wrdreg s2  }
0xb0: {  	[dreg:$0x4] =	wrdreg $0x0  }
0xb1: {  	[dreg:$0x5] =	wrdreg $0x9  }
0xb2: {  	_ =	task.clear_ibuf [dreg:s7], $0x6FFFF;
	_ =	strace $0x9000004C  }
0xb3: {  	s29 =	simm.s32 $0x9;
	_ =	strace $0x8000004E  }
0xb4: {  	_ =	swait.ge [sflag:s29], $0x1  }
0xb5: {  	[sflag:s29] =	ssyncadd.s32 $0xFFFFFFFF  }
0xb6: {  	_ =	strace $0x9000004E  }
0xb7: {  	_ =	sfence  }
0xb8: {  	s30 =	sld [smem:$0x0];
	_ =	sdelay $0x2  }
0xb9: {  	s31 =	sshll.u32 s1, $0xD;
	s1 =	sshrl.u32 s1, $0x2  }
0xba: {  	s3 =	sand.u32 $0x4000, s31;
	s1 =	sadd.s32 s1, s30  }
0xbb: {  	s0 =	sor.u32 s3, s0;
	s1 =	sshll.u32 s1, $0x11  }
0xbc: {  	s0 =	sor.u32 s1, s0  }
0xbd: {  	s0 =	sadd.s32 $0x8F2B, s0  }
0xbe: {  	[sflag:s0] =	ssyncadd.remote.s32 $0x1  }
0xbf: {  	_ =	sfence.sel $0xFFFF  }
0xc0: {  	[dreg:$0x0] =	wrdreg $0xFFFFFFFF;
	(pc) =	sbr.abs _section_cstart, $3  }
0xc1: {  	[dreg:$0x1] =	wrdreg $0xFFFFFFFF  }
0xc2: {  	_ =	task.clear_ibuf [dreg:s7], $0x2FFFF;
	_ =	strace $0x9FFFFFFF  }
0xc3: {  	(tm) =	ssettm $0x7FFFFFFF  }
tec
execute0_lowered:
.L_overlay_start_1:
0x0: {  	(tag) =	ssettag $0x1  }
0x1: {  	s0 =	rddreg [dreg:$0x0]  }
0x2: {  	s2 =	rddreg [dreg:$0x1]  }
0x3: {  	s1 =	rddreg [dreg:$0x2]  }
0x4: {  	s3 =	srdreg.scid;
	s9 =	stileid.u32;
	s18 =	simm.s32 $0x14000  }
0x5: {  	s19 =	simm.s32 $0x3;
	s20 =	simm.s32 $0x15400;
	s21 =	simm.s32 $0x80  }
0x6: {  	s22 =	simm.s32 $0x16800;
	s23 =	simm.s32 $0x1A800;
	s24 =	simm.s32 $0x1  }
0x7: {  	s5 =	sand.u32 $0x1, s3;
	s3 =	simm.s32 $0x0;
	s8 =	smul.u32 $0x14000, s9  }
0x8: {  	s12 =	sadd.s32 $0x2C00, s0;
	s4 =	sshll.u32 s5, $0x4;
	[smem:$0x7FF] =	sst s3  }
0x9: {  	s6 =	smul.u32 $0x140000, s5;
	s5 =	ssub.s32 $0x2, s5;
	s25 =	sor.u32 s9, s4  }
0xa: {  	_ =	strace $0x8000004D;
	s4 =	sadd.s32 $0xCE00, s0;
	s9 =	smul.u32 $0x50000, s9  }
0xb: {  	s30 =	sshrl.u32 s5, $0x1;
	s7 =	sshll.u32 s25, $0x7;
	s6 =	sadd.s32 s8, s6  }
0xc: {  	s29 =	smul.u32 $0x2800, s25;
	s17 =	ssub.s32 s5, s30;
	p0 =	slt.u32 s25, $0x1C  }
0xd: {  	s25 =	simm.s32 $0x2;
	s7 =	sadd.s32 $0xFFFFF200, s7;
	s6 =	sshrl.u32 s6, $0x3  }
0xe: {  	s31 =	sshrl.u32 s9, $0x2;
	s17 =	smax.u32 s17, $0x1;
	s7 =	sshrl.u32 s7, $0x3  }
0xf: {  	s10 =	sshrl.u32 s29, $0x3;
	s15 =	sadd.s32 s7, s0;
	s0 =	sadd.s32 s6, s0  }
0x10: {  	s5 =	sadd.s32 s12, s10;
	s6 =	sadd.s32 s2, s10;
	s7 =	sadd.s32 s31, s1  }
0x11: {  	s13 =	sadd.s32 $0x280, s10;
	s8 =	sadd.s32 $0x4000, s7;
	s9 =	sadd.s32 $0x8000, s7  }
0x12: {  	s10 =	sadd.s32 $0xC000, s7;
	s11 =	sadd.s32 $0x10000, s7;
	s12 =	sadd.s32 s12, s13  }
0x13: {  	s13 =	sadd.s32 s2, s13;
	s14 =	sadd.s32 $0xCC00, s15;
	s15 =	sadd.s32 $0x2000, s15  }
0x14: {  	v0 =	vimm.f32 $0.0e+00;
	s16 =	sadd.s32 $0x34000, s0;
	s0 =	simm.s32 $0x16680;
	s2 =	simm.s32 $0x0  }
.LBB2_1:
0x15: {  	[tilespmem:s18], [sflag:$0x3] =	stream.linear.gather [hbm4b:s5+s3], $0x1400, $0x38;
	[tilespmem:$0x1E800] =	vst v63  }
0x16: {  	_ =	swait.ge [sflag:s19], $0x1400  }
0x17: {  	[sflag:s19] =	ssyncset.done $0x0  }
0x18: {  	[sflag:s19] =	ssyncadd.s32 $0xFFFFEC00  }
0x19: {  	[tilespmem:s20], [sflag:$0x3] =	stream.linear.gather [hbm4b:s6+s3], $0x1400, $0x38;
	[tilespmem:$0x1E800] =	vst v63  }
0x1a: {  	_ =	swait.ge [sflag:s19], $0x1400  }
0x1b: {  	[sflag:s19] =	ssyncset.done $0x0  }
0x1c: {  	s26 =	simm.s32 $0x0;
	s28 =	simm.s32 $0x200;
	[sflag:s19] =	ssyncadd.s32 $0xFFFFEC00  }
0x1d: {  	[tilespmem:s22], [sflag:$0x1] =	stream.indirect.gather [hbm4b:s4+s21], $0x80, s18, s21, $0xb8;
	[tilespmem:$0x1E800] =	vst v63  }
.LBB2_2:
0x1e: {  	p1 =	sne.s32 s28, $0xFE00;
	[tilespmem:s26+$0x1A870] =	vst v0  }
0x1f: {  	[tilespmem:s26+$0x1A800] =	vst v0  }
0x20: {  	[tilespmem:s26+$0x1A810] =	vst v0  }
.Ltmp0:
0x21: {  	[tilespmem:s26+$0x1A820] =	vst v0;
	(pc) =	sbr.rel @p1 .LBB2_2-.Ltmp0, $4  }
0x22: {  	[tilespmem:s26+$0x1A830] =	vst v0  }
0x23: {  	[tilespmem:s26+$0x1A840] =	vst v0  }
0x24: {  	[tilespmem:s26+$0x1A850] =	vst v0  }
0x25: {  	[tilespmem:s26+$0x1A860] =	vst v0;
	s26 =	sshra.s32 s28, $0x2;
	s28 =	sadd.s32 $0x200, s28  }
0x26: {  	[tilespmem:s26+$0x1A870] =	vst v0  }
0x27: {  	[tilespmem:s26+$0x1A800] =	vst v0  }
0x28: {  	[tilespmem:s26+$0x1A810] =	vst v0  }
0x29: {  	[tilespmem:s26+$0x1A820] =	vst v0  }
0x2a: {  	[tilespmem:s26+$0x1A830] =	vst v0  }
0x2b: {  	[tilespmem:s26+$0x1A840] =	vst v0  }
0x2c: {  	[tilespmem:s26+$0x1A850] =	vst v0  }
0x2d: {  	[tilespmem:s26+$0x1A860] =	vst v0  }
0x2e: {  	[spmem:s7] =	stream.linear.scatter [tilespmem:s23], [sflag:$0x3], $0x4000, $0x38;
	[tilespmem:$0x1E800] =	vst v63  }
0x2f: {  	_ =	swait.ge [sflag:s19], $0x4000  }
0x30: {  	[sflag:s19] =	ssyncset.done $0x0  }
0x31: {  	[sflag:s19] =	ssyncadd.s32 $0xFFFFC000  }
0x32: {  	[spmem:s8] =	stream.linear.scatter [tilespmem:s23], [sflag:$0x3], $0x4000, $0x38;
	[tilespmem:$0x1E800] =	vst v63  }
0x33: {  	_ =	swait.ge [sflag:s19], $0x4000  }
0x34: {  	[sflag:s19] =	ssyncset.done $0x0  }
0x35: {  	[sflag:s19] =	ssyncadd.s32 $0xFFFFC000  }
0x36: {  	[spmem:s9] =	stream.linear.scatter [tilespmem:s23], [sflag:$0x3], $0x4000, $0x38;
	[tilespmem:$0x1E800] =	vst v63  }
0x37: {  	_ =	swait.ge [sflag:s19], $0x4000  }
0x38: {  	[sflag:s19] =	ssyncset.done $0x0  }
0x39: {  	[sflag:s19] =	ssyncadd.s32 $0xFFFFC000  }
0x3a: {  	[spmem:s10] =	stream.linear.scatter [tilespmem:s23], [sflag:$0x3], $0x4000, $0x38;
	[tilespmem:$0x1E800] =	vst v63  }
0x3b: {  	_ =	swait.ge [sflag:s19], $0x4000  }
0x3c: {  	[sflag:s19] =	ssyncset.done $0x0  }
0x3d: {  	[sflag:s19] =	ssyncadd.s32 $0xFFFFC000  }
0x3e: {  	[spmem:s11] =	stream.linear.scatter [tilespmem:s23], [sflag:$0x3], $0x4000, $0x38;
	[tilespmem:$0x1E800] =	vst v63  }
0x3f: {  	_ =	swait.ge [sflag:s19], $0x4000  }
0x40: {  	[sflag:s19] =	ssyncset.done $0x0  }
0x41: {  	[sflag:s19] =	ssyncadd.s32 $0xFFFFC000  }
0x42: {  	[bflag:$0x0] =	sbarrier.arrive $0xFFFF  }
0x43: {  	_ =	swait.ge [sflag:s24], $0x4000  }
0x44: {  	[sflag:s24] =	ssyncset.done $0x0  }
0x45: {  	s28 =	simm.s32 $0x14080;
	[sflag:s24] =	ssyncadd.s32 $0xFFFFC000  }
0x46: {  	[tilespmem:s23], [sflag:$0x2] =	stream.indirect.gather [hbm4b:s4+s21], $0x80, s28, s21, $0xb8;
	[tilespmem:$0x1E800] =	vst v63  }
0x47: {  	s29 =	simm.s32 $0x15400  }
0x48: {  	[spmem:s1] =	stream.indirect.scatter.add.f32 [tilespmem:s22], [sflag:$0x3], $0x80, s29, s21, $0xb8;
	[tilespmem:$0x1E800] =	vst v63  }
0x49: {  	_ =	swait.ge [sflag:s19], $0x4000  }
0x4a: {  	[sflag:s19] =	ssyncset.done $0x0  }
0x4b: {  	[sflag:s19] =	ssyncadd.s32 $0xFFFFC000  }
0x4c: {  	_ =	swait.ge [sflag:s25], $0x4000  }
0x4d: {  	[sflag:s25] =	ssyncset.done $0x0  }
0x4e: {  	s30 =	simm.s32 $0x14100;
	[sflag:s25] =	ssyncadd.s32 $0xFFFFC000  }
0x4f: {  	[tilespmem:s22], [sflag:$0x1] =	stream.indirect.gather [hbm4b:s4+s21], $0x80, s30, s21, $0xb8;
	[tilespmem:$0x1E800] =	vst v63  }
0x50: {  	s31 =	simm.s32 $0x15480  }
0x51: {  	[spmem:s1] =	stream.indirect.scatter.add.f32 [tilespmem:s23], [sflag:$0x3], $0x80, s31, s21, $0xb8;
	[tilespmem:$0x1E800] =	vst v63  }
0x52: {  	_ =	swait.ge [sflag:s19], $0x4000  }
0x53: {  	s26 =	simm.s32 $0x400;
	[sflag:s19] =	ssyncset.done $0x0  }
.LBB2_4:
0x54: {  	p1 =	sne.s32 s26, $0x4800  }
0x55: {  	[sflag:s19] =	ssyncadd.s32 $0xFFFFC000;
	s28 =	smov.u32 s26;
	s26 =	sadd.s32 $0x400, s26  }
0x56: {  	_ = 	snop  }
0x57: {  	_ =	swait.ge [sflag:s24], $0x4000  }
0x58: {  	s28 =	sshra.s32 s28, $0x2;
	[sflag:s24] =	ssyncset.done $0x0  }
0x59: {  	s29 =	sadd.s32 $0x14080, s28;
	[sflag:s24] =	ssyncadd.s32 $0xFFFFC000  }
0x5a: {  	[tilespmem:s23], [sflag:$0x2] =	stream.indirect.gather [hbm4b:s4+s21], $0x80, s29, s21, $0xb8;
	[tilespmem:$0x1E800] =	vst v63  }
0x5b: {  	s29 =	sadd.s32 $0x15400, s28  }
0x5c: {  	[spmem:s1] =	stream.indirect.scatter.add.f32 [tilespmem:s22], [sflag:$0x3], $0x80, s29, s21, $0xb8;
	[tilespmem:$0x1E800] =	vst v63  }
0x5d: {  	_ =	swait.ge [sflag:s19], $0x4000  }
0x5e: {  	[sflag:s19] =	ssyncset.done $0x0  }
0x5f: {  	[sflag:s19] =	ssyncadd.s32 $0xFFFFC000  }
0x60: {  	_ =	swait.ge [sflag:s25], $0x4000  }
0x61: {  	[sflag:s25] =	ssyncset.done $0x0  }
0x62: {  	s29 =	sadd.s32 $0x14100, s28;
	[sflag:s25] =	ssyncadd.s32 $0xFFFFC000  }
0x63: {  	[tilespmem:s22], [sflag:$0x1] =	stream.indirect.gather [hbm4b:s4+s21], $0x80, s29, s21, $0xb8;
	[tilespmem:$0x1E800] =	vst v63  }
.Ltmp1:
0x64: {  	_ = 	snop;
	(pc) =	sbr.rel @p1 .LBB2_4-.Ltmp1, $4  }
0x65: {  	s28 =	sadd.s32 $0x15480, s28  }
0x66: {  	[spmem:s1] =	stream.indirect.scatter.add.f32 [tilespmem:s23], [sflag:$0x3], $0x80, s28, s21, $0xb8;
	[tilespmem:$0x1E800] =	vst v63  }
0x67: {  	_ =	swait.ge [sflag:s19], $0x4000  }
0x68: {  	[sflag:s19] =	ssyncset.done $0x0  }
0x69: {  	[sflag:s19] =	ssyncadd.s32 $0xFFFFC000  }
0x6a: {  	_ =	swait.ge [sflag:s24], $0x4000  }
0x6b: {  	[sflag:s24] =	ssyncset.done $0x0  }
0x6c: {  	s26 =	simm.s32 $0x15380;
	[sflag:s24] =	ssyncadd.s32 $0xFFFFC000  }
0x6d: {  	[tilespmem:s23], [sflag:$0x2] =	stream.indirect.gather [hbm4b:s4+s21], $0x80, s26, s21, $0xb8;
	[tilespmem:$0x1E800] =	vst v63  }
0x6e: {  	s30 =	simm.s32 $0x16700  }
0x6f: {  	[spmem:s1] =	stream.indirect.scatter.add.f32 [tilespmem:s22], [sflag:$0x3], $0x80, s30, s21, $0xb8;
	[tilespmem:$0x1E800] =	vst v63  }
0x70: {  	_ =	swait.ge [sflag:s19], $0x4000  }
0x71: {  	[sflag:s19] =	ssyncset.done $0x0  }
0x72: {  	[sflag:s19] =	ssyncadd.s32 $0xFFFFC000  }
0x73: {  	_ =	swait.ge [sflag:s25], $0x4000  }
0x74: {  	[sflag:s25] =	ssyncset.done $0x0  }
0x75: {  	s31 =	simm.s32 $0x0;
	[sflag:s25] =	ssyncadd.s32 $0xFFFFC000  }
0x76: {  	[tilespmem:s18], [sflag:$0x3] =	stream.linear.gather [hbm4b:s12+s31], $0x1300, $0x38;
	[tilespmem:$0x1E800] =	vst v63  }
0x77: {  	_ =	swait.ge [sflag:s19], $0x1300  }
0x78: {  	[sflag:s19] =	ssyncset.done $0x0  }
0x79: {  	s28 =	simm.s32 $0x16780;
	[sflag:s19] =	ssyncadd.s32 $0xFFFFED00  }
0x7a: {  	[spmem:s1] =	stream.indirect.scatter.add.f32 [tilespmem:s23], [sflag:$0x3], $0x80, s28, s21, $0xb8;
	[tilespmem:$0x1E800] =	vst v63  }
0x7b: {  	_ =	swait.ge [sflag:s19], $0x4000  }
0x7c: {  	[sflag:s19] =	ssyncset.done $0x0  }
0x7d: {  	[sflag:s19] =	ssyncadd.s32 $0xFFFFC000  }
0x7e: {  	[tilespmem:s20], [sflag:$0x3] =	stream.linear.gather [hbm4b:s13+s31], $0x1300, $0x38;
	[tilespmem:$0x1E800] =	vst v63  }
0x7f: {  	_ =	swait.ge [sflag:s19], $0x1300  }
0x80: {  	[sflag:s19] =	ssyncset.done $0x0  }
0x81: {  	[sflag:s19] =	ssyncadd.s32 $0xFFFFED00  }
0x82: {  	[tilespmem:s22], [sflag:$0x1] =	stream.indirect.gather [hbm4b:s4+s21], $0x80, s18, s21, $0xb8;
	[tilespmem:$0x1E800] =	vst v63  }
0x83: {  	_ =	swait.ge [sflag:s24], $0x4000  }
0x84: {  	[sflag:s24] =	ssyncset.done $0x0  }
0x85: {  	s28 =	simm.s32 $0x14080;
	[sflag:s24] =	ssyncadd.s32 $0xFFFFC000  }
0x86: {  	[tilespmem:s23], [sflag:$0x2] =	stream.indirect.gather [hbm4b:s4+s21], $0x80, s28, s21, $0xb8;
	[tilespmem:$0x1E800] =	vst v63  }
0x87: {  	s29 =	simm.s32 $0x15400  }
0x88: {  	[spmem:s1] =	stream.indirect.scatter.add.f32 [tilespmem:s22], [sflag:$0x3], $0x80, s29, s21, $0xb8;
	[tilespmem:$0x1E800] =	vst v63  }
0x89: {  	_ =	swait.ge [sflag:s19], $0x4000  }
0x8a: {  	[sflag:s19] =	ssyncset.done $0x0  }
0x8b: {  	[sflag:s19] =	ssyncadd.s32 $0xFFFFC000  }
0x8c: {  	_ =	swait.ge [sflag:s25], $0x4000  }
0x8d: {  	[sflag:s25] =	ssyncset.done $0x0  }
0x8e: {  	s30 =	simm.s32 $0x14100;
	[sflag:s25] =	ssyncadd.s32 $0xFFFFC000  }
0x8f: {  	[tilespmem:s22], [sflag:$0x1] =	stream.indirect.gather [hbm4b:s4+s21], $0x80, s30, s21, $0xb8;
	[tilespmem:$0x1E800] =	vst v63  }
0x90: {  	s31 =	simm.s32 $0x15480  }
0x91: {  	[spmem:s1] =	stream.indirect.scatter.add.f32 [tilespmem:s23], [sflag:$0x3], $0x80, s31, s21, $0xb8;
	[tilespmem:$0x1E800] =	vst v63  }
0x92: {  	_ =	swait.ge [sflag:s19], $0x4000  }
0x93: {  	s26 =	simm.s32 $0x400;
	[sflag:s19] =	ssyncset.done $0x0  }
.LBB2_6:
0x94: {  	p1 =	sne.s32 s26, $0x4400  }
0x95: {  	[sflag:s19] =	ssyncadd.s32 $0xFFFFC000;
	s28 =	smov.u32 s26;
	s26 =	sadd.s32 $0x400, s26  }
0x96: {  	_ = 	snop  }
0x97: {  	_ =	swait.ge [sflag:s24], $0x4000  }
0x98: {  	s28 =	sshra.s32 s28, $0x2;
	[sflag:s24] =	ssyncset.done $0x0  }
0x99: {  	s29 =	sadd.s32 $0x14080, s28;
	[sflag:s24] =	ssyncadd.s32 $0xFFFFC000  }
0x9a: {  	[tilespmem:s23], [sflag:$0x2] =	stream.indirect.gather [hbm4b:s4+s21], $0x80, s29, s21, $0xb8;
	[tilespmem:$0x1E800] =	vst v63  }
0x9b: {  	s29 =	sadd.s32 $0x15400, s28  }
0x9c: {  	[spmem:s1] =	stream.indirect.scatter.add.f32 [tilespmem:s22], [sflag:$0x3], $0x80, s29, s21, $0xb8;
	[tilespmem:$0x1E800] =	vst v63  }
0x9d: {  	_ =	swait.ge [sflag:s19], $0x4000  }
0x9e: {  	[sflag:s19] =	ssyncset.done $0x0  }
0x9f: {  	[sflag:s19] =	ssyncadd.s32 $0xFFFFC000  }
0xa0: {  	_ =	swait.ge [sflag:s25], $0x4000  }
0xa1: {  	[sflag:s25] =	ssyncset.done $0x0  }
0xa2: {  	s29 =	sadd.s32 $0x14100, s28;
	[sflag:s25] =	ssyncadd.s32 $0xFFFFC000  }
0xa3: {  	[tilespmem:s22], [sflag:$0x1] =	stream.indirect.gather [hbm4b:s4+s21], $0x80, s29, s21, $0xb8;
	[tilespmem:$0x1E800] =	vst v63  }
.Ltmp2:
0xa4: {  	_ = 	snop;
	(pc) =	sbr.rel @p1 .LBB2_6-.Ltmp2, $4  }
0xa5: {  	s28 =	sadd.s32 $0x15480, s28  }
0xa6: {  	[spmem:s1] =	stream.indirect.scatter.add.f32 [tilespmem:s23], [sflag:$0x3], $0x80, s28, s21, $0xb8;
	[tilespmem:$0x1E800] =	vst v63  }
0xa7: {  	_ =	swait.ge [sflag:s19], $0x4000  }
0xa8: {  	[sflag:s19] =	ssyncset.done $0x0  }
0xa9: {  	[sflag:s19] =	ssyncadd.s32 $0xFFFFC000  }
0xaa: {  	_ =	swait.ge [sflag:s24], $0x4000  }
0xab: {  	[sflag:s24] =	ssyncset.done $0x0  }
0xac: {  	s26 =	simm.s32 $0x15280;
	[sflag:s24] =	ssyncadd.s32 $0xFFFFC000  }
0xad: {  	[tilespmem:s23], [sflag:$0x2] =	stream.indirect.gather [hbm4b:s4+s21], $0x80, s26, s21, $0xb8;
	[tilespmem:$0x1E800] =	vst v63  }
0xae: {  	s29 =	simm.s32 $0x16600  }
0xaf: {  	[spmem:s1] =	stream.indirect.scatter.add.f32 [tilespmem:s22], [sflag:$0x3], $0x80, s29, s21, $0xb8;
	[tilespmem:$0x1E800] =	vst v63  }
0xb0: {  	_ =	swait.ge [sflag:s19], $0x4000  }
0xb1: {  	[sflag:s19] =	ssyncset.done $0x0  }
0xb2: {  	[sflag:s19] =	ssyncadd.s32 $0xFFFFC000  }
0xb3: {  	_ =	swait.ge [sflag:s25], $0x4000  }
0xb4: {  	[sflag:s25] =	ssyncset.done $0x0  }
0xb5: {  	[sflag:s25] =	ssyncadd.s32 $0xFFFFC000  }
0xb6: {  	[spmem:s1] =	stream.indirect.scatter.add.f32 [tilespmem:s23], [sflag:$0x3], $0x80, s0, s21, $0xb8;
	[tilespmem:$0x1E800] =	vst v63  }
0xb7: {  	_ =	swait.ge [sflag:s19], $0x4000  }
0xb8: {  	s28 =	simm.s32 @!p0 $0x14000;
	[sflag:s19] =	ssyncset.done $0x0  }
0xb9: {  	s26 =	simm.s32 @!p0 $0x0;
	s29 =	simm.s32 @!p0 $0x3;
	[sflag:s19] =	ssyncadd.s32 $0xFFFFC000  }
0xba: {  	[tilespmem:s28], [sflag:$0x3] =	stream.linear.gather @!p0 [hbm4b:s14+s26], $0x80, $0x38;
	[tilespmem:$0x1E800] =	vst v63  }
0xbb: {  	_ =	swait.ge @!p0 [sflag:s29], $0x80  }
0xbc: {  	[sflag:s29] =	ssyncset.done @!p0 $0x0  }
0xbd: {  	s30 =	simm.s32 @!p0 $0x15400;
	[sflag:s29] =	ssyncadd.s32 @!p0 $0xFFFFFF80  }
0xbe: {  	[tilespmem:s30], [sflag:$0x3] =	stream.linear.gather @!p0 [hbm4b:s15+s26], $0x80, $0x38;
	[tilespmem:$0x1E800] =	vst v63  }
0xbf: {  	_ =	swait.ge @!p0 [sflag:s29], $0x80  }
0xc0: {  	[sflag:s29] =	ssyncset.done @!p0 $0x0  }
0xc1: {  	s31 =	simm.s32 @!p0 $0x16800;
	s26 =	simm.s32 @!p0 $0x80;
	[sflag:s29] =	ssyncadd.s32 @!p0 $0xFFFFFF80  }
0xc2: {  	[tilespmem:s31], [sflag:$0x3] =	stream.indirect.gather @!p0 [hbm4b:s4+s26], $0x80, s28, s26, $0xb8;
	[tilespmem:$0x1E800] =	vst v63  }
0xc3: {  	_ =	swait.ge @!p0 [sflag:s29], $0x4000  }
0xc4: {  	[sflag:s29] =	ssyncset.done @!p0 $0x0  }
0xc5: {  	[sflag:s29] =	ssyncadd.s32 @!p0 $0xFFFFC000  }
0xc6: {  	[spmem:s1] =	stream.indirect.scatter.add.f32 @!p0 [tilespmem:s31], [sflag:$0x3], $0x80, s30, s26, $0xb8;
	[tilespmem:$0x1E800] =	vst v63  }
0xc7: {  	s2 =	sadd.s32 $0x1, s2;
	_ =	swait.ge @!p0 [sflag:s29], $0x4000  }
0xc8: {  	p1 =	sne.s32 s2, s17;
	s30 =	stileid.u32;
	[sflag:s29] =	ssyncset.done @!p0 $0x0  }
0xc9: {  	s31 =	sshrl.u32 s7, $0x3;
	s26 =	sshll.u32 s30, $0x6;
	[sflag:s29] =	ssyncadd.s32 @!p0 $0xFFFFC000  }
.Ltmp3:
0xca: {  	s26 =	sor.u32 $0x1C03, s26;
	[bflag:$0x0] =	sbarrier.arrive $0xFFFF;
	(pc) =	sbr.rel @p1 .LBB2_1-.Ltmp3, $4  }
0xcb: {  	[hbm:s16], [sflag:s26] =	dma.local [spmem:s31], $0x2800  }
0xcc: {  	_ =	swait.ge [sflag:s19], $0x2800  }
0xcd: {  	[sflag:s19] =	ssyncset.done $0x0  }
0xce: {  	[sflag:s19] =	ssyncadd.s32 $0xFFFFD800  }
0xcf: {  	_ =	sfence.sel $0x180000  }
0xd0: {  	[bflag:$0x0] =	sbarrier.arrive $0xFFFF  }
0xd1: {  	_ =	strace $0x9000004D  }
0xd2: {  	s0 =	stileid.u32;
	[bflag:$0x2] =	sbarrier.arrive $0xFFFF  }
0xd3: {  	p0 =	sne.s32 s0, $0x0;
	s0 =	rddreg [dreg:$0x3]  }
0xd4: {  	s0 =	sadd.s32 @!p0 $0x100000, s0  }
0xd5: {  	[sflag:s0] =	ssyncadd.tile.s32 @!p0 $0x1;
	_ =	shalt  }
.Lfunc_end2:
_tile_overlayer_lowered:
.L_overlay_start_2:
0xd6: {  	(tag) =	ssettag $0x2  }
0xd7: {  	s0 =	rddreg [dreg:$0x0];
	s2 =	stileid.u32  }
0xd8: {  	s1 =	rddreg [dreg:$0x1];
	p0 =	sne.s32 s2, $0x0  }
0xd9: {  	s3 =	rddreg [dreg:$0x2];
	[bflag:$0x3] =	sbarrier.arrive $0xFFFF;
	s2 =	simm.s32 @!p0 $0x1C03  }
0xda: {  	[timem:s3], [sflag:s2] =	dma.local @!p0 [hbm:s0], s1  }
0xdb: {  	s0 =	simm.s32 @!p0 $0x3  }
0xdc: {  	_ =	swait.ge @!p0 [sflag:s0], s1  }
0xdd: {  	s1 =	ssub.s32 @!p0 $0x0, s1;
	[sflag:s0] =	ssyncset.done @!p0 $0x0  }
0xde: {  	[sflag:s0] =	ssyncadd.s32 @!p0 s1  }
0xdf: {  	[bflag:$0x3] =	sbarrier.arrive $0xFFFF  }
0xe0: {  	_ =	shalt  }

// kernel: kernel.8.cloned.1.call-start
scs
__scs_entry_jumppad:
0x0: {  	(pc) =	sbr.rel $0x88, $3  }
0x1: {  	(tag) =	ssettag $0x0;
	lr =	simm.s32 $0x1  }
0x2: {  	[smem:$0x3F9B] =	sst lr;
	_ =	strace $0xD0000000  }
0x3: {  	_ = 	snop  }
0x4: {  	_ = 	snop  }
0x5: {  	_ = 	snop  }
0x6: {  	_ = 	snop  }
0x7: {  	_ = 	snop  }
__scs_overlays_trampoline_lowered:
0x8: {  	[smem:$0x3FAA] =	sst s0  }
0x9: {  	[smem:$0x3FAB] =	sst s1  }
0xa: {  	[smem:$0x3FAC] =	sst s2  }
0xb: {  	[smem:$0x3FAD] =	sst s3  }
0xc: {  	[smem:$0x3FAE] =	sst s4  }
0xd: {  	[smem:$0x3FAF] =	sst s5  }
0xe: {  	[smem:$0x3FB0] =	sst s6  }
0xf: {  	[smem:$0x3FB1] =	sst s7  }
0x10: {  	[smem:$0x3FB2] =	sst s8  }
0x11: {  	[smem:$0x3FB3] =	sst s9;
	s0 =	simm.s32 @!p0 $0x0  }
0x12: {  	s1 =	sld [smem:$0x3F99];
	s0 =	simm.s32 @p0 $0x1  }
0x13: {  	[smem:$0x3FB4] =	sst s0;
	s0 =	simm.s32 @!p1 $0x0  }
0x14: {  	s2 =	sld [smem:$0x3F98];
	s0 =	simm.s32 @p1 $0x1  }
0x15: {  	[smem:$0x3FB5] =	sst s0;
	s0 =	simm.s32 @!p2 $0x0  }
0x16: {  	s3 =	sld [smem:$0x3FDB];
	s0 =	simm.s32 @p2 $0x1  }
0x17: {  	s4 =	simm.s32 $0x1BF5;
	[smem:$0x3FB7] =	sst s0  }
0x18: {  	s0 =	sld [smem:$0x3F9A];
	_ =	swait.ge [sflag:s4], $0x0  }
0x19: {  	s7 =	sld [smem:$0x3F9B]  }
0x1a: {  	s8 =	sadd.s32 $0xFFFFE003, lr  }
0x1b: {  	s9 =	sadd.s32 $0xFFFFFEF7, lr;
	s5 =	simm.s32 $0xFFFFFFFF;
	p2 =	slt.u32 s8, $0xFFFFF086  }
0x1c: {  	p1 =	slt.u32 s9, $0xF7A;
	s5 =	simm.s32 @!p2 $0x0  }
0x1d: {  	s5 =	simm.s32 @p1 $0x1;
	p0 =	seq.s32 s7, s2  }
0x1e: {  	s7 =	smul.u32 @!p0 $0xF7A, s2;
	p2 =	seq.s32 @!p0 s5, $0x0  }
0x1f: {  	s9 =	smul.u32 $0xF7A, s1;
	s8 =	simm.s32 @!p0 $0x1BF5;
	p2 =	por !p2, p0  }
0x20: {  	[sflag:s8] =	ssyncset.s32 @!p0 $0xFFFFF086;
	s6 =	sadd.s32 @!p0 s3, s7;
	s7 =	simm.s32 @!p0 $0x108  }
0x21: {  	s3 =	sadd.s32 s3, s9;
	s6 =	sadd.s32 @!p0 $0x88, s6;
	s7 =	simm.s32 @p2 $0x1082  }
0x22: {  	[simem:s7], [sflag:s8] =	dma.local @!p0 [hbm:s6], $0xF7A  }
0x23: {  	s9 =	sor.u32 $0xD0000000, s2;
	s6 =	simm.s32 $0x108;
	_ =	swait.ge @!p0 [sflag:s8], $0x0  }
0x24: {  	s3 =	sadd.s32 $0x88, s3;
	s6 =	simm.s32 @!p1 $0x1082;
	[sflag:s4] =	ssyncset.s32 $0xFFFFF086  }
0x25: {  	[simem:s6], [sflag:s4] =	dma.local [hbm:s3], $0xF7A  }
0x26: {  	[smem:$0x3F9B] =	sst s1;
	(tag) =	ssettag s2;
	_ =	strace s9  }
0x27: {  	s1 =	sld [smem:$0x3FAB]  }
0x28: {  	s2 =	sld [smem:$0x3FAC]  }
0x29: {  	s4 =	sld [smem:$0x3FAE]  }
0x2a: {  	p0 =	seq.s32 s5, $0x0;
	s5 =	sld [smem:$0x3FAF]  }
0x2b: {  	s6 =	sld [smem:$0x3FB0]  }
0x2c: {  	s7 =	sld [smem:$0x3FB1]  }
0x2d: {  	s3 =	simm.s32 $0x108;
	s8 =	sld [smem:$0x3FB2]  }
0x2e: {  	s3 =	simm.s32 @!p0 $0x1082;
	s9 =	sld [smem:$0x3FB3]  }
0x2f: {  	lr =	sadd.s32 s0, s3;
	s0 =	sld [smem:$0x3FAA]  }
0x30: {  	s3 =	sld [smem:$0x3FAD]  }
0x31: {  	[smem:$0x3FB6] =	sst s10  }
0x32: {  	s10 =	sld [smem:$0x3FB4];
	_ =	sdelay $0x3  }
0x33: {  	p0 =	seq.s32 s10, $0x1;
	s10 =	sld [smem:$0x3FB6];
	_ =	sdelay $0x3  }
0x34: {  	[smem:$0x3FB6] =	sst s10  }
0x35: {  	s10 =	sld [smem:$0x3FB5];
	_ =	sdelay $0x3  }
0x36: {  	p1 =	seq.s32 s10, $0x1;
	s10 =	sld [smem:$0x3FB6];
	_ =	sdelay $0x3  }
0x37: {  	[smem:$0x3FB6] =	sst s10  }
0x38: {  	s10 =	sld [smem:$0x3FB7]  }
0x39: {  	_ = 	snop;
	(pc) =	sbr.ind lr, $3  }
0x3a: {  	_ = 	snop  }
0x3b: {  	_ = 	snop  }
0x3c: {  	p2 =	seq.s32 s10, $0x1;
	s10 =	sld [smem:$0x3FB6]  }
0x3d: {  	_ =	shalt  }
0x3e: {  	_ =	shalt  }
0x3f: {  	_ =	shalt  }
0x40: {  	_ =	shalt  }
0x41: {  	_ =	shalt  }
0x42: {  	_ =	shalt  }
0x43: {  	_ =	shalt  }
0x44: {  	_ =	shalt  }
0x45: {  	_ =	shalt  }
0x46: {  	_ =	shalt  }
0x47: {  	_ =	shalt  }
0x48: {  	_ =	shalt  }
0x49: {  	_ =	shalt  }
0x4a: {  	_ =	shalt  }
0x4b: {  	_ =	shalt  }
0x4c: {  	_ =	shalt  }
0x4d: {  	_ =	shalt  }
0x4e: {  	_ =	shalt  }
0x4f: {  	_ =	shalt  }
0x50: {  	_ =	shalt  }
0x51: {  	_ =	shalt  }
0x52: {  	_ =	shalt  }
0x53: {  	_ =	shalt  }
0x54: {  	_ =	shalt  }
0x55: {  	_ =	shalt  }
0x56: {  	_ =	shalt  }
0x57: {  	_ =	shalt  }
0x58: {  	_ =	shalt  }
0x59: {  	_ =	shalt  }
0x5a: {  	_ =	shalt  }
0x5b: {  	_ =	shalt  }
0x5c: {  	_ =	shalt  }
0x5d: {  	_ =	shalt  }
0x5e: {  	_ =	shalt  }
0x5f: {  	_ =	shalt  }
0x60: {  	_ =	shalt  }
0x61: {  	_ =	shalt  }
0x62: {  	_ =	shalt  }
0x63: {  	_ =	shalt  }
0x64: {  	_ =	shalt  }
0x65: {  	_ =	shalt  }
0x66: {  	_ =	shalt  }
0x67: {  	_ =	shalt  }
0x68: {  	_ =	shalt  }
0x69: {  	_ =	shalt  }
0x6a: {  	_ =	shalt  }
0x6b: {  	_ =	shalt  }
0x6c: {  	_ =	shalt  }
0x6d: {  	_ =	shalt  }
0x6e: {  	_ =	shalt  }
0x6f: {  	_ =	shalt  }
0x70: {  	_ =	shalt  }
0x71: {  	_ =	shalt  }
0x72: {  	_ =	shalt  }
0x73: {  	_ =	shalt  }
0x74: {  	_ =	shalt  }
0x75: {  	_ =	shalt  }
0x76: {  	_ =	shalt  }
0x77: {  	_ =	shalt  }
0x78: {  	_ =	shalt  }
0x79: {  	_ =	shalt  }
0x7a: {  	_ =	shalt  }
0x7b: {  	_ =	shalt  }
0x7c: {  	_ =	shalt  }
0x7d: {  	_ =	shalt  }
0x7e: {  	_ =	shalt  }
0x7f: {  	_ =	shalt  }
0x80: {  	_ =	shalt  }
0x81: {  	_ =	shalt  }
0x82: {  	_ =	shalt  }
0x83: {  	_ =	shalt  }
0x84: {  	_ =	shalt  }
0x85: {  	_ =	shalt  }
0x86: {  	_ =	shalt  }
0x87: {  	_ =	shalt  }
.Lfunc_end0:
.L_simem_size_0:
called_computation_lowered:
.L_overlay_start_0:
0x88: {  	s2 =	sld [smem:$0x3FD9]  }
0x89: {  	s3 =	sld [smem:$0x3FFE];
	_ =	sdelay $0x1  }
0x8a: {  	s1 =	srdreg.scid  }
0x8b: {  	s0 =	sand.u32 $0x1, s1  }
0x8c: {  	s17 =	sshll.u32 s0, $0xA;
	s2 =	sadd.s32 s3, s2  }
0x8d: {  	s2 =	sadd.s32 s2, s17  }
0x8e: {  	[smem:$0x3FC2] =	sst s2  }
0x8f: {  	_ = 	snop  }
0x90: {  	s2 =	sld [smem:$0x3FD0];
	(tm) =	ssettm $0x1  }
0x91: {  	s18 =	sld [smem:$0x3FFB];
	_ =	sdelay $0x3  }
0x92: {  	_ =	strace s18  }
0x93: {  	s3 =	sld [smem:$0x3FFC];
	_ =	sdelay $0x3  }
0x94: {  	_ =	strace s3  }
0x95: {  	s3 =	sld [smem:$0x3FFD];
	_ =	sdelay $0x3  }
0x96: {  	_ =	strace s3  }
0x97: {  	_ =	strace $0x8FFFFFFF  }
0x98: {  	s19 =	sld [smem:$0x3FDB];
	_ =	sdelay $0x1  }
0x99: {  	s4 =	simm.s32 $_scs_section_size  }
0x9a: {  	s5 =	simm.s32 $_size__tile_overlayer_lowered;
	s6 =	simm.s32 $_tile_overlayer_lowered  }
0x9b: {  	s22 =	simm.s32 $0x1BFF;
	s21 =	sshll.u32 s6, $0x1;
	s3 =	sadd.s32 s4, s19  }
0x9c: {  	s7 =	simm.s32 $0x0;
	s20 =	sshll.u32 s5, $0x1;
	s5 =	sadd.s32 s21, s3  }
0x9d: {  	[timem:s7], [sflag:s22] =	dma.local [hbm:s5], s20  }
0x9e: {  	_ =	swait.ge [sflag:s22], s20  }
0x9f: {  	s4 =	ssub.s32 $0x0, s20;
	[sflag:s22] =	ssyncset.done $0x0  }
0xa0: {  	[sflag:s22] =	ssyncadd.s32 s4;
	_ =	sdelay $0x1  }
0xa1: {  	s23 =	simm.s32 $0x1B8B  }
0xa2: {  	_ =	swait.ge [sflag:s23], $0x1  }
0xa3: {  	[sflag:s23] =	ssyncset.done $0x0  }
0xa4: {  	s25 =	simm.s32 $0x1B8E;
	s24 =	sld [smem:$0x3FFE];
	[sflag:s23] =	ssyncadd.s32 $0xFFFFFFFF  }
0xa5: {  	s26 =	simm.s32 $execute0_lowered;
	[smem:$0x3FD2] =	sst s25  }
0xa6: {  	s5 =	sshll.u32 s26, $0x1;
	_ =	strace $0x80000046;
	[dreg:$0x1] =	wrdreg $0xFFFFFFFF  }
0xa7: {  	s28 =	simm.s32 $_size_execute0_lowered;
	s3 =	sadd.s32 s3, s5;
	[dreg:$0x0] =	wrdreg $0x0  }
0xa8: {  	s5 =	sshll.u32 s28, $0x1;
	[dreg:$0x2] =	wrdreg s3  }
0xa9: {  	[dreg:$0x3] =	wrdreg s5  }
0xaa: {  	[dreg:$0x4] =	wrdreg $0xC0  }
0xab: {  	_ =	task [dreg:s7], $0x5FFFF  }
0xac: {  	[dreg:$0x1] =	wrdreg $0xFFFFFFFF  }
0xad: {  	[dreg:$0x0] =	wrdreg $0x60  }
0xae: {  	[dreg:$0x2] =	wrdreg s2  }
0xaf: {  	[dreg:$0x3] =	wrdreg s24  }
0xb0: {  	[dreg:$0x4] =	wrdreg $0x0  }
0xb1: {  	[dreg:$0x5] =	wrdreg $0x9  }
0xb2: {  	_ =	task.clear_ibuf [dreg:s7], $0x6FFFF;
	_ =	strace $0x90000046  }
0xb3: {  	s29 =	simm.s32 $0x9;
	_ =	strace $0x80000048  }
0xb4: {  	_ =	swait.ge [sflag:s29], $0x1  }
0xb5: {  	[sflag:s29] =	ssyncadd.s32 $0xFFFFFFFF  }
0xb6: {  	_ =	strace $0x90000048  }
0xb7: {  	_ =	sfence  }
0xb8: {  	s30 =	sld [smem:$0x0];
	_ =	sdelay $0x2  }
0xb9: {  	s31 =	sshll.u32 s1, $0xD;
	s1 =	sshrl.u32 s1, $0x2  }
0xba: {  	s3 =	sand.u32 $0x4000, s31;
	s1 =	sadd.s32 s1, s30  }
0xbb: {  	s0 =	sor.u32 s3, s0;
	s1 =	sshll.u32 s1, $0x11  }
0xbc: {  	s0 =	sor.u32 s1, s0  }
0xbd: {  	s0 =	sadd.s32 $0x8F2B, s0  }
0xbe: {  	[sflag:s0] =	ssyncadd.remote.s32 $0x1  }
0xbf: {  	_ =	sfence.sel $0xFFFF  }
0xc0: {  	[dreg:$0x0] =	wrdreg $0xFFFFFFFF;
	(pc) =	sbr.abs _section_cstart, $3  }
0xc1: {  	[dreg:$0x1] =	wrdreg $0xFFFFFFFF  }
0xc2: {  	_ =	task.clear_ibuf [dreg:s7], $0x2FFFF;
	_ =	strace $0x9FFFFFFF  }
0xc3: {  	(tm) =	ssettm $0x7FFFFFFF  }
tec
execute0_lowered:
.L_overlay_start_1:
0x0: {  	(tag) =	ssettag $0x1  }
0x1: {  	s4 =	rddreg [dreg:$0x0]  }
0x2: {  	s6 =	rddreg [dreg:$0x1]  }
0x3: {  	s0 =	srdreg.scid;
	s2 =	rddreg [dreg:$0x2];
	s3 =	simm.s32 $0x0  }
0x4: {  	s13 =	simm.s32 $0x280;
	s14 =	simm.s32 $0x1;
	s15 =	simm.s32 $0x2A80  }
0x5: {  	s16 =	simm.s32 $0x80;
	s19 =	simm.s32 $0x20;
	s20 =	simm.s32 $0x10  }
0x6: {  	s21 =	simm.s32 $0x0;
	s5 =	sand.u32 $0x1, s0;
	s0 =	stileid.u32  }
0x7: {  	[smem:$0x7FF] =	sst s3;
	s1 =	sshll.u32 s5, $0x4;
	s8 =	smul.u32 $0x500, s0  }
0x8: {  	s9 =	sshll.u32 s5, $0x7;
	s28 =	smul.u32 $0xA00, s0;
	s5 =	ssub.s32 $0x2, s5  }
0x9: {  	s18 =	sshll.u32 s0, $0x6;
	s17 =	sor.u32 s0, s1;
	s1 =	rddreg [dreg:$0x3]  }
0xa: {  	_ =	strace $0x80000047;
	s30 =	sshrl.u32 s5, $0x1;
	s7 =	sshll.u32 s17, $0x7  }
0xb: {  	s26 =	sor.u32 s9, s8;
	s29 =	smul.u32 $0x500, s17;
	s31 =	sshrl.u32 s28, $0x2  }
0xc: {  	s12 =	ssub.s32 s5, s30;
	p0 =	slt.u32 s17, $0x1C;
	s17 =	sor.u32 $0x1C01, s18  }
0xd: {  	s7 =	sadd.s32 $0xFFFFF200, s7;
	s5 =	sadd.s32 s31, s2;
	s12 =	smax.u32 s12, $0x1  }
0xe: {  	s7 =	sshrl.u32 s7, $0x3;
	s4 =	sadd.s32 s4, s29;
	s8 =	sadd.s32 $0x180, s5  }
0xf: {  	s9 =	sadd.s32 $0x200, s5;
	s10 =	sadd.s32 s7, s6;
	s7 =	sshrl.u32 s26, $0x3  }
0x10: {  	s18 =	sshrl.u32 s5, $0x3;
	s11 =	sadd.s32 s7, s6;
	s6 =	sadd.s32 $0x80, s5  }
0x11: {  	v0 =	vimm.f32 $0.0e+00;
	v1 =	vimm.f32 $1.000000000e+00;
	s7 =	sadd.s32 $0x100, s5;
	s10 =	sadd.s32 $0x2000, s10;
	s11 =	sadd.s32 $0x2200, s11  }
.LBB2_1:
0x12: {  	[tilespmem:s13], [sflag:$0x1] =	stream.linear.gather [hbm4b:s4+s3], $0x2700, $0x38;
	[tilespmem:$0x2B00] =	vst v63  }
0x13: {  	_ =	swait.ge [sflag:s14], $0x2700  }
0x14: {  	[sflag:s14] =	ssyncset.done $0x0  }
0x15: {  	[sflag:s14] =	ssyncadd.s32 $0xFFFFD900  }
0x16: {  	[tilespmem:$0x2A80] =	vst v0  }
0x17: {  	[tilespmem:$0x2A90] =	vst v0  }
0x18: {  	[tilespmem:$0x2AA0] =	vst v0  }
0x19: {  	[tilespmem:$0x2AB0] =	vst v0  }
0x1a: {  	[tilespmem:$0x2AC0] =	vst v0  }
0x1b: {  	[tilespmem:$0x2AD0] =	vst v0  }
0x1c: {  	[tilespmem:$0x2AE0] =	vst v0  }
0x1d: {  	[tilespmem:$0x2AF0] =	vst v0  }
0x1e: {  	[spmem:s5] =	stream.linear.scatter [tilespmem:s15], [sflag:$0x1], $0x80, $0x38;
	[tilespmem:$0x2B00] =	vst v63  }
0x1f: {  	_ =	swait.ge [sflag:s14], $0x80  }
0x20: {  	[sflag:s14] =	ssyncset.done $0x0  }
0x21: {  	[sflag:s14] =	ssyncadd.s32 $0xFFFFFF80  }
0x22: {  	[spmem:s6] =	stream.linear.scatter [tilespmem:s15], [sflag:$0x1], $0x80, $0x38;
	[tilespmem:$0x2B00] =	vst v63  }
0x23: {  	_ =	swait.ge [sflag:s14], $0x80  }
0x24: {  	[sflag:s14] =	ssyncset.done $0x0  }
0x25: {  	[sflag:s14] =	ssyncadd.s32 $0xFFFFFF80  }
0x26: {  	[spmem:s7] =	stream.linear.scatter [tilespmem:s15], [sflag:$0x1], $0x80, $0x38;
	[tilespmem:$0x2B00] =	vst v63  }
0x27: {  	_ =	swait.ge [sflag:s14], $0x80  }
0x28: {  	[sflag:s14] =	ssyncset.done $0x0  }
0x29: {  	[sflag:s14] =	ssyncadd.s32 $0xFFFFFF80  }
0x2a: {  	[spmem:s8] =	stream.linear.scatter [tilespmem:s15], [sflag:$0x1], $0x80, $0x38;
	[tilespmem:$0x2B00] =	vst v63  }
0x2b: {  	_ =	swait.ge [sflag:s14], $0x80  }
0x2c: {  	[sflag:s14] =	ssyncset.done $0x0  }
0x2d: {  	[sflag:s14] =	ssyncadd.s32 $0xFFFFFF80  }
0x2e: {  	[spmem:s9] =	stream.linear.scatter [tilespmem:s15], [sflag:$0x1], $0x80, $0x38;
	[tilespmem:$0x2B00] =	vst v63  }
0x2f: {  	_ =	swait.ge [sflag:s14], $0x80  }
0x30: {  	[sflag:s14] =	ssyncset.done $0x0  }
0x31: {  	[sflag:s14] =	ssyncadd.s32 $0xFFFFFF80  }
0x32: {  	[tilespmem:$0x2A80] =	vst v1  }
0x33: {  	[tilespmem:$0x2A90] =	vst v1  }
0x34: {  	[tilespmem:$0x2AA0] =	vst v1  }
0x35: {  	[tilespmem:$0x2AB0] =	vst v1  }
0x36: {  	[tilespmem:$0x2AC0] =	vst v1  }
0x37: {  	[tilespmem:$0x2AD0] =	vst v1  }
0x38: {  	[tilespmem:$0x2AE0] =	vst v1  }
0x39: {  	[tilespmem:$0x2AF0] =	vst v1  }
0x3a: {  	s22 =	simm.s32 $0x280;
	[bflag:$0x0] =	sbarrier.arrive $0xFFFF  }
0x3b: {  	[spmem:s2] =	stream.indirect.scatter.add.f32 [tilespmem:s15], [sflag:$0x1], $0x1, s22, s16, $0xb8;
	[tilespmem:$0x2B00] =	vst v63  }
0x3c: {  	s22 =	simm.s32 $0x200;
	_ =	swait.ge [sflag:s14], $0x80  }
.LBB2_2:
0x3d: {  	s23 =	sshra.s32 s22, $0x2;
	[sflag:s14] =	ssyncset.done $0x0;
	p1 =	sne.s32 s22, $0x9A00  }
.Ltmp0:
0x3e: {  	s23 =	sadd.s32 $0x280, s23;
	[sflag:s14] =	ssyncadd.s32 $0xFFFFFF80;
	(pc) =	sbr.rel @p1 .LBB2_2-.Ltmp0, $3  }
0x3f: {  	[spmem:s2] =	stream.indirect.scatter.add.f32 [tilespmem:s15], [sflag:$0x1], $0x1, s23, s16, $0xb8;
	[tilespmem:$0x2B00] =	vst v63  }
0x40: {  	s22 =	sadd.s32 $0x200, s22;
	_ =	sdelay $0x1  }
0x41: {  	_ =	swait.ge [sflag:s14], $0x80  }
0x42: {  	[sflag:s14] =	ssyncset.done $0x0  }
0x43: {  	s22 =	simm.s32 @!p0 $0x0;
	s23 =	simm.s32 @!p0 $0x280;
	[sflag:s14] =	ssyncadd.s32 $0xFFFFFF80  }
0x44: {  	[tilespmem:s23], [sflag:$0x1] =	stream.linear.gather @!p0 [hbm4b:s10+s22], $0x80, $0x38;
	[tilespmem:$0x2B00] =	vst v63  }
0x45: {  	s22 =	simm.s32 @!p0 $0x1  }
0x46: {  	_ =	swait.ge @!p0 [sflag:s22], $0x80  }
0x47: {  	[sflag:s22] =	ssyncset.done @!p0 $0x0  }
0x48: {  	s24 =	simm.s32 @!p0 $0x80;
	s25 =	simm.s32 @!p0 $0x2A80;
	[sflag:s22] =	ssyncadd.s32 @!p0 $0xFFFFFF80  }
0x49: {  	[spmem:s2] =	stream.indirect.scatter.add.f32 @!p0 [tilespmem:s25], [sflag:$0x1], $0x1, s23, s24, $0xb8;
	[tilespmem:$0x2B00] =	vst v63  }
0x4a: {  	_ =	swait.ge @!p0 [sflag:s22], $0x80  }
0x4b: {  	s21 =	sadd.s32 $0x1, s21;
	[sflag:s22] =	ssyncset.done @!p0 $0x0  }
0x4c: {  	p1 =	sne.s32 s21, s12;
	[sflag:s22] =	ssyncadd.s32 @!p0 $0xFFFFFF80  }
.Ltmp1:
0x4d: {  	[bflag:$0x0] =	sbarrier.arrive $0xFFFF;
	(pc) =	sbr.rel @p1 .LBB2_1-.Ltmp1, $4  }
0x4e: {  	[hbm:s11@s19], [sflag:s17] =	dma.strided [spmem:s18@s20], $0x50, s14, $0x10   }
0x4f: {  	_ =	swait.ge [sflag:s14], $0x50  }
0x50: {  	[sflag:s14] =	ssyncset.done $0x0  }
0x51: {  	[sflag:s14] =	ssyncadd.s32 $0xFFFFFFB0  }
0x52: {  	_ =	sfence.sel $0x180000  }
0x53: {  	[bflag:$0x0] =	sbarrier.arrive $0xFFFF  }
0x54: {  	p0 =	sne.s32 s0, $0x0;
	_ =	strace $0x90000047  }
0x55: {  	s0 =	sadd.s32 @!p0 $0x100000, s1;
	[bflag:$0x2] =	sbarrier.arrive $0xFFFF  }
0x56: {  	[sflag:s0] =	ssyncadd.tile.s32 @!p0 $0x1;
	_ =	shalt  }
.Lfunc_end2:
_tile_overlayer_lowered:
.L_overlay_start_2:
0x57: {  	(tag) =	ssettag $0x2  }
0x58: {  	s0 =	rddreg [dreg:$0x0];
	s2 =	stileid.u32  }
0x59: {  	s1 =	rddreg [dreg:$0x1];
	p0 =	sne.s32 s2, $0x0  }
0x5a: {  	s3 =	rddreg [dreg:$0x2];
	[bflag:$0x3] =	sbarrier.arrive $0xFFFF;
	s2 =	simm.s32 @!p0 $0x1C01  }
0x5b: {  	[timem:s3], [sflag:s2] =	dma.local @!p0 [hbm:s0], s1  }
0x5c: {  	s0 =	simm.s32 @!p0 $0x1  }
0x5d: {  	_ =	swait.ge @!p0 [sflag:s0], s1  }
0x5e: {  	s1 =	ssub.s32 @!p0 $0x0, s1;
	[sflag:s0] =	ssyncset.done @!p0 $0x0  }
0x5f: {  	[sflag:s0] =	ssyncadd.s32 @!p0 s1  }
0x60: {  	[bflag:$0x3] =	sbarrier.arrive $0xFFFF  }
0x61: {  	_ =	shalt  }

</sc_bundles>
